<compile_context>
chip_gen: v7x
topology: tpu7x:2x2x1
jax: 0.10.2.dev20260603
libtpu: 0.0.44.dev20260713+nightly
codegen_flags: <defaults>
</compile_context>

<pallas_src>
import jax
import jax.numpy as jnp
from jax import lax
from jax.experimental import pallas as pl
from jax.experimental.pallas import tpu as pltpu
from jax.experimental.pallas import tpu_sc as plsc

_N = 10000
_NP = 10240
_D = 128
_CW = 8
_E = 320000
_NC = 2
_NS = 16
_NW = _NC * _NS
_CH = 80
_NCH = _E // _CH
_CPW = _NCH // _NW
_NIB = 4
_WB = 80
_RPS = _NP // _NS


def _sc_aggregate(x, src, dst, zrow, z8, ones8, with_cnt):
    mesh = plsc.VectorSubcoreMesh(core_axis_name="c", subcore_axis_name="s",
                                  num_cores=_NC, num_subcores=_NS)
    out_type = [jax.ShapeDtypeStruct((_NC, _NP, _D), jnp.float32)]
    scratch = [
        pltpu.VMEM((_NIB, 2, _CH), jnp.int32),
        pltpu.VMEM((3, _CH, _D), jnp.float32),
        pltpu.SemaphoreType.DMA((3,)),
        pltpu.SemaphoreType.DMA((_NIB,)),
        pltpu.SemaphoreType.DMA((3,)),
        pltpu.VMEM_SHARED((_NP, _D), jnp.float32),
    ]
    if with_cnt:
        out_type.append(jax.ShapeDtypeStruct((_NC, _NP, _CW), jnp.float32))
        scratch += [
            pltpu.VMEM((_CH, _CW), jnp.float32),
            pltpu.VMEM((_RPS, _CW), jnp.float32),
            pltpu.VMEM_SHARED((_NP, _CW), jnp.float32),
        ]

    def body(x_hbm, s_hbm, d_hbm, z_hbm, z8_hbm, o_hbm, *refs):
        if with_cnt:
            (agg_hbm, cnt_hbm, idx_v, rows_v, gsem, isem, ssem, agg_sh,
             ones_v, cbuf_v, cnt_sh) = refs
        else:
            agg_hbm, idx_v, rows_v, gsem, isem, ssem, agg_sh = refs
        cid = lax.axis_index("c")
        sid = lax.axis_index("s")
        wid = sid * _NC + cid
        r0 = sid * _RPS

        pltpu.sync_copy(z_hbm, rows_v.at[0, pl.ds(0, _WB)])

        def zstep(j, carry):
            pltpu.async_copy(rows_v.at[0, pl.ds(0, _WB)],
                             agg_sh.at[pl.ds(r0 + j * _WB, _WB)], ssem.at[0])
            return carry

        lax.fori_loop(0, _RPS // _WB, zstep, 0)

        if with_cnt:
            pltpu.sync_copy(o_hbm, ones_v)
            pltpu.sync_copy(z8_hbm, cbuf_v.at[pl.ds(0, _WB)])

            def zcnt(j, carry):
                pltpu.async_copy(cbuf_v.at[pl.ds(0, _WB)],
                                 cnt_sh.at[pl.ds(r0 + j * _WB, _WB)],
                                 ssem.at[1])
                return carry

            lax.fori_loop(0, _RPS // _WB, zcnt, 0)

        def start_idx(i, q):
            e0 = (wid * _CPW + i) * _CH
            pltpu.async_copy(s_hbm.at[pl.ds(e0, _CH)], idx_v.at[q, 0],
                             isem.at[q])
            pltpu.async_copy(d_hbm.at[pl.ds(e0, _CH)], idx_v.at[q, 1],
                             isem.at[q])

        def wait_idx(i, q):
            e0 = (wid * _CPW + i) * _CH
            pltpu.make_async_copy(s_hbm.at[pl.ds(e0, _CH)], idx_v.at[q, 0],
                                  isem.at[q]).wait()
            pltpu.make_async_copy(d_hbm.at[pl.ds(e0, _CH)], idx_v.at[q, 1],
                                  isem.at[q]).wait()

        def start_gather(q, p):
            pltpu.async_copy(x_hbm.at[idx_v.at[q, 0]], rows_v.at[p],
                             gsem.at[p])

        def wait_gather(q, p):
            pltpu.make_async_copy(x_hbm.at[idx_v.at[q, 0]], rows_v.at[p],
                                  gsem.at[p]).wait()

        for i in range(3):
            start_idx(i, i)

        def zdrain(j, carry):
            pltpu.make_async_copy(rows_v.at[0, pl.ds(0, _WB)],
                                  agg_sh.at[pl.ds(r0, _WB)], ssem.at[0]).wait()
            return carry

        lax.fori_loop(0, _RPS // _WB, zdrain, 0)
        if with_cnt:
            def zcnt_drain(j, carry):
                pltpu.make_async_copy(cbuf_v.at[pl.ds(0, _WB)],
                                      cnt_sh.at[pl.ds(r0, _WB)],
                                      ssem.at[1]).wait()
                return carry

            lax.fori_loop(0, _RPS // _WB, zcnt_drain, 0)
        plsc.subcore_barrier()

        for i in range(2):
            wait_idx(i, i)
            start_gather(i, i)

        def start_scatter(q, p):
            pltpu.async_copy(rows_v.at[p], agg_sh.at[idx_v.at[q, 1]],
                             ssem.at[p], add=True)

        def wait_scatter(q, p):
            pltpu.make_async_copy(rows_v.at[p], agg_sh.at[idx_v.at[q, 1]],
                                  ssem.at[p]).wait()

        def step(i, carry):
            p = lax.rem(i, 3)
            q = lax.rem(i, _NIB)
            wait_gather(q, p)
            start_scatter(q, p)
            if with_cnt:
                pltpu.sync_copy(ones_v, cnt_sh.at[idx_v.at[q, 1]], add=True)

            @pl.when(i >= 1)
            def _():
                wait_scatter(lax.rem(i - 1, _NIB), lax.rem(i + 2, 3))

            @pl.when(i + 3 < _CPW)
            def _():
                start_idx(i + 3, lax.rem(i + 3, _NIB))

            @pl.when(i + 2 < _CPW)
            def _():
                qq = lax.rem(i + 2, _NIB)
                wait_idx(i + 2, qq)
                start_gather(qq, lax.rem(i + 2, 3))

            return carry

        lax.fori_loop(0, _CPW, step, 0)
        wait_scatter((_CPW - 1) % _NIB, (_CPW - 1) % 3)
        plsc.subcore_barrier()

        def rd(j, p):
            pltpu.async_copy(agg_sh.at[pl.ds(r0 + j * _WB, _WB)],
                             rows_v.at[p, pl.ds(0, _WB)], gsem.at[p])

        def rd_wait(j, p):
            pltpu.make_async_copy(agg_sh.at[pl.ds(r0 + j * _WB, _WB)],
                                  rows_v.at[p, pl.ds(0, _WB)],
                                  gsem.at[p]).wait()

        def wr(j, p):
            pltpu.async_copy(rows_v.at[p, pl.ds(0, _WB)],
                             agg_hbm.at[cid, pl.ds(r0 + j * _WB, _WB)],
                             ssem.at[p])

        def wr_wait(j, p):
            pltpu.make_async_copy(rows_v.at[p, pl.ds(0, _WB)],
                                  agg_hbm.at[cid, pl.ds(r0 + j * _WB, _WB)],
                                  ssem.at[p]).wait()

        rd(0, 0)
        nw = _RPS // _WB

        def wstep(j, carry):
            p = lax.rem(j, 2)
            rd_wait(j, p)
            wr(j, p)

            @pl.when(j + 1 < nw)
            def _():
                p1 = lax.rem(j + 1, 2)

                @pl.when(j >= 1)
                def _():
                    wr_wait(j - 1, p1)

                rd(j + 1, p1)

            return carry

        lax.fori_loop(0, nw, wstep, 0)
        wr_wait(nw - 2, (nw - 2) % 2)
        wr_wait(nw - 1, (nw - 1) % 2)

        if with_cnt:
            pltpu.sync_copy(cnt_sh.at[pl.ds(r0, _RPS)], cbuf_v)
            pltpu.sync_copy(cbuf_v, cnt_hbm.at[cid, pl.ds(r0, _RPS)])

    f = pl.kernel(
        body,
        out_type=tuple(out_type) if with_cnt else out_type[0],
        mesh=mesh,
        compiler_params=pltpu.CompilerParams(use_tc_tiling_on_sc=False),
        scratch_types=tuple(scratch),
    )
    return f(x, src, dst, zrow, z8, ones8)


def _tc_right(x, wr, bl):
    bn = 2000

    def body(x_r, wr_r, bl_r, o_r):
        o_r[...] = lax.dot_general(
            x_r[...], wr_r[...], (((1,), (1,)), ((), ())),
            preferred_element_type=jnp.float32,
            precision=lax.Precision.HIGHEST) + bl_r[...]

    return pl.pallas_call(
        body,
        grid=(_N // bn,),
        in_specs=[
            pl.BlockSpec((bn, _D), lambda i: (i, 0)),
            pl.BlockSpec((_D, _D), lambda i: (0, 0)),
            pl.BlockSpec((1, _D), lambda i: (0, 0)),
        ],
        out_specs=pl.BlockSpec((bn, _D), lambda i: (i, 0)),
        out_shape=jax.ShapeDtypeStruct((_N, _D), jnp.float32),
    )(x, wr, bl)


def _tc_dense1(aggp, cntp, xr, wl):
    bn = 2000

    def body(a_r, c_r, xr_r, wl_r, o_r, co_r):
        agg = a_r[0] + a_r[1]
        cnt = c_r[0, :, :1] + c_r[1, :, :1]
        mean = agg / jnp.maximum(cnt, 1.0)
        h = lax.dot_general(mean, wl_r[...], (((1,), (1,)), ((), ())),
                            preferred_element_type=jnp.float32,
                            precision=lax.Precision.HIGHEST) + xr_r[...]
        nrm = jnp.sqrt(jnp.sum(h * h, axis=1, keepdims=True))
        o_r[...] = h / jnp.maximum(nrm, 1e-12)
        co_r[...] = jnp.broadcast_to(cnt, (bn, _CW))

    return pl.pallas_call(
        body,
        grid=(_N // bn,),
        in_specs=[
            pl.BlockSpec((2, bn, _D), lambda i: (0, i, 0)),
            pl.BlockSpec((2, bn, _CW), lambda i: (0, i, 0)),
            pl.BlockSpec((bn, _D), lambda i: (i, 0)),
            pl.BlockSpec((_D, _D), lambda i: (0, 0)),
        ],
        out_specs=[pl.BlockSpec((bn, _D), lambda i: (i, 0)),
                   pl.BlockSpec((bn, _CW), lambda i: (i, 0))],
        out_shape=[jax.ShapeDtypeStruct((_N, _D), jnp.float32),
                   jax.ShapeDtypeStruct((_N, _CW), jnp.float32)],
    )(aggp, cntp, xr, wl)


def _tc_dense2(aggp, cnt8, xr, wl):
    bn = 2000

    def body(a_r, c_r, xr_r, wl_r, o_r):
        agg = a_r[0] + a_r[1]
        cnt = c_r[:, :1]
        mean = agg / jnp.maximum(cnt, 1.0)
        h = lax.dot_general(mean, wl_r[...], (((1,), (1,)), ((), ())),
                            preferred_element_type=jnp.float32,
                            precision=lax.Precision.HIGHEST) + xr_r[...]
        nrm = jnp.sqrt(jnp.sum(h * h, axis=1, keepdims=True))
        o_r[...] = h / jnp.maximum(nrm, 1e-12)

    return pl.pallas_call(
        body,
        grid=(_N // bn,),
        in_specs=[
            pl.BlockSpec((2, bn, _D), lambda i: (0, i, 0)),
            pl.BlockSpec((bn, _CW), lambda i: (i, 0)),
            pl.BlockSpec((bn, _D), lambda i: (i, 0)),
            pl.BlockSpec((_D, _D), lambda i: (0, 0)),
        ],
        out_specs=pl.BlockSpec((bn, _D), lambda i: (i, 0)),
        out_shape=jax.ShapeDtypeStruct((_N, _D), jnp.float32),
    )(aggp, cnt8, xr, wl)


def kernel(embeddings, edge_index, Wl1, bl1, Wr1, Wl2, bl2, Wr2):
    src = edge_index[0]
    dst = edge_index[1]
    zrow = jnp.zeros((_WB, _D), jnp.float32)
    z8 = jnp.zeros((_WB, _CW), jnp.float32)
    ones8 = jnp.ones((_CH, _CW), jnp.float32)

    xr1 = _tc_right(embeddings, Wr1, jnp.reshape(bl1, (1, _D)))
    agg1, cnt1 = _sc_aggregate(embeddings, src, dst, zrow, z8, ones8,
                               with_cnt=True)
    h1, cnt8 = _tc_dense1(agg1, cnt1, xr1, Wl1)
    xr2 = _tc_right(h1, Wr2, jnp.reshape(bl2, (1, _D)))
    agg2 = _sc_aggregate(h1, src, dst, zrow, z8, ones8, with_cnt=False)
    return _tc_dense2(agg2, cnt8, xr2, Wl2)

# --- scband reference (transcript-rebuilt; emitter-appended) ---
"""Pipeline reference for scband-gnn-10831907520707 (READ-ONLY COPY).

The authoritative reference and input builder live on the scoring server;
editing this copy changes nothing except your own understanding.
"""

import jax, jax.numpy as jnp
import numpy as np

N = 10000
E = 320000
D = 128

def setup_inputs(seed: int = 0) -> dict:
    key = jax.random.key(seed)
    ks = jax.random.split(key, 10)
    embeddings = jax.random.normal(ks[0], (N, D), dtype=jnp.float32)
    edge_index = jax.random.randint(ks[1], (2, E), 0, N, dtype=jnp.int32)
    scale = 1.0 / np.sqrt(D)
    Wl1 = jax.random.normal(ks[2], (D, D), dtype=jnp.float32) * scale
    bl1 = jnp.zeros((D,), dtype=jnp.float32)
    Wr1 = jax.random.normal(ks[3], (D, D), dtype=jnp.float32) * scale
    Wl2 = jax.random.normal(ks[4], (D, D), dtype=jnp.float32) * scale
    bl2 = jnp.zeros((D,), dtype=jnp.float32)
    Wr2 = jax.random.normal(ks[5], (D, D), dtype=jnp.float32) * scale
    return {"embeddings": embeddings, "edge_index": edge_index,
            "Wl1": Wl1, "bl1": bl1, "Wr1": Wr1,
            "Wl2": Wl2, "bl2": bl2, "Wr2": Wr2}

def _sage_layer(x, src, dst, Wl, bl, Wr):
    # PyG SAGEConv with mean aggregation and normalize=True
    msgs = x[src]                                              # gather: [E, D]
    agg = jax.ops.segment_sum(msgs, dst, num_segments=N)       # scatter-add: [N, D]
    cnt = jax.ops.segment_sum(jnp.ones((src.shape[0],), dtype=x.dtype), dst, num_segments=N)
    mean = agg / jnp.maximum(cnt, 1.0)[:, None]
    out = mean @ Wl.T + bl + x @ Wr.T                          # lin_l(aggr) + lin_r(x)
    nrm = jnp.sqrt(jnp.sum(out * out, axis=-1, keepdims=True)) # F.normalize(out, p=2, dim=-1)
    return out / jnp.maximum(nrm, 1e-12)

def reference(embeddings, edge_index, Wl1, bl1, Wr1, Wl2, bl2, Wr2):
    src = edge_index[0]
    dst = edge_index[1]
    h = _sage_layer(embeddings, src, dst, Wl1, bl1, Wr1)
    h = _sage_layer(h, src, dst, Wl2, bl2, Wr2)
    return h

if __name__ == "__main__":
    import jax
    _d = setup_inputs()
    print(jax.jit(kernel)(*tuple(_d.values())))

</pallas_src>

<mosaic_0001>
#map = affine_map<(d0, d1) -> (0, 0)>
#map1 = affine_map<(d0, d1) -> (0)>
#map2 = affine_map<(d0, d1) -> (0, 0, 0)>
module attributes {stable_mosaic.version = 14 : i64} {
  func.func @body(%arg0: i32, %arg1: i32, %arg2: memref<10000x128xf32, #tpu.memory_space<hbm>>, %arg3: memref<320000xi32, #tpu.memory_space<hbm>>, %arg4: memref<320000xi32, #tpu.memory_space<hbm>>, %arg5: memref<80x128xf32, #tpu.memory_space<hbm>>, %arg6: memref<80x8xf32, #tpu.memory_space<hbm>>, %arg7: memref<80x8xf32, #tpu.memory_space<hbm>>, %arg8: memref<2x10240x128xf32, #tpu.memory_space<hbm>>, %arg9: memref<4x2x80xi32, #tpu.memory_space<vmem>>, %arg10: memref<3x80x128xf32, #tpu.memory_space<vmem>>, %arg11: memref<3x!tpu.dma_semaphore, #tpu.memory_space<semaphore_mem>>, %arg12: memref<4x!tpu.dma_semaphore, #tpu.memory_space<semaphore_mem>>, %arg13: memref<3x!tpu.dma_semaphore, #tpu.memory_space<semaphore_mem>>, %arg14: memref<10240x128xf32, #tpu.memory_space<vmem_shared>>) attributes {dimension_semantics = [#tpu.dimension_semantics<core_parallel>, #tpu.dimension_semantics<subcore_parallel>], iteration_bounds = array<i64: 2, 16>, scalar_prefetch = 0 : i64, scratch_operands = 6 : i64, tpu.core_type = #tpu.core_type<sc_vector_subcore>, window_params = [{transform_indices = #map}, {transform_indices = #map1}, {transform_indices = #map1}, {transform_indices = #map}, {transform_indices = #map}, {transform_indices = #map}, {transform_indices = #map2}]} {
    %mul3A = arith.constant 2 : i32
    %mul3A_0 = arith.muli %arg1, %mul3A : i32
    %add3A = arith.addi %mul3A_0, %arg0 : i32
    %mul3A_1 = arith.constant 640 : i32
    %mul3A_2 = arith.muli %arg1, %mul3A_1 : i32
    %run_scoped3A = arith.constant 0 : i32
    "tpu.region"() ({
      %run_scoped3A_291 = tpu.sem_alloc : memref<!tpu.dma_semaphore, #tpu.memory_space<semaphore_mem>>
      %dma_start3A_292 = arith.constant 0 : i32
      %dma_start3A_293 = arith.constant 0 : i32
      %dma_start3A_294 = tpu.memref_slice %arg10[%run_scoped3A, %dma_start3A_292, %dma_start3A_293] : memref<3x80x128xf32, #tpu.memory_space<vmem>> -> memref<1x80x128xf32, #tpu.memory_space<vmem>>
      %dma_start3A_295 = tpu.memref_squeeze %dma_start3A_294 : memref<1x80x128xf32, #tpu.memory_space<vmem>> -> memref<80x128xf32, #tpu.memory_space<vmem>>
      %dma_start3A_296 = arith.constant 0 : i32
      %dma_start3A_297 = arith.constant 0 : i32
      %dma_start3A_298 = tpu.memref_slice %arg10[%run_scoped3A, %dma_start3A_296, %dma_start3A_297] : memref<3x80x128xf32, #tpu.memory_space<vmem>> -> memref<1x80x128xf32, #tpu.memory_space<vmem>>
      %dma_start3A_299 = tpu.memref_squeeze %dma_start3A_298 : memref<1x80x128xf32, #tpu.memory_space<vmem>> -> memref<80x128xf32, #tpu.memory_space<vmem>>
      tpu.enqueue_dma source(%arg5 : memref<80x128xf32, #tpu.memory_space<hbm>>) target(%dma_start3A_299 : memref<80x128xf32, #tpu.memory_space<vmem>>) target_semaphore(%run_scoped3A_291 : memref<!tpu.dma_semaphore, #tpu.memory_space<semaphore_mem>>)
      %dma_wait3A_300 = arith.constant 0 : i32
      %dma_wait3A_301 = arith.constant 0 : i32
      %dma_wait3A_302 = tpu.memref_slice %arg10[%run_scoped3A, %dma_wait3A_300, %dma_wait3A_301] : memref<3x80x128xf32, #tpu.memory_space<vmem>> -> memref<1x80x128xf32, #tpu.memory_space<vmem>>
      %dma_wait3A_303 = tpu.memref_squeeze %dma_wait3A_302 : memref<1x80x128xf32, #tpu.memory_space<vmem>> -> memref<80x128xf32, #tpu.memory_space<vmem>>
      %dma_wait3A_304 = arith.constant 0 : i32
      %dma_wait3A_305 = arith.constant 0 : i32
      %dma_wait3A_306 = tpu.memref_slice %arg10[%run_scoped3A, %dma_wait3A_304, %dma_wait3A_305] : memref<3x80x128xf32, #tpu.memory_space<vmem>> -> memref<1x80x128xf32, #tpu.memory_space<vmem>>
      %dma_wait3A_307 = tpu.memref_squeeze %dma_wait3A_306 : memref<1x80x128xf32, #tpu.memory_space<vmem>> -> memref<80x128xf32, #tpu.memory_space<vmem>>
      tpu.wait_dma2 semaphore(%run_scoped3A_291 : memref<!tpu.dma_semaphore, #tpu.memory_space<semaphore_mem>>) src(%arg5 : memref<80x128xf32, #tpu.memory_space<hbm>>) dst(%dma_wait3A_307 : memref<80x128xf32, #tpu.memory_space<vmem>>)
      tpu.yield
    }) : () -> ()
    %scan3A = arith.constant 0 : i32
    %scan3A_3 = arith.constant 0 : i32
    %scan3A_4 = arith.constant 8 : i32
    %scan3A_5 = arith.addi %scan3A_3, %scan3A_4 : i32
    %scan3A_6 = arith.constant 1 : i32
    scf.for %scan3A_291 = %scan3A_3 to %scan3A_5 step %scan3A_6  : i32 {
      %mul3A_292 = arith.constant 80 : i32
      %mul3A_293 = arith.muli %scan3A_291, %mul3A_292 : i32
      %add3A_294 = arith.addi %mul3A_2, %mul3A_293 : i32
      %dma_start3A_295 = arith.constant 0 : i32
      %dma_start3A_296 = arith.constant 0 : i32
      %dma_start3A_297 = arith.constant 0 : i32
      %dma_start3A_298 = arith.constant 0 : i32
      %dma_start3A_299 = tpu.memref_slice %arg10[%dma_start3A_295, %dma_start3A_297, %dma_start3A_298] : memref<3x80x128xf32, #tpu.memory_space<vmem>> -> memref<1x80x128xf32, #tpu.memory_space<vmem>>
      %dma_start3A_300 = tpu.memref_squeeze %dma_start3A_299 : memref<1x80x128xf32, #tpu.memory_space<vmem>> -> memref<80x128xf32, #tpu.memory_space<vmem>>
      %dma_start3A_301 = arith.constant 0 : i32
      %dma_start3A_302 = tpu.memref_slice %arg14[%add3A_294, %dma_start3A_301] : memref<10240x128xf32, #tpu.memory_space<vmem_shared>> -> memref<80x128xf32, #tpu.memory_space<vmem_shared>>
      %dma_start3A_303 = tpu.memref_slice %arg13[%dma_start3A_296] : memref<3x!tpu.dma_semaphore, #tpu.memory_space<semaphore_mem>> -> memref<1x!tpu.dma_semaphore, #tpu.memory_space<semaphore_mem>>
      %dma_start3A_304 = tpu.memref_squeeze %dma_start3A_303 : memref<1x!tpu.dma_semaphore, #tpu.memory_space<semaphore_mem>> -> memref<!tpu.dma_semaphore, #tpu.memory_space<semaphore_mem>>
      %dma_start3A_305 = arith.constant 0 : i32
      %dma_start3A_306 = tpu.memref_slice %arg14[%add3A_294, %dma_start3A_305] : memref<10240x128xf32, #tpu.memory_space<vmem_shared>> -> memref<80x128xf32, #tpu.memory_space<vmem_shared>>
      %dma_start3A_307 = arith.constant 0 : i32
      %dma_start3A_308 = arith.constant 0 : i32
      %dma_start3A_309 = tpu.memref_slice %arg10[%dma_start3A_295, %dma_start3A_307, %dma_start3A_308] : memref<3x80x128xf32, #tpu.memory_space<vmem>> -> memref<1x80x128xf32, #tpu.memory_space<vmem>>
      %dma_start3A_310 = tpu.memref_squeeze %dma_start3A_309 : memref<1x80x128xf32, #tpu.memory_space<vmem>> -> memref<80x128xf32, #tpu.memory_space<vmem>>
      tpu.enqueue_dma source(%dma_start3A_310 : memref<80x128xf32, #tpu.memory_space<vmem>>) target(%dma_start3A_306 : memref<80x128xf32, #tpu.memory_space<vmem_shared>>) target_semaphore(%dma_start3A_304 : memref<!tpu.dma_semaphore, #tpu.memory_space<semaphore_mem>>)
    }
    %scan3A_7 = arith.constant 8 : i32
    %mul3A_8 = arith.constant 125 : i32
    %mul3A_9 = arith.muli %add3A, %mul3A_8 : i32
    %add3A_10 = arith.constant 0 : i32
    %add3A_11 = arith.addi %mul3A_9, %add3A_10 : i32
    %mul3A_12 = arith.constant 80 : i32
    %mul3A_13 = arith.muli %add3A_11, %mul3A_12 : i32
    %dma_start3A = arith.constant 0 : i32
    %dma_start3A_14 = arith.constant 0 : i32
    %dma_start3A_15 = arith.constant 0 : i32
    %dma_start3A_16 = arith.constant 0 : i32
    %dma_start3A_17 = tpu.memref_slice %arg9[%dma_start3A, %dma_start3A_14, %dma_start3A_16] : memref<4x2x80xi32, #tpu.memory_space<vmem>> -> memref<1x1x80xi32, #tpu.memory_space<vmem>>
    %dma_start3A_18 = tpu.memref_squeeze %dma_start3A_17 : memref<1x1x80xi32, #tpu.memory_space<vmem>> -> memref<80xi32, #tpu.memory_space<vmem>>
    %dma_start3A_19 = tpu.memref_slice %arg3[%mul3A_13] : memref<320000xi32, #tpu.memory_space<hbm>> -> memref<80xi32, #tpu.memory_space<hbm>>
    %dma_start3A_20 = tpu.memref_slice %arg12[%dma_start3A_15] : memref<4x!tpu.dma_semaphore, #tpu.memory_space<semaphore_mem>> -> memref<1x!tpu.dma_semaphore, #tpu.memory_space<semaphore_mem>>
    %dma_start3A_21 = tpu.memref_squeeze %dma_start3A_20 : memref<1x!tpu.dma_semaphore, #tpu.memory_space<semaphore_mem>> -> memref<!tpu.dma_semaphore, #tpu.memory_space<semaphore_mem>>
    %dma_start3A_22 = arith.constant 0 : i32
    %dma_start3A_23 = tpu.memref_slice %arg9[%dma_start3A, %dma_start3A_14, %dma_start3A_22] : memref<4x2x80xi32, #tpu.memory_space<vmem>> -> memref<1x1x80xi32, #tpu.memory_space<vmem>>
    %dma_start3A_24 = tpu.memref_squeeze %dma_start3A_23 : memref<1x1x80xi32, #tpu.memory_space<vmem>> -> memref<80xi32, #tpu.memory_space<vmem>>
    %dma_start3A_25 = tpu.memref_slice %arg3[%mul3A_13] : memref<320000xi32, #tpu.memory_space<hbm>> -> memref<80xi32, #tpu.memory_space<hbm>>
    tpu.enqueue_dma source(%dma_start3A_25 : memref<80xi32, #tpu.memory_space<hbm>>) target(%dma_start3A_24 : memref<80xi32, #tpu.memory_space<vmem>>) target_semaphore(%dma_start3A_21 : memref<!tpu.dma_semaphore, #tpu.memory_space<semaphore_mem>>)
    %dma_start3A_26 = arith.constant 0 : i32
    %dma_start3A_27 = arith.constant 1 : i32
    %dma_start3A_28 = arith.constant 0 : i32
    %dma_start3A_29 = arith.constant 0 : i32
    %dma_start3A_30 = tpu.memref_slice %arg9[%dma_start3A_26, %dma_start3A_27, %dma_start3A_29] : memref<4x2x80xi32, #tpu.memory_space<vmem>> -> memref<1x1x80xi32, #tpu.memory_space<vmem>>
    %dma_start3A_31 = tpu.memref_squeeze %dma_start3A_30 : memref<1x1x80xi32, #tpu.memory_space<vmem>> -> memref<80xi32, #tpu.memory_space<vmem>>
    %dma_start3A_32 = tpu.memref_slice %arg4[%mul3A_13] : memref<320000xi32, #tpu.memory_space<hbm>> -> memref<80xi32, #tpu.memory_space<hbm>>
    %dma_start3A_33 = tpu.memref_slice %arg12[%dma_start3A_28] : memref<4x!tpu.dma_semaphore, #tpu.memory_space<semaphore_mem>> -> memref<1x!tpu.dma_semaphore, #tpu.memory_space<semaphore_mem>>
    %dma_start3A_34 = tpu.memref_squeeze %dma_start3A_33 : memref<1x!tpu.dma_semaphore, #tpu.memory_space<semaphore_mem>> -> memref<!tpu.dma_semaphore, #tpu.memory_space<semaphore_mem>>
    %dma_start3A_35 = arith.constant 0 : i32
    %dma_start3A_36 = tpu.memref_slice %arg9[%dma_start3A_26, %dma_start3A_27, %dma_start3A_35] : memref<4x2x80xi32, #tpu.memory_space<vmem>> -> memref<1x1x80xi32, #tpu.memory_space<vmem>>
    %dma_start3A_37 = tpu.memref_squeeze %dma_start3A_36 : memref<1x1x80xi32, #tpu.memory_space<vmem>> -> memref<80xi32, #tpu.memory_space<vmem>>
    %dma_start3A_38 = tpu.memref_slice %arg4[%mul3A_13] : memref<320000xi32, #tpu.memory_space<hbm>> -> memref<80xi32, #tpu.memory_space<hbm>>
    tpu.enqueue_dma source(%dma_start3A_38 : memref<80xi32, #tpu.memory_space<hbm>>) target(%dma_start3A_37 : memref<80xi32, #tpu.memory_space<vmem>>) target_semaphore(%dma_start3A_34 : memref<!tpu.dma_semaphore, #tpu.memory_space<semaphore_mem>>)
    %mul3A_39 = arith.constant 125 : i32
    %mul3A_40 = arith.muli %add3A, %mul3A_39 : i32
    %add3A_41 = arith.constant 1 : i32
    %add3A_42 = arith.addi %mul3A_40, %add3A_41 : i32
    %mul3A_43 = arith.constant 80 : i32
    %mul3A_44 = arith.muli %add3A_42, %mul3A_43 : i32
    %dma_start3A_45 = arith.constant 1 : i32
    %dma_start3A_46 = arith.constant 0 : i32
    %dma_start3A_47 = arith.constant 1 : i32
    %dma_start3A_48 = arith.constant 0 : i32
    %dma_start3A_49 = tpu.memref_slice %arg9[%dma_start3A_45, %dma_start3A_46, %dma_start3A_48] : memref<4x2x80xi32, #tpu.memory_space<vmem>> -> memref<1x1x80xi32, #tpu.memory_space<vmem>>
    %dma_start3A_50 = tpu.memref_squeeze %dma_start3A_49 : memref<1x1x80xi32, #tpu.memory_space<vmem>> -> memref<80xi32, #tpu.memory_space<vmem>>
    %dma_start3A_51 = tpu.memref_slice %arg3[%mul3A_44] : memref<320000xi32, #tpu.memory_space<hbm>> -> memref<80xi32, #tpu.memory_space<hbm>>
    %dma_start3A_52 = tpu.memref_slice %arg12[%dma_start3A_47] : memref<4x!tpu.dma_semaphore, #tpu.memory_space<semaphore_mem>> -> memref<1x!tpu.dma_semaphore, #tpu.memory_space<semaphore_mem>>
    %dma_start3A_53 = tpu.memref_squeeze %dma_start3A_52 : memref<1x!tpu.dma_semaphore, #tpu.memory_space<semaphore_mem>> -> memref<!tpu.dma_semaphore, #tpu.memory_space<semaphore_mem>>
    %dma_start3A_54 = arith.constant 0 : i32
    %dma_start3A_55 = tpu.memref_slice %arg9[%dma_start3A_45, %dma_start3A_46, %dma_start3A_54] : memref<4x2x80xi32, #tpu.memory_space<vmem>> -> memref<1x1x80xi32, #tpu.memory_space<vmem>>
    %dma_start3A_56 = tpu.memref_squeeze %dma_start3A_55 : memref<1x1x80xi32, #tpu.memory_space<vmem>> -> memref<80xi32, #tpu.memory_space<vmem>>
    %dma_start3A_57 = tpu.memref_slice %arg3[%mul3A_44] : memref<320000xi32, #tpu.memory_space<hbm>> -> memref<80xi32, #tpu.memory_space<hbm>>
    tpu.enqueue_dma source(%dma_start3A_57 : memref<80xi32, #tpu.memory_space<hbm>>) target(%dma_start3A_56 : memref<80xi32, #tpu.memory_space<vmem>>) target_semaphore(%dma_start3A_53 : memref<!tpu.dma_semaphore, #tpu.memory_space<semaphore_mem>>)
    %dma_start3A_58 = arith.constant 1 : i32
    %dma_start3A_59 = arith.constant 1 : i32
    %dma_start3A_60 = arith.constant 1 : i32
    %dma_start3A_61 = arith.constant 0 : i32
    %dma_start3A_62 = tpu.memref_slice %arg9[%dma_start3A_58, %dma_start3A_59, %dma_start3A_61] : memref<4x2x80xi32, #tpu.memory_space<vmem>> -> memref<1x1x80xi32, #tpu.memory_space<vmem>>
    %dma_start3A_63 = tpu.memref_squeeze %dma_start3A_62 : memref<1x1x80xi32, #tpu.memory_space<vmem>> -> memref<80xi32, #tpu.memory_space<vmem>>
    %dma_start3A_64 = tpu.memref_slice %arg4[%mul3A_44] : memref<320000xi32, #tpu.memory_space<hbm>> -> memref<80xi32, #tpu.memory_space<hbm>>
    %dma_start3A_65 = tpu.memref_slice %arg12[%dma_start3A_60] : memref<4x!tpu.dma_semaphore, #tpu.memory_space<semaphore_mem>> -> memref<1x!tpu.dma_semaphore, #tpu.memory_space<semaphore_mem>>
    %dma_start3A_66 = tpu.memref_squeeze %dma_start3A_65 : memref<1x!tpu.dma_semaphore, #tpu.memory_space<semaphore_mem>> -> memref<!tpu.dma_semaphore, #tpu.memory_space<semaphore_mem>>
    %dma_start3A_67 = arith.constant 0 : i32
    %dma_start3A_68 = tpu.memref_slice %arg9[%dma_start3A_58, %dma_start3A_59, %dma_start3A_67] : memref<4x2x80xi32, #tpu.memory_space<vmem>> -> memref<1x1x80xi32, #tpu.memory_space<vmem>>
    %dma_start3A_69 = tpu.memref_squeeze %dma_start3A_68 : memref<1x1x80xi32, #tpu.memory_space<vmem>> -> memref<80xi32, #tpu.memory_space<vmem>>
    %dma_start3A_70 = tpu.memref_slice %arg4[%mul3A_44] : memref<320000xi32, #tpu.memory_space<hbm>> -> memref<80xi32, #tpu.memory_space<hbm>>
    tpu.enqueue_dma source(%dma_start3A_70 : memref<80xi32, #tpu.memory_space<hbm>>) target(%dma_start3A_69 : memref<80xi32, #tpu.memory_space<vmem>>) target_semaphore(%dma_start3A_66 : memref<!tpu.dma_semaphore, #tpu.memory_space<semaphore_mem>>)
    %mul3A_71 = arith.constant 125 : i32
    %mul3A_72 = arith.muli %add3A, %mul3A_71 : i32
    %add3A_73 = arith.constant 2 : i32
    %add3A_74 = arith.addi %mul3A_72, %add3A_73 : i32
    %mul3A_75 = arith.constant 80 : i32
    %mul3A_76 = arith.muli %add3A_74, %mul3A_75 : i32
    %dma_start3A_77 = arith.constant 2 : i32
    %dma_start3A_78 = arith.constant 0 : i32
    %dma_start3A_79 = arith.constant 2 : i32
    %dma_start3A_80 = arith.constant 0 : i32
    %dma_start3A_81 = tpu.memref_slice %arg9[%dma_start3A_77, %dma_start3A_78, %dma_start3A_80] : memref<4x2x80xi32, #tpu.memory_space<vmem>> -> memref<1x1x80xi32, #tpu.memory_space<vmem>>
    %dma_start3A_82 = tpu.memref_squeeze %dma_start3A_81 : memref<1x1x80xi32, #tpu.memory_space<vmem>> -> memref<80xi32, #tpu.memory_space<vmem>>
    %dma_start3A_83 = tpu.memref_slice %arg3[%mul3A_76] : memref<320000xi32, #tpu.memory_space<hbm>> -> memref<80xi32, #tpu.memory_space<hbm>>
    %dma_start3A_84 = tpu.memref_slice %arg12[%dma_start3A_79] : memref<4x!tpu.dma_semaphore, #tpu.memory_space<semaphore_mem>> -> memref<1x!tpu.dma_semaphore, #tpu.memory_space<semaphore_mem>>
    %dma_start3A_85 = tpu.memref_squeeze %dma_start3A_84 : memref<1x!tpu.dma_semaphore, #tpu.memory_space<semaphore_mem>> -> memref<!tpu.dma_semaphore, #tpu.memory_space<semaphore_mem>>
    %dma_start3A_86 = arith.constant 0 : i32
    %dma_start3A_87 = tpu.memref_slice %arg9[%dma_start3A_77, %dma_start3A_78, %dma_start3A_86] : memref<4x2x80xi32, #tpu.memory_space<vmem>> -> memref<1x1x80xi32, #tpu.memory_space<vmem>>
    %dma_start3A_88 = tpu.memref_squeeze %dma_start3A_87 : memref<1x1x80xi32, #tpu.memory_space<vmem>> -> memref<80xi32, #tpu.memory_space<vmem>>
    %dma_start3A_89 = tpu.memref_slice %arg3[%mul3A_76] : memref<320000xi32, #tpu.memory_space<hbm>> -> memref<80xi32, #tpu.memory_space<hbm>>
    tpu.enqueue_dma source(%dma_start3A_89 : memref<80xi32, #tpu.memory_space<hbm>>) target(%dma_start3A_88 : memref<80xi32, #tpu.memory_space<vmem>>) target_semaphore(%dma_start3A_85 : memref<!tpu.dma_semaphore, #tpu.memory_space<semaphore_mem>>)
    %dma_start3A_90 = arith.constant 2 : i32
    %dma_start3A_91 = arith.constant 1 : i32
    %dma_start3A_92 = arith.constant 2 : i32
    %dma_start3A_93 = arith.constant 0 : i32
    %dma_start3A_94 = tpu.memref_slice %arg9[%dma_start3A_90, %dma_start3A_91, %dma_start3A_93] : memref<4x2x80xi32, #tpu.memory_space<vmem>> -> memref<1x1x80xi32, #tpu.memory_space<vmem>>
    %dma_start3A_95 = tpu.memref_squeeze %dma_start3A_94 : memref<1x1x80xi32, #tpu.memory_space<vmem>> -> memref<80xi32, #tpu.memory_space<vmem>>
    %dma_start3A_96 = tpu.memref_slice %arg4[%mul3A_76] : memref<320000xi32, #tpu.memory_space<hbm>> -> memref<80xi32, #tpu.memory_space<hbm>>
    %dma_start3A_97 = tpu.memref_slice %arg12[%dma_start3A_92] : memref<4x!tpu.dma_semaphore, #tpu.memory_space<semaphore_mem>> -> memref<1x!tpu.dma_semaphore, #tpu.memory_space<semaphore_mem>>
    %dma_start3A_98 = tpu.memref_squeeze %dma_start3A_97 : memref<1x!tpu.dma_semaphore, #tpu.memory_space<semaphore_mem>> -> memref<!tpu.dma_semaphore, #tpu.memory_space<semaphore_mem>>
    %dma_start3A_99 = arith.constant 0 : i32
    %dma_start3A_100 = tpu.memref_slice %arg9[%dma_start3A_90, %dma_start3A_91, %dma_start3A_99] : memref<4x2x80xi32, #tpu.memory_space<vmem>> -> memref<1x1x80xi32, #tpu.memory_space<vmem>>
    %dma_start3A_101 = tpu.memref_squeeze %dma_start3A_100 : memref<1x1x80xi32, #tpu.memory_space<vmem>> -> memref<80xi32, #tpu.memory_space<vmem>>
    %dma_start3A_102 = tpu.memref_slice %arg4[%mul3A_76] : memref<320000xi32, #tpu.memory_space<hbm>> -> memref<80xi32, #tpu.memory_space<hbm>>
    tpu.enqueue_dma source(%dma_start3A_102 : memref<80xi32, #tpu.memory_space<hbm>>) target(%dma_start3A_101 : memref<80xi32, #tpu.memory_space<vmem>>) target_semaphore(%dma_start3A_98 : memref<!tpu.dma_semaphore, #tpu.memory_space<semaphore_mem>>)
    %scan3A_103 = arith.constant 0 : i32
    %scan3A_104 = arith.constant 0 : i32
    %scan3A_105 = arith.constant 8 : i32
    %scan3A_106 = arith.addi %scan3A_104, %scan3A_105 : i32
    %scan3A_107 = arith.constant 1 : i32
    scf.for %scan3A_291 = %scan3A_104 to %scan3A_106 step %scan3A_107  : i32 {
      %dma_wait3A_292 = arith.constant 0 : i32
      %dma_wait3A_293 = arith.constant 0 : i32
      %dma_wait3A_294 = arith.constant 0 : i32
      %dma_wait3A_295 = arith.constant 0 : i32
      %dma_wait3A_296 = tpu.memref_slice %arg10[%dma_wait3A_292, %dma_wait3A_294, %dma_wait3A_295] : memref<3x80x128xf32, #tpu.memory_space<vmem>> -> memref<1x80x128xf32, #tpu.memory_space<vmem>>
      %dma_wait3A_297 = tpu.memref_squeeze %dma_wait3A_296 : memref<1x80x128xf32, #tpu.memory_space<vmem>> -> memref<80x128xf32, #tpu.memory_space<vmem>>
      %dma_wait3A_298 = arith.constant 0 : i32
      %dma_wait3A_299 = tpu.memref_slice %arg14[%mul3A_2, %dma_wait3A_298] : memref<10240x128xf32, #tpu.memory_space<vmem_shared>> -> memref<80x128xf32, #tpu.memory_space<vmem_shared>>
      %dma_wait3A_300 = tpu.memref_slice %arg13[%dma_wait3A_293] : memref<3x!tpu.dma_semaphore, #tpu.memory_space<semaphore_mem>> -> memref<1x!tpu.dma_semaphore, #tpu.memory_space<semaphore_mem>>
      %dma_wait3A_301 = tpu.memref_squeeze %dma_wait3A_300 : memref<1x!tpu.dma_semaphore, #tpu.memory_space<semaphore_mem>> -> memref<!tpu.dma_semaphore, #tpu.memory_space<semaphore_mem>>
      %dma_wait3A_302 = arith.constant 0 : i32
      %dma_wait3A_303 = tpu.memref_slice %arg14[%mul3A_2, %dma_wait3A_302] : memref<10240x128xf32, #tpu.memory_space<vmem_shared>> -> memref<80x128xf32, #tpu.memory_space<vmem_shared>>
      %dma_wait3A_304 = arith.constant 0 : i32
      %dma_wait3A_305 = arith.constant 0 : i32
      %dma_wait3A_306 = tpu.memref_slice %arg10[%dma_wait3A_292, %dma_wait3A_304, %dma_wait3A_305] : memref<3x80x128xf32, #tpu.memory_space<vmem>> -> memref<1x80x128xf32, #tpu.memory_space<vmem>>
      %dma_wait3A_307 = tpu.memref_squeeze %dma_wait3A_306 : memref<1x80x128xf32, #tpu.memory_space<vmem>> -> memref<80x128xf32, #tpu.memory_space<vmem>>
      tpu.wait_dma2 semaphore(%dma_wait3A_301 : memref<!tpu.dma_semaphore, #tpu.memory_space<semaphore_mem>>) src(%dma_wait3A_307 : memref<80x128xf32, #tpu.memory_space<vmem>>) dst(%dma_wait3A_303 : memref<80x128xf32, #tpu.memory_space<vmem_shared>>)
    }
    %scan3A_108 = arith.constant 8 : i32
    %barrier3A = arith.constant 0 : index
    tpu.barrier barrier_id(%barrier3A)
    %mul3A_109 = arith.constant 125 : i32
    %mul3A_110 = arith.muli %add3A, %mul3A_109 : i32
    %add3A_111 = arith.constant 0 : i32
    %add3A_112 = arith.addi %mul3A_110, %add3A_111 : i32
    %mul3A_113 = arith.constant 80 : i32
    %mul3A_114 = arith.muli %add3A_112, %mul3A_113 : i32
    %dma_wait3A = arith.constant 0 : i32
    %dma_wait3A_115 = arith.constant 0 : i32
    %dma_wait3A_116 = arith.constant 0 : i32
    %dma_wait3A_117 = arith.constant 0 : i32
    %dma_wait3A_118 = tpu.memref_slice %arg9[%dma_wait3A, %dma_wait3A_115, %dma_wait3A_117] : memref<4x2x80xi32, #tpu.memory_space<vmem>> -> memref<1x1x80xi32, #tpu.memory_space<vmem>>
    %dma_wait3A_119 = tpu.memref_squeeze %dma_wait3A_118 : memref<1x1x80xi32, #tpu.memory_space<vmem>> -> memref<80xi32, #tpu.memory_space<vmem>>
    %dma_wait3A_120 = tpu.memref_slice %arg3[%mul3A_114] : memref<320000xi32, #tpu.memory_space<hbm>> -> memref<80xi32, #tpu.memory_space<hbm>>
    %dma_wait3A_121 = tpu.memref_slice %arg12[%dma_wait3A_116] : memref<4x!tpu.dma_semaphore, #tpu.memory_space<semaphore_mem>> -> memref<1x!tpu.dma_semaphore, #tpu.memory_space<semaphore_mem>>
    %dma_wait3A_122 = tpu.memref_squeeze %dma_wait3A_121 : memref<1x!tpu.dma_semaphore, #tpu.memory_space<semaphore_mem>> -> memref<!tpu.dma_semaphore, #tpu.memory_space<semaphore_mem>>
    %dma_wait3A_123 = arith.constant 0 : i32
    %dma_wait3A_124 = tpu.memref_slice %arg9[%dma_wait3A, %dma_wait3A_115, %dma_wait3A_123] : memref<4x2x80xi32, #tpu.memory_space<vmem>> -> memref<1x1x80xi32, #tpu.memory_space<vmem>>
    %dma_wait3A_125 = tpu.memref_squeeze %dma_wait3A_124 : memref<1x1x80xi32, #tpu.memory_space<vmem>> -> memref<80xi32, #tpu.memory_space<vmem>>
    %dma_wait3A_126 = tpu.memref_slice %arg3[%mul3A_114] : memref<320000xi32, #tpu.memory_space<hbm>> -> memref<80xi32, #tpu.memory_space<hbm>>
    tpu.wait_dma2 semaphore(%dma_wait3A_122 : memref<!tpu.dma_semaphore, #tpu.memory_space<semaphore_mem>>) src(%dma_wait3A_126 : memref<80xi32, #tpu.memory_space<hbm>>) dst(%dma_wait3A_125 : memref<80xi32, #tpu.memory_space<vmem>>)
    %dma_wait3A_127 = arith.constant 0 : i32
    %dma_wait3A_128 = arith.constant 1 : i32
    %dma_wait3A_129 = arith.constant 0 : i32
    %dma_wait3A_130 = arith.constant 0 : i32
    %dma_wait3A_131 = tpu.memref_slice %arg9[%dma_wait3A_127, %dma_wait3A_128, %dma_wait3A_130] : memref<4x2x80xi32, #tpu.memory_space<vmem>> -> memref<1x1x80xi32, #tpu.memory_space<vmem>>
    %dma_wait3A_132 = tpu.memref_squeeze %dma_wait3A_131 : memref<1x1x80xi32, #tpu.memory_space<vmem>> -> memref<80xi32, #tpu.memory_space<vmem>>
    %dma_wait3A_133 = tpu.memref_slice %arg4[%mul3A_114] : memref<320000xi32, #tpu.memory_space<hbm>> -> memref<80xi32, #tpu.memory_space<hbm>>
    %dma_wait3A_134 = tpu.memref_slice %arg12[%dma_wait3A_129] : memref<4x!tpu.dma_semaphore, #tpu.memory_space<semaphore_mem>> -> memref<1x!tpu.dma_semaphore, #tpu.memory_space<semaphore_mem>>
    %dma_wait3A_135 = tpu.memref_squeeze %dma_wait3A_134 : memref<1x!tpu.dma_semaphore, #tpu.memory_space<semaphore_mem>> -> memref<!tpu.dma_semaphore, #tpu.memory_space<semaphore_mem>>
    %dma_wait3A_136 = arith.constant 0 : i32
    %dma_wait3A_137 = tpu.memref_slice %arg9[%dma_wait3A_127, %dma_wait3A_128, %dma_wait3A_136] : memref<4x2x80xi32, #tpu.memory_space<vmem>> -> memref<1x1x80xi32, #tpu.memory_space<vmem>>
    %dma_wait3A_138 = tpu.memref_squeeze %dma_wait3A_137 : memref<1x1x80xi32, #tpu.memory_space<vmem>> -> memref<80xi32, #tpu.memory_space<vmem>>
    %dma_wait3A_139 = tpu.memref_slice %arg4[%mul3A_114] : memref<320000xi32, #tpu.memory_space<hbm>> -> memref<80xi32, #tpu.memory_space<hbm>>
    tpu.wait_dma2 semaphore(%dma_wait3A_135 : memref<!tpu.dma_semaphore, #tpu.memory_space<semaphore_mem>>) src(%dma_wait3A_139 : memref<80xi32, #tpu.memory_space<hbm>>) dst(%dma_wait3A_138 : memref<80xi32, #tpu.memory_space<vmem>>)
    %dma_start3A_140 = arith.constant 0 : i32
    %dma_start3A_141 = arith.constant 0 : i32
    %dma_start3A_142 = arith.constant 0 : i32
    %dma_start3A_143 = arith.constant 0 : i32
    %dma_start3A_144 = arith.constant 0 : i32
    %dma_start3A_145 = arith.constant 0 : i32
    %dma_start3A_146 = tpu.memref_slice %arg10[%dma_start3A_142, %dma_start3A_144, %dma_start3A_145] : memref<3x80x128xf32, #tpu.memory_space<vmem>> -> memref<1x80x128xf32, #tpu.memory_space<vmem>>
    %dma_start3A_147 = tpu.memref_squeeze %dma_start3A_146 : memref<1x80x128xf32, #tpu.memory_space<vmem>> -> memref<80x128xf32, #tpu.memory_space<vmem>>
    %dma_start3A_148 = arith.constant 0 : i32
    %dma_start3A_149 = tpu.memref_slice %arg9[%dma_start3A_140, %dma_start3A_141, %dma_start3A_148] : memref<4x2x80xi32, #tpu.memory_space<vmem>> -> memref<1x1x80xi32, #tpu.memory_space<vmem>>
    %dma_start3A_150 = tpu.memref_squeeze %dma_start3A_149 : memref<1x1x80xi32, #tpu.memory_space<vmem>> -> memref<80xi32, #tpu.memory_space<vmem>>
    %dma_start3A_151 = arith.constant 0 : i32
    %dma_start3A_152 = arith.constant 0 : i32
    %dma_start3A_153 = tpu.memref_slice %arg2[%dma_start3A_151, %dma_start3A_152] : memref<10000x128xf32, #tpu.memory_space<hbm>> -> memref<10000x128xf32, #tpu.memory_space<hbm>>
    %dma_start3A_154 = tpu.memref_slice %arg11[%dma_start3A_143] : memref<3x!tpu.dma_semaphore, #tpu.memory_space<semaphore_mem>> -> memref<1x!tpu.dma_semaphore, #tpu.memory_space<semaphore_mem>>
    %dma_start3A_155 = tpu.memref_squeeze %dma_start3A_154 : memref<1x!tpu.dma_semaphore, #tpu.memory_space<semaphore_mem>> -> memref<!tpu.dma_semaphore, #tpu.memory_space<semaphore_mem>>
    tpu.enqueue_indirect_dma source(%dma_start3A_153 : memref<10000x128xf32, #tpu.memory_space<hbm>>) target(%dma_start3A_147 : memref<80x128xf32, #tpu.memory_space<vmem>>) offsets(%dma_start3A_150 : memref<80xi32, #tpu.memory_space<vmem>>) semaphore(%dma_start3A_155 : memref<!tpu.dma_semaphore, #tpu.memory_space<semaphore_mem>>)
    %mul3A_156 = arith.constant 125 : i32
    %mul3A_157 = arith.muli %add3A, %mul3A_156 : i32
    %add3A_158 = arith.constant 1 : i32
    %add3A_159 = arith.addi %mul3A_157, %add3A_158 : i32
    %mul3A_160 = arith.constant 80 : i32
    %mul3A_161 = arith.muli %add3A_159, %mul3A_160 : i32
    %dma_wait3A_162 = arith.constant 1 : i32
    %dma_wait3A_163 = arith.constant 0 : i32
    %dma_wait3A_164 = arith.constant 1 : i32
    %dma_wait3A_165 = arith.constant 0 : i32
    %dma_wait3A_166 = tpu.memref_slice %arg9[%dma_wait3A_162, %dma_wait3A_163, %dma_wait3A_165] : memref<4x2x80xi32, #tpu.memory_space<vmem>> -> memref<1x1x80xi32, #tpu.memory_space<vmem>>
    %dma_wait3A_167 = tpu.memref_squeeze %dma_wait3A_166 : memref<1x1x80xi32, #tpu.memory_space<vmem>> -> memref<80xi32, #tpu.memory_space<vmem>>
    %dma_wait3A_168 = tpu.memref_slice %arg3[%mul3A_161] : memref<320000xi32, #tpu.memory_space<hbm>> -> memref<80xi32, #tpu.memory_space<hbm>>
    %dma_wait3A_169 = tpu.memref_slice %arg12[%dma_wait3A_164] : memref<4x!tpu.dma_semaphore, #tpu.memory_space<semaphore_mem>> -> memref<1x!tpu.dma_semaphore, #tpu.memory_space<semaphore_mem>>
    %dma_wait3A_170 = tpu.memref_squeeze %dma_wait3A_169 : memref<1x!tpu.dma_semaphore, #tpu.memory_space<semaphore_mem>> -> memref<!tpu.dma_semaphore, #tpu.memory_space<semaphore_mem>>
    %dma_wait3A_171 = arith.constant 0 : i32
    %dma_wait3A_172 = tpu.memref_slice %arg9[%dma_wait3A_162, %dma_wait3A_163, %dma_wait3A_171] : memref<4x2x80xi32, #tpu.memory_space<vmem>> -> memref<1x1x80xi32, #tpu.memory_space<vmem>>
    %dma_wait3A_173 = tpu.memref_squeeze %dma_wait3A_172 : memref<1x1x80xi32, #tpu.memory_space<vmem>> -> memref<80xi32, #tpu.memory_space<vmem>>
    %dma_wait3A_174 = tpu.memref_slice %arg3[%mul3A_161] : memref<320000xi32, #tpu.memory_space<hbm>> -> memref<80xi32, #tpu.memory_space<hbm>>
    tpu.wait_dma2 semaphore(%dma_wait3A_170 : memref<!tpu.dma_semaphore, #tpu.memory_space<semaphore_mem>>) src(%dma_wait3A_174 : memref<80xi32, #tpu.memory_space<hbm>>) dst(%dma_wait3A_173 : memref<80xi32, #tpu.memory_space<vmem>>)
    %dma_wait3A_175 = arith.constant 1 : i32
    %dma_wait3A_176 = arith.constant 1 : i32
    %dma_wait3A_177 = arith.constant 1 : i32
    %dma_wait3A_178 = arith.constant 0 : i32
    %dma_wait3A_179 = tpu.memref_slice %arg9[%dma_wait3A_175, %dma_wait3A_176, %dma_wait3A_178] : memref<4x2x80xi32, #tpu.memory_space<vmem>> -> memref<1x1x80xi32, #tpu.memory_space<vmem>>
    %dma_wait3A_180 = tpu.memref_squeeze %dma_wait3A_179 : memref<1x1x80xi32, #tpu.memory_space<vmem>> -> memref<80xi32, #tpu.memory_space<vmem>>
    %dma_wait3A_181 = tpu.memref_slice %arg4[%mul3A_161] : memref<320000xi32, #tpu.memory_space<hbm>> -> memref<80xi32, #tpu.memory_space<hbm>>
    %dma_wait3A_182 = tpu.memref_slice %arg12[%dma_wait3A_177] : memref<4x!tpu.dma_semaphore, #tpu.memory_space<semaphore_mem>> -> memref<1x!tpu.dma_semaphore, #tpu.memory_space<semaphore_mem>>
    %dma_wait3A_183 = tpu.memref_squeeze %dma_wait3A_182 : memref<1x!tpu.dma_semaphore, #tpu.memory_space<semaphore_mem>> -> memref<!tpu.dma_semaphore, #tpu.memory_space<semaphore_mem>>
    %dma_wait3A_184 = arith.constant 0 : i32
    %dma_wait3A_185 = tpu.memref_slice %arg9[%dma_wait3A_175, %dma_wait3A_176, %dma_wait3A_184] : memref<4x2x80xi32, #tpu.memory_space<vmem>> -> memref<1x1x80xi32, #tpu.memory_space<vmem>>
    %dma_wait3A_186 = tpu.memref_squeeze %dma_wait3A_185 : memref<1x1x80xi32, #tpu.memory_space<vmem>> -> memref<80xi32, #tpu.memory_space<vmem>>
    %dma_wait3A_187 = tpu.memref_slice %arg4[%mul3A_161] : memref<320000xi32, #tpu.memory_space<hbm>> -> memref<80xi32, #tpu.memory_space<hbm>>
    tpu.wait_dma2 semaphore(%dma_wait3A_183 : memref<!tpu.dma_semaphore, #tpu.memory_space<semaphore_mem>>) src(%dma_wait3A_187 : memref<80xi32, #tpu.memory_space<hbm>>) dst(%dma_wait3A_186 : memref<80xi32, #tpu.memory_space<vmem>>)
    %dma_start3A_188 = arith.constant 1 : i32
    %dma_start3A_189 = arith.constant 0 : i32
    %dma_start3A_190 = arith.constant 1 : i32
    %dma_start3A_191 = arith.constant 1 : i32
    %dma_start3A_192 = arith.constant 0 : i32
    %dma_start3A_193 = arith.constant 0 : i32
    %dma_start3A_194 = tpu.memref_slice %arg10[%dma_start3A_190, %dma_start3A_192, %dma_start3A_193] : memref<3x80x128xf32, #tpu.memory_space<vmem>> -> memref<1x80x128xf32, #tpu.memory_space<vmem>>
    %dma_start3A_195 = tpu.memref_squeeze %dma_start3A_194 : memref<1x80x128xf32, #tpu.memory_space<vmem>> -> memref<80x128xf32, #tpu.memory_space<vmem>>
    %dma_start3A_196 = arith.constant 0 : i32
    %dma_start3A_197 = tpu.memref_slice %arg9[%dma_start3A_188, %dma_start3A_189, %dma_start3A_196] : memref<4x2x80xi32, #tpu.memory_space<vmem>> -> memref<1x1x80xi32, #tpu.memory_space<vmem>>
    %dma_start3A_198 = tpu.memref_squeeze %dma_start3A_197 : memref<1x1x80xi32, #tpu.memory_space<vmem>> -> memref<80xi32, #tpu.memory_space<vmem>>
    %dma_start3A_199 = arith.constant 0 : i32
    %dma_start3A_200 = arith.constant 0 : i32
    %dma_start3A_201 = tpu.memref_slice %arg2[%dma_start3A_199, %dma_start3A_200] : memref<10000x128xf32, #tpu.memory_space<hbm>> -> memref<10000x128xf32, #tpu.memory_space<hbm>>
    %dma_start3A_202 = tpu.memref_slice %arg11[%dma_start3A_191] : memref<3x!tpu.dma_semaphore, #tpu.memory_space<semaphore_mem>> -> memref<1x!tpu.dma_semaphore, #tpu.memory_space<semaphore_mem>>
    %dma_start3A_203 = tpu.memref_squeeze %dma_start3A_202 : memref<1x!tpu.dma_semaphore, #tpu.memory_space<semaphore_mem>> -> memref<!tpu.dma_semaphore, #tpu.memory_space<semaphore_mem>>
    tpu.enqueue_indirect_dma source(%dma_start3A_201 : memref<10000x128xf32, #tpu.memory_space<hbm>>) target(%dma_start3A_195 : memref<80x128xf32, #tpu.memory_space<vmem>>) offsets(%dma_start3A_198 : memref<80xi32, #tpu.memory_space<vmem>>) semaphore(%dma_start3A_203 : memref<!tpu.dma_semaphore, #tpu.memory_space<semaphore_mem>>)
    %scan3A_204 = arith.constant 0 : i32
    %scan3A_205 = arith.constant 0 : i32
    %scan3A_206 = arith.constant 125 : i32
    %scan3A_207 = arith.addi %scan3A_205, %scan3A_206 : i32
    %scan3A_208 = arith.constant 1 : i32
    scf.for %scan3A_291 = %scan3A_205 to %scan3A_207 step %scan3A_208  : i32 {
      %rem3A = arith.constant 3 : i32
      %rem3A_292 = arith.remsi %scan3A_291, %rem3A : i32
      %rem3A_293 = arith.constant 4 : i32
      %rem3A_294 = arith.remsi %scan3A_291, %rem3A_293 : i32
      %dma_wait3A_295 = arith.constant 0 : i32
      %dma_wait3A_296 = arith.constant 0 : i32
      %dma_wait3A_297 = arith.constant 0 : i32
      %dma_wait3A_298 = tpu.memref_slice %arg10[%rem3A_292, %dma_wait3A_296, %dma_wait3A_297] : memref<3x80x128xf32, #tpu.memory_space<vmem>> -> memref<1x80x128xf32, #tpu.memory_space<vmem>>
      %dma_wait3A_299 = tpu.memref_squeeze %dma_wait3A_298 : memref<1x80x128xf32, #tpu.memory_space<vmem>> -> memref<80x128xf32, #tpu.memory_space<vmem>>
      %dma_wait3A_300 = arith.constant 0 : i32
      %dma_wait3A_301 = tpu.memref_slice %arg9[%rem3A_294, %dma_wait3A_295, %dma_wait3A_300] : memref<4x2x80xi32, #tpu.memory_space<vmem>> -> memref<1x1x80xi32, #tpu.memory_space<vmem>>
      %dma_wait3A_302 = tpu.memref_squeeze %dma_wait3A_301 : memref<1x1x80xi32, #tpu.memory_space<vmem>> -> memref<80xi32, #tpu.memory_space<vmem>>
      %dma_wait3A_303 = arith.constant 0 : i32
      %dma_wait3A_304 = arith.constant 0 : i32
      %dma_wait3A_305 = tpu.memref_slice %arg2[%dma_wait3A_303, %dma_wait3A_304] : memref<10000x128xf32, #tpu.memory_space<hbm>> -> memref<10000x128xf32, #tpu.memory_space<hbm>>
      %dma_wait3A_306 = tpu.memref_slice %arg11[%rem3A_292] : memref<3x!tpu.dma_semaphore, #tpu.memory_space<semaphore_mem>> -> memref<1x!tpu.dma_semaphore, #tpu.memory_space<semaphore_mem>>
      %dma_wait3A_307 = tpu.memref_squeeze %dma_wait3A_306 : memref<1x!tpu.dma_semaphore, #tpu.memory_space<semaphore_mem>> -> memref<!tpu.dma_semaphore, #tpu.memory_space<semaphore_mem>>
      tpu.wait_indirect_dma semaphore(%dma_wait3A_307 : memref<!tpu.dma_semaphore, #tpu.memory_space<semaphore_mem>>) src(%dma_wait3A_305 : memref<10000x128xf32, #tpu.memory_space<hbm>>) dst(%dma_wait3A_299 : memref<80x128xf32, #tpu.memory_space<vmem>>)
      %dma_start3A_308 = arith.constant 1 : i32
      %dma_start3A_309 = arith.constant 0 : i32
      %dma_start3A_310 = arith.constant 0 : i32
      %dma_start3A_311 = tpu.memref_slice %arg10[%rem3A_292, %dma_start3A_309, %dma_start3A_310] : memref<3x80x128xf32, #tpu.memory_space<vmem>> -> memref<1x80x128xf32, #tpu.memory_space<vmem>>
      %dma_start3A_312 = tpu.memref_squeeze %dma_start3A_311 : memref<1x80x128xf32, #tpu.memory_space<vmem>> -> memref<80x128xf32, #tpu.memory_space<vmem>>
      %dma_start3A_313 = arith.constant 0 : i32
      %dma_start3A_314 = tpu.memref_slice %arg9[%rem3A_294, %dma_start3A_308, %dma_start3A_313] : memref<4x2x80xi32, #tpu.memory_space<vmem>> -> memref<1x1x80xi32, #tpu.memory_space<vmem>>
      %dma_start3A_315 = tpu.memref_squeeze %dma_start3A_314 : memref<1x1x80xi32, #tpu.memory_space<vmem>> -> memref<80xi32, #tpu.memory_space<vmem>>
      %dma_start3A_316 = arith.constant 0 : i32
      %dma_start3A_317 = arith.constant 0 : i32
      %dma_start3A_318 = tpu.memref_slice %arg14[%dma_start3A_316, %dma_start3A_317] : memref<10240x128xf32, #tpu.memory_space<vmem_shared>> -> memref<10240x128xf32, #tpu.memory_space<vmem_shared>>
      %dma_start3A_319 = tpu.memref_slice %arg13[%rem3A_292] : memref<3x!tpu.dma_semaphore, #tpu.memory_space<semaphore_mem>> -> memref<1x!tpu.dma_semaphore, #tpu.memory_space<semaphore_mem>>
      %dma_start3A_320 = tpu.memref_squeeze %dma_start3A_319 : memref<1x!tpu.dma_semaphore, #tpu.memory_space<semaphore_mem>> -> memref<!tpu.dma_semaphore, #tpu.memory_space<semaphore_mem>>
      tpu.enqueue_indirect_dma source(%dma_start3A_312 : memref<80x128xf32, #tpu.memory_space<vmem>>) target(%dma_start3A_318 : memref<10240x128xf32, #tpu.memory_space<vmem_shared>>) offsets(%dma_start3A_315 : memref<80xi32, #tpu.memory_space<vmem>>) semaphore(%dma_start3A_320 : memref<!tpu.dma_semaphore, #tpu.memory_space<semaphore_mem>>) {add = true}
      %ge3A = arith.constant 1 : i32
      %ge3A_321 = arith.cmpi sge, %scan3A_291, %ge3A : i32
      %convert_element_type3A = arith.extui %ge3A_321 : i1 to i32
      %cond3A = arith.constant 0 : i32
      %cond3A_322 = arith.cmpi ne, %convert_element_type3A, %cond3A : i32
      scf.if %cond3A_322 {
        %sub3A = arith.constant 1 : i32
        %sub3A_336 = arith.subi %scan3A_291, %sub3A : i32
        %rem3A_337 = arith.constant 4 : i32
        %rem3A_338 = arith.remsi %sub3A_336, %rem3A_337 : i32
        %add3A_339 = arith.constant 2 : i32
        %add3A_340 = arith.addi %scan3A_291, %add3A_339 : i32
        %rem3A_341 = arith.constant 3 : i32
        %rem3A_342 = arith.remsi %add3A_340, %rem3A_341 : i32
        %dma_wait3A_343 = arith.constant 1 : i32
        %dma_wait3A_344 = arith.constant 0 : i32
        %dma_wait3A_345 = arith.constant 0 : i32
        %dma_wait3A_346 = tpu.memref_slice %arg10[%rem3A_342, %dma_wait3A_344, %dma_wait3A_345] : memref<3x80x128xf32, #tpu.memory_space<vmem>> -> memref<1x80x128xf32, #tpu.memory_space<vmem>>
        %dma_wait3A_347 = tpu.memref_squeeze %dma_wait3A_346 : memref<1x80x128xf32, #tpu.memory_space<vmem>> -> memref<80x128xf32, #tpu.memory_space<vmem>>
        %dma_wait3A_348 = arith.constant 0 : i32
        %dma_wait3A_349 = tpu.memref_slice %arg9[%rem3A_338, %dma_wait3A_343, %dma_wait3A_348] : memref<4x2x80xi32, #tpu.memory_space<vmem>> -> memref<1x1x80xi32, #tpu.memory_space<vmem>>
        %dma_wait3A_350 = tpu.memref_squeeze %dma_wait3A_349 : memref<1x1x80xi32, #tpu.memory_space<vmem>> -> memref<80xi32, #tpu.memory_space<vmem>>
        %dma_wait3A_351 = arith.constant 0 : i32
        %dma_wait3A_352 = arith.constant 0 : i32
        %dma_wait3A_353 = tpu.memref_slice %arg14[%dma_wait3A_351, %dma_wait3A_352] : memref<10240x128xf32, #tpu.memory_space<vmem_shared>> -> memref<10240x128xf32, #tpu.memory_space<vmem_shared>>
        %dma_wait3A_354 = tpu.memref_slice %arg13[%rem3A_342] : memref<3x!tpu.dma_semaphore, #tpu.memory_space<semaphore_mem>> -> memref<1x!tpu.dma_semaphore, #tpu.memory_space<semaphore_mem>>
        %dma_wait3A_355 = tpu.memref_squeeze %dma_wait3A_354 : memref<1x!tpu.dma_semaphore, #tpu.memory_space<semaphore_mem>> -> memref<!tpu.dma_semaphore, #tpu.memory_space<semaphore_mem>>
        tpu.wait_indirect_dma semaphore(%dma_wait3A_355 : memref<!tpu.dma_semaphore, #tpu.memory_space<semaphore_mem>>) src(%dma_wait3A_347 : memref<80x128xf32, #tpu.memory_space<vmem>>) dst(%dma_wait3A_353 : memref<10240x128xf32, #tpu.memory_space<vmem_shared>>)
      } else {
      }
      %add3A_323 = arith.constant 3 : i32
      %add3A_324 = arith.addi %scan3A_291, %add3A_323 : i32
      %lt3A = arith.constant 125 : i32
      %lt3A_325 = arith.cmpi slt, %add3A_324, %lt3A : i32
      %convert_element_type3A_326 = arith.extui %lt3A_325 : i1 to i32
      %cond3A_327 = arith.constant 0 : i32
      %cond3A_328 = arith.cmpi ne, %convert_element_type3A_326, %cond3A_327 : i32
      scf.if %cond3A_328 {
        %add3A_336 = arith.constant 3 : i32
        %add3A_337 = arith.addi %scan3A_291, %add3A_336 : i32
        %add3A_338 = arith.constant 3 : i32
        %add3A_339 = arith.addi %scan3A_291, %add3A_338 : i32
        %rem3A_340 = arith.constant 4 : i32
        %rem3A_341 = arith.remsi %add3A_339, %rem3A_340 : i32
        %mul3A_342 = arith.constant 125 : i32
        %mul3A_343 = arith.muli %add3A, %mul3A_342 : i32
        %add3A_344 = arith.addi %mul3A_343, %add3A_337 : i32
        %mul3A_345 = arith.constant 80 : i32
        %mul3A_346 = arith.muli %add3A_344, %mul3A_345 : i32
        %dma_start3A_347 = arith.constant 0 : i32
        %dma_start3A_348 = arith.constant 0 : i32
        %dma_start3A_349 = tpu.memref_slice %arg9[%rem3A_341, %dma_start3A_347, %dma_start3A_348] : memref<4x2x80xi32, #tpu.memory_space<vmem>> -> memref<1x1x80xi32, #tpu.memory_space<vmem>>
        %dma_start3A_350 = tpu.memref_squeeze %dma_start3A_349 : memref<1x1x80xi32, #tpu.memory_space<vmem>> -> memref<80xi32, #tpu.memory_space<vmem>>
        %dma_start3A_351 = tpu.memref_slice %arg3[%mul3A_346] : memref<320000xi32, #tpu.memory_space<hbm>> -> memref<80xi32, #tpu.memory_space<hbm>>
        %dma_start3A_352 = tpu.memref_slice %arg12[%rem3A_341] : memref<4x!tpu.dma_semaphore, #tpu.memory_space<semaphore_mem>> -> memref<1x!tpu.dma_semaphore, #tpu.memory_space<semaphore_mem>>
        %dma_start3A_353 = tpu.memref_squeeze %dma_start3A_352 : memref<1x!tpu.dma_semaphore, #tpu.memory_space<semaphore_mem>> -> memref<!tpu.dma_semaphore, #tpu.memory_space<semaphore_mem>>
        %dma_start3A_354 = arith.constant 0 : i32
        %dma_start3A_355 = tpu.memref_slice %arg9[%rem3A_341, %dma_start3A_347, %dma_start3A_354] : memref<4x2x80xi32, #tpu.memory_space<vmem>> -> memref<1x1x80xi32, #tpu.memory_space<vmem>>
        %dma_start3A_356 = tpu.memref_squeeze %dma_start3A_355 : memref<1x1x80xi32, #tpu.memory_space<vmem>> -> memref<80xi32, #tpu.memory_space<vmem>>
        %dma_start3A_357 = tpu.memref_slice %arg3[%mul3A_346] : memref<320000xi32, #tpu.memory_space<hbm>> -> memref<80xi32, #tpu.memory_space<hbm>>
        tpu.enqueue_dma source(%dma_start3A_357 : memref<80xi32, #tpu.memory_space<hbm>>) target(%dma_start3A_356 : memref<80xi32, #tpu.memory_space<vmem>>) target_semaphore(%dma_start3A_353 : memref<!tpu.dma_semaphore, #tpu.memory_space<semaphore_mem>>)
        %dma_start3A_358 = arith.constant 1 : i32
        %dma_start3A_359 = arith.constant 0 : i32
        %dma_start3A_360 = tpu.memref_slice %arg9[%rem3A_341, %dma_start3A_358, %dma_start3A_359] : memref<4x2x80xi32, #tpu.memory_space<vmem>> -> memref<1x1x80xi32, #tpu.memory_space<vmem>>
        %dma_start3A_361 = tpu.memref_squeeze %dma_start3A_360 : memref<1x1x80xi32, #tpu.memory_space<vmem>> -> memref<80xi32, #tpu.memory_space<vmem>>
        %dma_start3A_362 = tpu.memref_slice %arg4[%mul3A_346] : memref<320000xi32, #tpu.memory_space<hbm>> -> memref<80xi32, #tpu.memory_space<hbm>>
        %dma_start3A_363 = tpu.memref_slice %arg12[%rem3A_341] : memref<4x!tpu.dma_semaphore, #tpu.memory_space<semaphore_mem>> -> memref<1x!tpu.dma_semaphore, #tpu.memory_space<semaphore_mem>>
        %dma_start3A_364 = tpu.memref_squeeze %dma_start3A_363 : memref<1x!tpu.dma_semaphore, #tpu.memory_space<semaphore_mem>> -> memref<!tpu.dma_semaphore, #tpu.memory_space<semaphore_mem>>
        %dma_start3A_365 = arith.constant 0 : i32
        %dma_start3A_366 = tpu.memref_slice %arg9[%rem3A_341, %dma_start3A_358, %dma_start3A_365] : memref<4x2x80xi32, #tpu.memory_space<vmem>> -> memref<1x1x80xi32, #tpu.memory_space<vmem>>
        %dma_start3A_367 = tpu.memref_squeeze %dma_start3A_366 : memref<1x1x80xi32, #tpu.memory_space<vmem>> -> memref<80xi32, #tpu.memory_space<vmem>>
        %dma_start3A_368 = tpu.memref_slice %arg4[%mul3A_346] : memref<320000xi32, #tpu.memory_space<hbm>> -> memref<80xi32, #tpu.memory_space<hbm>>
        tpu.enqueue_dma source(%dma_start3A_368 : memref<80xi32, #tpu.memory_space<hbm>>) target(%dma_start3A_367 : memref<80xi32, #tpu.memory_space<vmem>>) target_semaphore(%dma_start3A_364 : memref<!tpu.dma_semaphore, #tpu.memory_space<semaphore_mem>>)
      } else {
      }
      %add3A_329 = arith.constant 2 : i32
      %add3A_330 = arith.addi %scan3A_291, %add3A_329 : i32
      %lt3A_331 = arith.constant 125 : i32
      %lt3A_332 = arith.cmpi slt, %add3A_330, %lt3A_331 : i32
      %convert_element_type3A_333 = arith.extui %lt3A_332 : i1 to i32
      %cond3A_334 = arith.constant 0 : i32
      %cond3A_335 = arith.cmpi ne, %convert_element_type3A_333, %cond3A_334 : i32
      scf.if %cond3A_335 {
        %add3A_336 = arith.constant 2 : i32
        %add3A_337 = arith.addi %scan3A_291, %add3A_336 : i32
        %rem3A_338 = arith.constant 4 : i32
        %rem3A_339 = arith.remsi %add3A_337, %rem3A_338 : i32
        %add3A_340 = arith.constant 2 : i32
        %add3A_341 = arith.addi %scan3A_291, %add3A_340 : i32
        %mul3A_342 = arith.constant 125 : i32
        %mul3A_343 = arith.muli %add3A, %mul3A_342 : i32
        %add3A_344 = arith.addi %mul3A_343, %add3A_341 : i32
        %mul3A_345 = arith.constant 80 : i32
        %mul3A_346 = arith.muli %add3A_344, %mul3A_345 : i32
        %dma_wait3A_347 = arith.constant 0 : i32
        %dma_wait3A_348 = arith.constant 0 : i32
        %dma_wait3A_349 = tpu.memref_slice %arg9[%rem3A_339, %dma_wait3A_347, %dma_wait3A_348] : memref<4x2x80xi32, #tpu.memory_space<vmem>> -> memref<1x1x80xi32, #tpu.memory_space<vmem>>
        %dma_wait3A_350 = tpu.memref_squeeze %dma_wait3A_349 : memref<1x1x80xi32, #tpu.memory_space<vmem>> -> memref<80xi32, #tpu.memory_space<vmem>>
        %dma_wait3A_351 = tpu.memref_slice %arg3[%mul3A_346] : memref<320000xi32, #tpu.memory_space<hbm>> -> memref<80xi32, #tpu.memory_space<hbm>>
        %dma_wait3A_352 = tpu.memref_slice %arg12[%rem3A_339] : memref<4x!tpu.dma_semaphore, #tpu.memory_space<semaphore_mem>> -> memref<1x!tpu.dma_semaphore, #tpu.memory_space<semaphore_mem>>
        %dma_wait3A_353 = tpu.memref_squeeze %dma_wait3A_352 : memref<1x!tpu.dma_semaphore, #tpu.memory_space<semaphore_mem>> -> memref<!tpu.dma_semaphore, #tpu.memory_space<semaphore_mem>>
        %dma_wait3A_354 = arith.constant 0 : i32
        %dma_wait3A_355 = tpu.memref_slice %arg9[%rem3A_339, %dma_wait3A_347, %dma_wait3A_354] : memref<4x2x80xi32, #tpu.memory_space<vmem>> -> memref<1x1x80xi32, #tpu.memory_space<vmem>>
        %dma_wait3A_356 = tpu.memref_squeeze %dma_wait3A_355 : memref<1x1x80xi32, #tpu.memory_space<vmem>> -> memref<80xi32, #tpu.memory_space<vmem>>
        %dma_wait3A_357 = tpu.memref_slice %arg3[%mul3A_346] : memref<320000xi32, #tpu.memory_space<hbm>> -> memref<80xi32, #tpu.memory_space<hbm>>
        tpu.wait_dma2 semaphore(%dma_wait3A_353 : memref<!tpu.dma_semaphore, #tpu.memory_space<semaphore_mem>>) src(%dma_wait3A_357 : memref<80xi32, #tpu.memory_space<hbm>>) dst(%dma_wait3A_356 : memref<80xi32, #tpu.memory_space<vmem>>)
        %dma_wait3A_358 = arith.constant 1 : i32
        %dma_wait3A_359 = arith.constant 0 : i32
        %dma_wait3A_360 = tpu.memref_slice %arg9[%rem3A_339, %dma_wait3A_358, %dma_wait3A_359] : memref<4x2x80xi32, #tpu.memory_space<vmem>> -> memref<1x1x80xi32, #tpu.memory_space<vmem>>
        %dma_wait3A_361 = tpu.memref_squeeze %dma_wait3A_360 : memref<1x1x80xi32, #tpu.memory_space<vmem>> -> memref<80xi32, #tpu.memory_space<vmem>>
        %dma_wait3A_362 = tpu.memref_slice %arg4[%mul3A_346] : memref<320000xi32, #tpu.memory_space<hbm>> -> memref<80xi32, #tpu.memory_space<hbm>>
        %dma_wait3A_363 = tpu.memref_slice %arg12[%rem3A_339] : memref<4x!tpu.dma_semaphore, #tpu.memory_space<semaphore_mem>> -> memref<1x!tpu.dma_semaphore, #tpu.memory_space<semaphore_mem>>
        %dma_wait3A_364 = tpu.memref_squeeze %dma_wait3A_363 : memref<1x!tpu.dma_semaphore, #tpu.memory_space<semaphore_mem>> -> memref<!tpu.dma_semaphore, #tpu.memory_space<semaphore_mem>>
        %dma_wait3A_365 = arith.constant 0 : i32
        %dma_wait3A_366 = tpu.memref_slice %arg9[%rem3A_339, %dma_wait3A_358, %dma_wait3A_365] : memref<4x2x80xi32, #tpu.memory_space<vmem>> -> memref<1x1x80xi32, #tpu.memory_space<vmem>>
        %dma_wait3A_367 = tpu.memref_squeeze %dma_wait3A_366 : memref<1x1x80xi32, #tpu.memory_space<vmem>> -> memref<80xi32, #tpu.memory_space<vmem>>
        %dma_wait3A_368 = tpu.memref_slice %arg4[%mul3A_346] : memref<320000xi32, #tpu.memory_space<hbm>> -> memref<80xi32, #tpu.memory_space<hbm>>
        tpu.wait_dma2 semaphore(%dma_wait3A_364 : memref<!tpu.dma_semaphore, #tpu.memory_space<semaphore_mem>>) src(%dma_wait3A_368 : memref<80xi32, #tpu.memory_space<hbm>>) dst(%dma_wait3A_367 : memref<80xi32, #tpu.memory_space<vmem>>)
        %add3A_369 = arith.constant 2 : i32
        %add3A_370 = arith.addi %scan3A_291, %add3A_369 : i32
        %rem3A_371 = arith.constant 3 : i32
        %rem3A_372 = arith.remsi %add3A_370, %rem3A_371 : i32
        %dma_start3A_373 = arith.constant 0 : i32
        %dma_start3A_374 = arith.constant 0 : i32
        %dma_start3A_375 = arith.constant 0 : i32
        %dma_start3A_376 = tpu.memref_slice %arg10[%rem3A_372, %dma_start3A_374, %dma_start3A_375] : memref<3x80x128xf32, #tpu.memory_space<vmem>> -> memref<1x80x128xf32, #tpu.memory_space<vmem>>
        %dma_start3A_377 = tpu.memref_squeeze %dma_start3A_376 : memref<1x80x128xf32, #tpu.memory_space<vmem>> -> memref<80x128xf32, #tpu.memory_space<vmem>>
        %dma_start3A_378 = arith.constant 0 : i32
        %dma_start3A_379 = tpu.memref_slice %arg9[%rem3A_339, %dma_start3A_373, %dma_start3A_378] : memref<4x2x80xi32, #tpu.memory_space<vmem>> -> memref<1x1x80xi32, #tpu.memory_space<vmem>>
        %dma_start3A_380 = tpu.memref_squeeze %dma_start3A_379 : memref<1x1x80xi32, #tpu.memory_space<vmem>> -> memref<80xi32, #tpu.memory_space<vmem>>
        %dma_start3A_381 = arith.constant 0 : i32
        %dma_start3A_382 = arith.constant 0 : i32
        %dma_start3A_383 = tpu.memref_slice %arg2[%dma_start3A_381, %dma_start3A_382] : memref<10000x128xf32, #tpu.memory_space<hbm>> -> memref<10000x128xf32, #tpu.memory_space<hbm>>
        %dma_start3A_384 = tpu.memref_slice %arg11[%rem3A_372] : memref<3x!tpu.dma_semaphore, #tpu.memory_space<semaphore_mem>> -> memref<1x!tpu.dma_semaphore, #tpu.memory_space<semaphore_mem>>
        %dma_start3A_385 = tpu.memref_squeeze %dma_start3A_384 : memref<1x!tpu.dma_semaphore, #tpu.memory_space<semaphore_mem>> -> memref<!tpu.dma_semaphore, #tpu.memory_space<semaphore_mem>>
        tpu.enqueue_indirect_dma source(%dma_start3A_383 : memref<10000x128xf32, #tpu.memory_space<hbm>>) target(%dma_start3A_377 : memref<80x128xf32, #tpu.memory_space<vmem>>) offsets(%dma_start3A_380 : memref<80xi32, #tpu.memory_space<vmem>>) semaphore(%dma_start3A_385 : memref<!tpu.dma_semaphore, #tpu.memory_space<semaphore_mem>>)
      } else {
      }
    }
    %scan3A_209 = arith.constant 125 : i32
    %dma_wait3A_210 = arith.constant 1 : i32
    %dma_wait3A_211 = arith.constant 0 : i32
    %dma_wait3A_212 = arith.constant 1 : i32
    %dma_wait3A_213 = arith.constant 1 : i32
    %dma_wait3A_214 = arith.constant 0 : i32
    %dma_wait3A_215 = arith.constant 0 : i32
    %dma_wait3A_216 = tpu.memref_slice %arg10[%dma_wait3A_210, %dma_wait3A_214, %dma_wait3A_215] : memref<3x80x128xf32, #tpu.memory_space<vmem>> -> memref<1x80x128xf32, #tpu.memory_space<vmem>>
    %dma_wait3A_217 = tpu.memref_squeeze %dma_wait3A_216 : memref<1x80x128xf32, #tpu.memory_space<vmem>> -> memref<80x128xf32, #tpu.memory_space<vmem>>
    %dma_wait3A_218 = arith.constant 0 : i32
    %dma_wait3A_219 = tpu.memref_slice %arg9[%dma_wait3A_211, %dma_wait3A_212, %dma_wait3A_218] : memref<4x2x80xi32, #tpu.memory_space<vmem>> -> memref<1x1x80xi32, #tpu.memory_space<vmem>>
    %dma_wait3A_220 = tpu.memref_squeeze %dma_wait3A_219 : memref<1x1x80xi32, #tpu.memory_space<vmem>> -> memref<80xi32, #tpu.memory_space<vmem>>
    %dma_wait3A_221 = arith.constant 0 : i32
    %dma_wait3A_222 = arith.constant 0 : i32
    %dma_wait3A_223 = tpu.memref_slice %arg14[%dma_wait3A_221, %dma_wait3A_222] : memref<10240x128xf32, #tpu.memory_space<vmem_shared>> -> memref<10240x128xf32, #tpu.memory_space<vmem_shared>>
    %dma_wait3A_224 = tpu.memref_slice %arg13[%dma_wait3A_213] : memref<3x!tpu.dma_semaphore, #tpu.memory_space<semaphore_mem>> -> memref<1x!tpu.dma_semaphore, #tpu.memory_space<semaphore_mem>>
    %dma_wait3A_225 = tpu.memref_squeeze %dma_wait3A_224 : memref<1x!tpu.dma_semaphore, #tpu.memory_space<semaphore_mem>> -> memref<!tpu.dma_semaphore, #tpu.memory_space<semaphore_mem>>
    tpu.wait_indirect_dma semaphore(%dma_wait3A_225 : memref<!tpu.dma_semaphore, #tpu.memory_space<semaphore_mem>>) src(%dma_wait3A_217 : memref<80x128xf32, #tpu.memory_space<vmem>>) dst(%dma_wait3A_223 : memref<10240x128xf32, #tpu.memory_space<vmem_shared>>)
    %barrier3A_226 = arith.constant 0 : index
    tpu.barrier barrier_id(%barrier3A_226)
    %add3A_227 = arith.constant 0 : i32
    %add3A_228 = arith.addi %mul3A_2, %add3A_227 : i32
    %dma_start3A_229 = arith.constant 0 : i32
    %dma_start3A_230 = arith.constant 0 : i32
    %dma_start3A_231 = arith.constant 0 : i32
    %dma_start3A_232 = arith.constant 0 : i32
    %dma_start3A_233 = tpu.memref_slice %arg10[%dma_start3A_229, %dma_start3A_231, %dma_start3A_232] : memref<3x80x128xf32, #tpu.memory_space<vmem>> -> memref<1x80x128xf32, #tpu.memory_space<vmem>>
    %dma_start3A_234 = tpu.memref_squeeze %dma_start3A_233 : memref<1x80x128xf32, #tpu.memory_space<vmem>> -> memref<80x128xf32, #tpu.memory_space<vmem>>
    %dma_start3A_235 = arith.constant 0 : i32
    %dma_start3A_236 = tpu.memref_slice %arg14[%add3A_228, %dma_start3A_235] : memref<10240x128xf32, #tpu.memory_space<vmem_shared>> -> memref<80x128xf32, #tpu.memory_space<vmem_shared>>
    %dma_start3A_237 = tpu.memref_slice %arg11[%dma_start3A_230] : memref<3x!tpu.dma_semaphore, #tpu.memory_space<semaphore_mem>> -> memref<1x!tpu.dma_semaphore, #tpu.memory_space<semaphore_mem>>
    %dma_start3A_238 = tpu.memref_squeeze %dma_start3A_237 : memref<1x!tpu.dma_semaphore, #tpu.memory_space<semaphore_mem>> -> memref<!tpu.dma_semaphore, #tpu.memory_space<semaphore_mem>>
    %dma_start3A_239 = arith.constant 0 : i32
    %dma_start3A_240 = arith.constant 0 : i32
    %dma_start3A_241 = tpu.memref_slice %arg10[%dma_start3A_229, %dma_start3A_239, %dma_start3A_240] : memref<3x80x128xf32, #tpu.memory_space<vmem>> -> memref<1x80x128xf32, #tpu.memory_space<vmem>>
    %dma_start3A_242 = tpu.memref_squeeze %dma_start3A_241 : memref<1x80x128xf32, #tpu.memory_space<vmem>> -> memref<80x128xf32, #tpu.memory_space<vmem>>
    %dma_start3A_243 = arith.constant 0 : i32
    %dma_start3A_244 = tpu.memref_slice %arg14[%add3A_228, %dma_start3A_243] : memref<10240x128xf32, #tpu.memory_space<vmem_shared>> -> memref<80x128xf32, #tpu.memory_space<vmem_shared>>
    tpu.enqueue_dma source(%dma_start3A_244 : memref<80x128xf32, #tpu.memory_space<vmem_shared>>) target(%dma_start3A_242 : memref<80x128xf32, #tpu.memory_space<vmem>>) target_semaphore(%dma_start3A_238 : memref<!tpu.dma_semaphore, #tpu.memory_space<semaphore_mem>>)
    %scan3A_245 = arith.constant 0 : i32
    %scan3A_246 = arith.constant 0 : i32
    %scan3A_247 = arith.constant 8 : i32
    %scan3A_248 = arith.addi %scan3A_246, %scan3A_247 : i32
    %scan3A_249 = arith.constant 1 : i32
    scf.for %scan3A_291 = %scan3A_246 to %scan3A_248 step %scan3A_249  : i32 {
      %rem3A = arith.constant 2 : i32
      %rem3A_292 = arith.remsi %scan3A_291, %rem3A : i32
      %mul3A_293 = arith.constant 80 : i32
      %mul3A_294 = arith.muli %scan3A_291, %mul3A_293 : i32
      %add3A_295 = arith.addi %mul3A_2, %mul3A_294 : i32
      %dma_wait3A_296 = arith.constant 0 : i32
      %dma_wait3A_297 = arith.constant 0 : i32
      %dma_wait3A_298 = tpu.memref_slice %arg10[%rem3A_292, %dma_wait3A_296, %dma_wait3A_297] : memref<3x80x128xf32, #tpu.memory_space<vmem>> -> memref<1x80x128xf32, #tpu.memory_space<vmem>>
      %dma_wait3A_299 = tpu.memref_squeeze %dma_wait3A_298 : memref<1x80x128xf32, #tpu.memory_space<vmem>> -> memref<80x128xf32, #tpu.memory_space<vmem>>
      %dma_wait3A_300 = arith.constant 0 : i32
      %dma_wait3A_301 = tpu.memref_slice %arg14[%add3A_295, %dma_wait3A_300] : memref<10240x128xf32, #tpu.memory_space<vmem_shared>> -> memref<80x128xf32, #tpu.memory_space<vmem_shared>>
      %dma_wait3A_302 = tpu.memref_slice %arg11[%rem3A_292] : memref<3x!tpu.dma_semaphore, #tpu.memory_space<semaphore_mem>> -> memref<1x!tpu.dma_semaphore, #tpu.memory_space<semaphore_mem>>
      %dma_wait3A_303 = tpu.memref_squeeze %dma_wait3A_302 : memref<1x!tpu.dma_semaphore, #tpu.memory_space<semaphore_mem>> -> memref<!tpu.dma_semaphore, #tpu.memory_space<semaphore_mem>>
      %dma_wait3A_304 = arith.constant 0 : i32
      %dma_wait3A_305 = arith.constant 0 : i32
      %dma_wait3A_306 = tpu.memref_slice %arg10[%rem3A_292, %dma_wait3A_304, %dma_wait3A_305] : memref<3x80x128xf32, #tpu.memory_space<vmem>> -> memref<1x80x128xf32, #tpu.memory_space<vmem>>
      %dma_wait3A_307 = tpu.memref_squeeze %dma_wait3A_306 : memref<1x80x128xf32, #tpu.memory_space<vmem>> -> memref<80x128xf32, #tpu.memory_space<vmem>>
      %dma_wait3A_308 = arith.constant 0 : i32
      %dma_wait3A_309 = tpu.memref_slice %arg14[%add3A_295, %dma_wait3A_308] : memref<10240x128xf32, #tpu.memory_space<vmem_shared>> -> memref<80x128xf32, #tpu.memory_space<vmem_shared>>
      tpu.wait_dma2 semaphore(%dma_wait3A_303 : memref<!tpu.dma_semaphore, #tpu.memory_space<semaphore_mem>>) src(%dma_wait3A_309 : memref<80x128xf32, #tpu.memory_space<vmem_shared>>) dst(%dma_wait3A_307 : memref<80x128xf32, #tpu.memory_space<vmem>>)
      %mul3A_310 = arith.constant 80 : i32
      %mul3A_311 = arith.muli %scan3A_291, %mul3A_310 : i32
      %add3A_312 = arith.addi %mul3A_2, %mul3A_311 : i32
      %dma_start3A_313 = arith.constant 0 : i32
      %dma_start3A_314 = arith.constant 0 : i32
      %dma_start3A_315 = tpu.memref_slice %arg10[%rem3A_292, %dma_start3A_313, %dma_start3A_314] : memref<3x80x128xf32, #tpu.memory_space<vmem>> -> memref<1x80x128xf32, #tpu.memory_space<vmem>>
      %dma_start3A_316 = tpu.memref_squeeze %dma_start3A_315 : memref<1x80x128xf32, #tpu.memory_space<vmem>> -> memref<80x128xf32, #tpu.memory_space<vmem>>
      %dma_start3A_317 = arith.constant 0 : i32
      %dma_start3A_318 = tpu.memref_slice %arg8[%arg0, %add3A_312, %dma_start3A_317] : memref<2x10240x128xf32, #tpu.memory_space<hbm>> -> memref<1x80x128xf32, #tpu.memory_space<hbm>>
      %dma_start3A_319 = tpu.memref_squeeze %dma_start3A_318 : memref<1x80x128xf32, #tpu.memory_space<hbm>> -> memref<80x128xf32, #tpu.memory_space<hbm>>
      %dma_start3A_320 = tpu.memref_slice %arg13[%rem3A_292] : memref<3x!tpu.dma_semaphore, #tpu.memory_space<semaphore_mem>> -> memref<1x!tpu.dma_semaphore, #tpu.memory_space<semaphore_mem>>
      %dma_start3A_321 = tpu.memref_squeeze %dma_start3A_320 : memref<1x!tpu.dma_semaphore, #tpu.memory_space<semaphore_mem>> -> memref<!tpu.dma_semaphore, #tpu.memory_space<semaphore_mem>>
      %dma_start3A_322 = arith.constant 0 : i32
      %dma_start3A_323 = tpu.memref_slice %arg8[%arg0, %add3A_312, %dma_start3A_322] : memref<2x10240x128xf32, #tpu.memory_space<hbm>> -> memref<1x80x128xf32, #tpu.memory_space<hbm>>
      %dma_start3A_324 = tpu.memref_squeeze %dma_start3A_323 : memref<1x80x128xf32, #tpu.memory_space<hbm>> -> memref<80x128xf32, #tpu.memory_space<hbm>>
      %dma_start3A_325 = arith.constant 0 : i32
      %dma_start3A_326 = arith.constant 0 : i32
      %dma_start3A_327 = tpu.memref_slice %arg10[%rem3A_292, %dma_start3A_325, %dma_start3A_326] : memref<3x80x128xf32, #tpu.memory_space<vmem>> -> memref<1x80x128xf32, #tpu.memory_space<vmem>>
      %dma_start3A_328 = tpu.memref_squeeze %dma_start3A_327 : memref<1x80x128xf32, #tpu.memory_space<vmem>> -> memref<80x128xf32, #tpu.memory_space<vmem>>
      tpu.enqueue_dma source(%dma_start3A_328 : memref<80x128xf32, #tpu.memory_space<vmem>>) target(%dma_start3A_324 : memref<80x128xf32, #tpu.memory_space<hbm>>) target_semaphore(%dma_start3A_321 : memref<!tpu.dma_semaphore, #tpu.memory_space<semaphore_mem>>)
      %add3A_329 = arith.constant 1 : i32
      %add3A_330 = arith.addi %scan3A_291, %add3A_329 : i32
      %lt3A = arith.constant 8 : i32
      %lt3A_331 = arith.cmpi slt, %add3A_330, %lt3A : i32
      %convert_element_type3A = arith.extui %lt3A_331 : i1 to i32
      %cond3A = arith.constant 0 : i32
      %cond3A_332 = arith.cmpi ne, %convert_element_type3A, %cond3A : i32
      scf.if %cond3A_332 {
        %add3A_333 = arith.constant 1 : i32
        %add3A_334 = arith.addi %scan3A_291, %add3A_333 : i32
        %rem3A_335 = arith.constant 2 : i32
        %rem3A_336 = arith.remsi %add3A_334, %rem3A_335 : i32
        %ge3A = arith.constant 1 : i32
        %ge3A_337 = arith.cmpi sge, %scan3A_291, %ge3A : i32
        %convert_element_type3A_338 = arith.extui %ge3A_337 : i1 to i32
        %cond3A_339 = arith.constant 0 : i32
        %cond3A_340 = arith.cmpi ne, %convert_element_type3A_338, %cond3A_339 : i32
        scf.if %cond3A_340 {
          %sub3A = arith.constant 1 : i32
          %sub3A_360 = arith.subi %scan3A_291, %sub3A : i32
          %mul3A_361 = arith.constant 80 : i32
          %mul3A_362 = arith.muli %sub3A_360, %mul3A_361 : i32
          %add3A_363 = arith.addi %mul3A_2, %mul3A_362 : i32
          %dma_wait3A_364 = arith.constant 0 : i32
          %dma_wait3A_365 = arith.constant 0 : i32
          %dma_wait3A_366 = tpu.memref_slice %arg10[%rem3A_336, %dma_wait3A_364, %dma_wait3A_365] : memref<3x80x128xf32, #tpu.memory_space<vmem>> -> memref<1x80x128xf32, #tpu.memory_space<vmem>>
          %dma_wait3A_367 = tpu.memref_squeeze %dma_wait3A_366 : memref<1x80x128xf32, #tpu.memory_space<vmem>> -> memref<80x128xf32, #tpu.memory_space<vmem>>
          %dma_wait3A_368 = arith.constant 0 : i32
          %dma_wait3A_369 = tpu.memref_slice %arg8[%arg0, %add3A_363, %dma_wait3A_368] : memref<2x10240x128xf32, #tpu.memory_space<hbm>> -> memref<1x80x128xf32, #tpu.memory_space<hbm>>
          %dma_wait3A_370 = tpu.memref_squeeze %dma_wait3A_369 : memref<1x80x128xf32, #tpu.memory_space<hbm>> -> memref<80x128xf32, #tpu.memory_space<hbm>>
          %dma_wait3A_371 = tpu.memref_slice %arg13[%rem3A_336] : memref<3x!tpu.dma_semaphore, #tpu.memory_space<semaphore_mem>> -> memref<1x!tpu.dma_semaphore, #tpu.memory_space<semaphore_mem>>
          %dma_wait3A_372 = tpu.memref_squeeze %dma_wait3A_371 : memref<1x!tpu.dma_semaphore, #tpu.memory_space<semaphore_mem>> -> memref<!tpu.dma_semaphore, #tpu.memory_space<semaphore_mem>>
          %dma_wait3A_373 = arith.constant 0 : i32
          %dma_wait3A_374 = tpu.memref_slice %arg8[%arg0, %add3A_363, %dma_wait3A_373] : memref<2x10240x128xf32, #tpu.memory_space<hbm>> -> memref<1x80x128xf32, #tpu.memory_space<hbm>>
          %dma_wait3A_375 = tpu.memref_squeeze %dma_wait3A_374 : memref<1x80x128xf32, #tpu.memory_space<hbm>> -> memref<80x128xf32, #tpu.memory_space<hbm>>
          %dma_wait3A_376 = arith.constant 0 : i32
          %dma_wait3A_377 = arith.constant 0 : i32
          %dma_wait3A_378 = tpu.memref_slice %arg10[%rem3A_336, %dma_wait3A_376, %dma_wait3A_377] : memref<3x80x128xf32, #tpu.memory_space<vmem>> -> memref<1x80x128xf32, #tpu.memory_space<vmem>>
          %dma_wait3A_379 = tpu.memref_squeeze %dma_wait3A_378 : memref<1x80x128xf32, #tpu.memory_space<vmem>> -> memref<80x128xf32, #tpu.memory_space<vmem>>
          tpu.wait_dma2 semaphore(%dma_wait3A_372 : memref<!tpu.dma_semaphore, #tpu.memory_space<semaphore_mem>>) src(%dma_wait3A_379 : memref<80x128xf32, #tpu.memory_space<vmem>>) dst(%dma_wait3A_375 : memref<80x128xf32, #tpu.memory_space<hbm>>)
        } else {
        }
        %add3A_341 = arith.constant 1 : i32
        %add3A_342 = arith.addi %scan3A_291, %add3A_341 : i32
        %mul3A_343 = arith.constant 80 : i32
        %mul3A_344 = arith.muli %add3A_342, %mul3A_343 : i32
        %add3A_345 = arith.addi %mul3A_2, %mul3A_344 : i32
        %dma_start3A_346 = arith.constant 0 : i32
        %dma_start3A_347 = arith.constant 0 : i32
        %dma_start3A_348 = tpu.memref_slice %arg10[%rem3A_336, %dma_start3A_346, %dma_start3A_347] : memref<3x80x128xf32, #tpu.memory_space<vmem>> -> memref<1x80x128xf32, #tpu.memory_space<vmem>>
        %dma_start3A_349 = tpu.memref_squeeze %dma_start3A_348 : memref<1x80x128xf32, #tpu.memory_space<vmem>> -> memref<80x128xf32, #tpu.memory_space<vmem>>
        %dma_start3A_350 = arith.constant 0 : i32
        %dma_start3A_351 = tpu.memref_slice %arg14[%add3A_345, %dma_start3A_350] : memref<10240x128xf32, #tpu.memory_space<vmem_shared>> -> memref<80x128xf32, #tpu.memory_space<vmem_shared>>
        %dma_start3A_352 = tpu.memref_slice %arg11[%rem3A_336] : memref<3x!tpu.dma_semaphore, #tpu.memory_space<semaphore_mem>> -> memref<1x!tpu.dma_semaphore, #tpu.memory_space<semaphore_mem>>
        %dma_start3A_353 = tpu.memref_squeeze %dma_start3A_352 : memref<1x!tpu.dma_semaphore, #tpu.memory_space<semaphore_mem>> -> memref<!tpu.dma_semaphore, #tpu.memory_space<semaphore_mem>>
        %dma_start3A_354 = arith.constant 0 : i32
        %dma_start3A_355 = arith.constant 0 : i32
        %dma_start3A_356 = tpu.memref_slice %arg10[%rem3A_336, %dma_start3A_354, %dma_start3A_355] : memref<3x80x128xf32, #tpu.memory_space<vmem>> -> memref<1x80x128xf32, #tpu.memory_space<vmem>>
        %dma_start3A_357 = tpu.memref_squeeze %dma_start3A_356 : memref<1x80x128xf32, #tpu.memory_space<vmem>> -> memref<80x128xf32, #tpu.memory_space<vmem>>
        %dma_start3A_358 = arith.constant 0 : i32
        %dma_start3A_359 = tpu.memref_slice %arg14[%add3A_345, %dma_start3A_358] : memref<10240x128xf32, #tpu.memory_space<vmem_shared>> -> memref<80x128xf32, #tpu.memory_space<vmem_shared>>
        tpu.enqueue_dma source(%dma_start3A_359 : memref<80x128xf32, #tpu.memory_space<vmem_shared>>) target(%dma_start3A_357 : memref<80x128xf32, #tpu.memory_space<vmem>>) target_semaphore(%dma_start3A_353 : memref<!tpu.dma_semaphore, #tpu.memory_space<semaphore_mem>>)
      } else {
      }
    }
    %scan3A_250 = arith.constant 8 : i32
    %add3A_251 = arith.constant 480 : i32
    %add3A_252 = arith.addi %mul3A_2, %add3A_251 : i32
    %dma_wait3A_253 = arith.constant 0 : i32
    %dma_wait3A_254 = arith.constant 0 : i32
    %dma_wait3A_255 = arith.constant 0 : i32
    %dma_wait3A_256 = arith.constant 0 : i32
    %dma_wait3A_257 = tpu.memref_slice %arg10[%dma_wait3A_253, %dma_wait3A_255, %dma_wait3A_256] : memref<3x80x128xf32, #tpu.memory_space<vmem>> -> memref<1x80x128xf32, #tpu.memory_space<vmem>>
    %dma_wait3A_258 = tpu.memref_squeeze %dma_wait3A_257 : memref<1x80x128xf32, #tpu.memory_space<vmem>> -> memref<80x128xf32, #tpu.memory_space<vmem>>
    %dma_wait3A_259 = arith.constant 0 : i32
    %dma_wait3A_260 = tpu.memref_slice %arg8[%arg0, %add3A_252, %dma_wait3A_259] : memref<2x10240x128xf32, #tpu.memory_space<hbm>> -> memref<1x80x128xf32, #tpu.memory_space<hbm>>
    %dma_wait3A_261 = tpu.memref_squeeze %dma_wait3A_260 : memref<1x80x128xf32, #tpu.memory_space<hbm>> -> memref<80x128xf32, #tpu.memory_space<hbm>>
    %dma_wait3A_262 = tpu.memref_slice %arg13[%dma_wait3A_254] : memref<3x!tpu.dma_semaphore, #tpu.memory_space<semaphore_mem>> -> memref<1x!tpu.dma_semaphore, #tpu.memory_space<semaphore_mem>>
    %dma_wait3A_263 = tpu.memref_squeeze %dma_wait3A_262 : memref<1x!tpu.dma_semaphore, #tpu.memory_space<semaphore_mem>> -> memref<!tpu.dma_semaphore, #tpu.memory_space<semaphore_mem>>
    %dma_wait3A_264 = arith.constant 0 : i32
    %dma_wait3A_265 = tpu.memref_slice %arg8[%arg0, %add3A_252, %dma_wait3A_264] : memref<2x10240x128xf32, #tpu.memory_space<hbm>> -> memref<1x80x128xf32, #tpu.memory_space<hbm>>
    %dma_wait3A_266 = tpu.memref_squeeze %dma_wait3A_265 : memref<1x80x128xf32, #tpu.memory_space<hbm>> -> memref<80x128xf32, #tpu.memory_space<hbm>>
    %dma_wait3A_267 = arith.constant 0 : i32
    %dma_wait3A_268 = arith.constant 0 : i32
    %dma_wait3A_269 = tpu.memref_slice %arg10[%dma_wait3A_253, %dma_wait3A_267, %dma_wait3A_268] : memref<3x80x128xf32, #tpu.memory_space<vmem>> -> memref<1x80x128xf32, #tpu.memory_space<vmem>>
    %dma_wait3A_270 = tpu.memref_squeeze %dma_wait3A_269 : memref<1x80x128xf32, #tpu.memory_space<vmem>> -> memref<80x128xf32, #tpu.memory_space<vmem>>
    tpu.wait_dma2 semaphore(%dma_wait3A_263 : memref<!tpu.dma_semaphore, #tpu.memory_space<semaphore_mem>>) src(%dma_wait3A_270 : memref<80x128xf32, #tpu.memory_space<vmem>>) dst(%dma_wait3A_266 : memref<80x128xf32, #tpu.memory_space<hbm>>)
    %add3A_271 = arith.constant 560 : i32
    %add3A_272 = arith.addi %mul3A_2, %add3A_271 : i32
    %dma_wait3A_273 = arith.constant 1 : i32
    %dma_wait3A_274 = arith.constant 1 : i32
    %dma_wait3A_275 = arith.constant 0 : i32
    %dma_wait3A_276 = arith.constant 0 : i32
    %dma_wait3A_277 = tpu.memref_slice %arg10[%dma_wait3A_273, %dma_wait3A_275, %dma_wait3A_276] : memref<3x80x128xf32, #tpu.memory_space<vmem>> -> memref<1x80x128xf32, #tpu.memory_space<vmem>>
    %dma_wait3A_278 = tpu.memref_squeeze %dma_wait3A_277 : memref<1x80x128xf32, #tpu.memory_space<vmem>> -> memref<80x128xf32, #tpu.memory_space<vmem>>
    %dma_wait3A_279 = arith.constant 0 : i32
    %dma_wait3A_280 = tpu.memref_slice %arg8[%arg0, %add3A_272, %dma_wait3A_279] : memref<2x10240x128xf32, #tpu.memory_space<hbm>> -> memref<1x80x128xf32, #tpu.memory_space<hbm>>
    %dma_wait3A_281 = tpu.memref_squeeze %dma_wait3A_280 : memref<1x80x128xf32, #tpu.memory_space<hbm>> -> memref<80x128xf32, #tpu.memory_space<hbm>>
    %dma_wait3A_282 = tpu.memref_slice %arg13[%dma_wait3A_274] : memref<3x!tpu.dma_semaphore, #tpu.memory_space<semaphore_mem>> -> memref<1x!tpu.dma_semaphore, #tpu.memory_space<semaphore_mem>>
    %dma_wait3A_283 = tpu.memref_squeeze %dma_wait3A_282 : memref<1x!tpu.dma_semaphore, #tpu.memory_space<semaphore_mem>> -> memref<!tpu.dma_semaphore, #tpu.memory_space<semaphore_mem>>
    %dma_wait3A_284 = arith.constant 0 : i32
    %dma_wait3A_285 = tpu.memref_slice %arg8[%arg0, %add3A_272, %dma_wait3A_284] : memref<2x10240x128xf32, #tpu.memory_space<hbm>> -> memref<1x80x128xf32, #tpu.memory_space<hbm>>
    %dma_wait3A_286 = tpu.memref_squeeze %dma_wait3A_285 : memref<1x80x128xf32, #tpu.memory_space<hbm>> -> memref<80x128xf32, #tpu.memory_space<hbm>>
    %dma_wait3A_287 = arith.constant 0 : i32
    %dma_wait3A_288 = arith.constant 0 : i32
    %dma_wait3A_289 = tpu.memref_slice %arg10[%dma_wait3A_273, %dma_wait3A_287, %dma_wait3A_288] : memref<3x80x128xf32, #tpu.memory_space<vmem>> -> memref<1x80x128xf32, #tpu.memory_space<vmem>>
    %dma_wait3A_290 = tpu.memref_squeeze %dma_wait3A_289 : memref<1x80x128xf32, #tpu.memory_space<vmem>> -> memref<80x128xf32, #tpu.memory_space<vmem>>
    tpu.wait_dma2 semaphore(%dma_wait3A_283 : memref<!tpu.dma_semaphore, #tpu.memory_space<semaphore_mem>>) src(%dma_wait3A_290 : memref<80x128xf32, #tpu.memory_space<vmem>>) dst(%dma_wait3A_286 : memref<80x128xf32, #tpu.memory_space<hbm>>)
    return
  }
}

#map = affine_map<(d0, d1) -> (0, 0)>
#map1 = affine_map<(d0, d1) -> (0)>
#map2 = affine_map<(d0, d1) -> (0, 0, 0)>
module attributes {stable_mosaic.version = 14 : i64} {
  func.func @body(%arg0: i32, %arg1: i32, %arg2: memref<10000x128xf32, #tpu.memory_space<hbm>>, %arg3: memref<320000xi32, #tpu.memory_space<hbm>>, %arg4: memref<320000xi32, #tpu.memory_space<hbm>>, %arg5: memref<80x128xf32, #tpu.memory_space<hbm>>, %arg6: memref<80x8xf32, #tpu.memory_space<hbm>>, %arg7: memref<80x8xf32, #tpu.memory_space<hbm>>, %arg8: memref<2x10240x128xf32, #tpu.memory_space<hbm>>, %arg9: memref<2x10240x8xf32, #tpu.memory_space<hbm>>, %arg10: memref<4x2x80xi32, #tpu.memory_space<vmem>>, %arg11: memref<3x80x128xf32, #tpu.memory_space<vmem>>, %arg12: memref<3x!tpu.dma_semaphore, #tpu.memory_space<semaphore_mem>>, %arg13: memref<4x!tpu.dma_semaphore, #tpu.memory_space<semaphore_mem>>, %arg14: memref<3x!tpu.dma_semaphore, #tpu.memory_space<semaphore_mem>>, %arg15: memref<10240x128xf32, #tpu.memory_space<vmem_shared>>, %arg16: memref<80x8xf32, #tpu.memory_space<vmem>>, %arg17: memref<640x8xf32, #tpu.memory_space<vmem>>, %arg18: memref<10240x8xf32, #tpu.memory_space<vmem_shared>>) attributes {dimension_semantics = [#tpu.dimension_semantics<core_parallel>, #tpu.dimension_semantics<subcore_parallel>], iteration_bounds = array<i64: 2, 16>, scalar_prefetch = 0 : i64, scratch_operands = 9 : i64, tpu.core_type = #tpu.core_type<sc_vector_subcore>, window_params = [{transform_indices = #map}, {transform_indices = #map1}, {transform_indices = #map1}, {transform_indices = #map}, {transform_indices = #map}, {transform_indices = #map}, {transform_indices = #map2}, {transform_indices = #map2}]} {
    %mul3A = arith.constant 2 : i32
    %mul3A_0 = arith.muli %arg1, %mul3A : i32
    %add3A = arith.addi %mul3A_0, %arg0 : i32
    %mul3A_1 = arith.constant 640 : i32
    %mul3A_2 = arith.muli %arg1, %mul3A_1 : i32
    %run_scoped3A = arith.constant 0 : i32
    "tpu.region"() ({
      %run_scoped3A_303 = tpu.sem_alloc : memref<!tpu.dma_semaphore, #tpu.memory_space<semaphore_mem>>
      %dma_start3A_304 = arith.constant 0 : i32
      %dma_start3A_305 = arith.constant 0 : i32
      %dma_start3A_306 = tpu.memref_slice %arg11[%run_scoped3A, %dma_start3A_304, %dma_start3A_305] : memref<3x80x128xf32, #tpu.memory_space<vmem>> -> memref<1x80x128xf32, #tpu.memory_space<vmem>>
      %dma_start3A_307 = tpu.memref_squeeze %dma_start3A_306 : memref<1x80x128xf32, #tpu.memory_space<vmem>> -> memref<80x128xf32, #tpu.memory_space<vmem>>
      %dma_start3A_308 = arith.constant 0 : i32
      %dma_start3A_309 = arith.constant 0 : i32
      %dma_start3A_310 = tpu.memref_slice %arg11[%run_scoped3A, %dma_start3A_308, %dma_start3A_309] : memref<3x80x128xf32, #tpu.memory_space<vmem>> -> memref<1x80x128xf32, #tpu.memory_space<vmem>>
      %dma_start3A_311 = tpu.memref_squeeze %dma_start3A_310 : memref<1x80x128xf32, #tpu.memory_space<vmem>> -> memref<80x128xf32, #tpu.memory_space<vmem>>
      tpu.enqueue_dma source(%arg5 : memref<80x128xf32, #tpu.memory_space<hbm>>) target(%dma_start3A_311 : memref<80x128xf32, #tpu.memory_space<vmem>>) target_semaphore(%run_scoped3A_303 : memref<!tpu.dma_semaphore, #tpu.memory_space<semaphore_mem>>)
      %dma_wait3A_312 = arith.constant 0 : i32
      %dma_wait3A_313 = arith.constant 0 : i32
      %dma_wait3A_314 = tpu.memref_slice %arg11[%run_scoped3A, %dma_wait3A_312, %dma_wait3A_313] : memref<3x80x128xf32, #tpu.memory_space<vmem>> -> memref<1x80x128xf32, #tpu.memory_space<vmem>>
      %dma_wait3A_315 = tpu.memref_squeeze %dma_wait3A_314 : memref<1x80x128xf32, #tpu.memory_space<vmem>> -> memref<80x128xf32, #tpu.memory_space<vmem>>
      %dma_wait3A_316 = arith.constant 0 : i32
      %dma_wait3A_317 = arith.constant 0 : i32
      %dma_wait3A_318 = tpu.memref_slice %arg11[%run_scoped3A, %dma_wait3A_316, %dma_wait3A_317] : memref<3x80x128xf32, #tpu.memory_space<vmem>> -> memref<1x80x128xf32, #tpu.memory_space<vmem>>
      %dma_wait3A_319 = tpu.memref_squeeze %dma_wait3A_318 : memref<1x80x128xf32, #tpu.memory_space<vmem>> -> memref<80x128xf32, #tpu.memory_space<vmem>>
      tpu.wait_dma2 semaphore(%run_scoped3A_303 : memref<!tpu.dma_semaphore, #tpu.memory_space<semaphore_mem>>) src(%arg5 : memref<80x128xf32, #tpu.memory_space<hbm>>) dst(%dma_wait3A_319 : memref<80x128xf32, #tpu.memory_space<vmem>>)
      tpu.yield
    }) : () -> ()
    %scan3A = arith.constant 0 : i32
    %scan3A_3 = arith.constant 0 : i32
    %scan3A_4 = arith.constant 8 : i32
    %scan3A_5 = arith.addi %scan3A_3, %scan3A_4 : i32
    %scan3A_6 = arith.constant 1 : i32
    scf.for %scan3A_303 = %scan3A_3 to %scan3A_5 step %scan3A_6  : i32 {
      %mul3A_304 = arith.constant 80 : i32
      %mul3A_305 = arith.muli %scan3A_303, %mul3A_304 : i32
      %add3A_306 = arith.addi %mul3A_2, %mul3A_305 : i32
      %dma_start3A_307 = arith.constant 0 : i32
      %dma_start3A_308 = arith.constant 0 : i32
      %dma_start3A_309 = arith.constant 0 : i32
      %dma_start3A_310 = arith.constant 0 : i32
      %dma_start3A_311 = tpu.memref_slice %arg11[%dma_start3A_307, %dma_start3A_309, %dma_start3A_310] : memref<3x80x128xf32, #tpu.memory_space<vmem>> -> memref<1x80x128xf32, #tpu.memory_space<vmem>>
      %dma_start3A_312 = tpu.memref_squeeze %dma_start3A_311 : memref<1x80x128xf32, #tpu.memory_space<vmem>> -> memref<80x128xf32, #tpu.memory_space<vmem>>
      %dma_start3A_313 = arith.constant 0 : i32
      %dma_start3A_314 = tpu.memref_slice %arg15[%add3A_306, %dma_start3A_313] : memref<10240x128xf32, #tpu.memory_space<vmem_shared>> -> memref<80x128xf32, #tpu.memory_space<vmem_shared>>
      %dma_start3A_315 = tpu.memref_slice %arg14[%dma_start3A_308] : memref<3x!tpu.dma_semaphore, #tpu.memory_space<semaphore_mem>> -> memref<1x!tpu.dma_semaphore, #tpu.memory_space<semaphore_mem>>
      %dma_start3A_316 = tpu.memref_squeeze %dma_start3A_315 : memref<1x!tpu.dma_semaphore, #tpu.memory_space<semaphore_mem>> -> memref<!tpu.dma_semaphore, #tpu.memory_space<semaphore_mem>>
      %dma_start3A_317 = arith.constant 0 : i32
      %dma_start3A_318 = tpu.memref_slice %arg15[%add3A_306, %dma_start3A_317] : memref<10240x128xf32, #tpu.memory_space<vmem_shared>> -> memref<80x128xf32, #tpu.memory_space<vmem_shared>>
      %dma_start3A_319 = arith.constant 0 : i32
      %dma_start3A_320 = arith.constant 0 : i32
      %dma_start3A_321 = tpu.memref_slice %arg11[%dma_start3A_307, %dma_start3A_319, %dma_start3A_320] : memref<3x80x128xf32, #tpu.memory_space<vmem>> -> memref<1x80x128xf32, #tpu.memory_space<vmem>>
      %dma_start3A_322 = tpu.memref_squeeze %dma_start3A_321 : memref<1x80x128xf32, #tpu.memory_space<vmem>> -> memref<80x128xf32, #tpu.memory_space<vmem>>
      tpu.enqueue_dma source(%dma_start3A_322 : memref<80x128xf32, #tpu.memory_space<vmem>>) target(%dma_start3A_318 : memref<80x128xf32, #tpu.memory_space<vmem_shared>>) target_semaphore(%dma_start3A_316 : memref<!tpu.dma_semaphore, #tpu.memory_space<semaphore_mem>>)
    }
    %scan3A_7 = arith.constant 8 : i32
    "tpu.region"() ({
      %run_scoped3A_303 = tpu.sem_alloc : memref<!tpu.dma_semaphore, #tpu.memory_space<semaphore_mem>>
      tpu.enqueue_dma source(%arg7 : memref<80x8xf32, #tpu.memory_space<hbm>>) target(%arg16 : memref<80x8xf32, #tpu.memory_space<vmem>>) target_semaphore(%run_scoped3A_303 : memref<!tpu.dma_semaphore, #tpu.memory_space<semaphore_mem>>)
      tpu.wait_dma2 semaphore(%run_scoped3A_303 : memref<!tpu.dma_semaphore, #tpu.memory_space<semaphore_mem>>) src(%arg7 : memref<80x8xf32, #tpu.memory_space<hbm>>) dst(%arg16 : memref<80x8xf32, #tpu.memory_space<vmem>>)
      tpu.yield
    }) : () -> ()
    "tpu.region"() ({
      %run_scoped3A_303 = tpu.sem_alloc : memref<!tpu.dma_semaphore, #tpu.memory_space<semaphore_mem>>
      %dma_start3A_304 = arith.constant 0 : i32
      %dma_start3A_305 = arith.constant 0 : i32
      %dma_start3A_306 = tpu.memref_slice %arg17[%dma_start3A_304, %dma_start3A_305] : memref<640x8xf32, #tpu.memory_space<vmem>> -> memref<80x8xf32, #tpu.memory_space<vmem>>
      %dma_start3A_307 = arith.constant 0 : i32
      %dma_start3A_308 = arith.constant 0 : i32
      %dma_start3A_309 = tpu.memref_slice %arg17[%dma_start3A_307, %dma_start3A_308] : memref<640x8xf32, #tpu.memory_space<vmem>> -> memref<80x8xf32, #tpu.memory_space<vmem>>
      tpu.enqueue_dma source(%arg6 : memref<80x8xf32, #tpu.memory_space<hbm>>) target(%dma_start3A_309 : memref<80x8xf32, #tpu.memory_space<vmem>>) target_semaphore(%run_scoped3A_303 : memref<!tpu.dma_semaphore, #tpu.memory_space<semaphore_mem>>)
      %dma_wait3A_310 = arith.constant 0 : i32
      %dma_wait3A_311 = arith.constant 0 : i32
      %dma_wait3A_312 = tpu.memref_slice %arg17[%dma_wait3A_310, %dma_wait3A_311] : memref<640x8xf32, #tpu.memory_space<vmem>> -> memref<80x8xf32, #tpu.memory_space<vmem>>
      %dma_wait3A_313 = arith.constant 0 : i32
      %dma_wait3A_314 = arith.constant 0 : i32
      %dma_wait3A_315 = tpu.memref_slice %arg17[%dma_wait3A_313, %dma_wait3A_314] : memref<640x8xf32, #tpu.memory_space<vmem>> -> memref<80x8xf32, #tpu.memory_space<vmem>>
      tpu.wait_dma2 semaphore(%run_scoped3A_303 : memref<!tpu.dma_semaphore, #tpu.memory_space<semaphore_mem>>) src(%arg6 : memref<80x8xf32, #tpu.memory_space<hbm>>) dst(%dma_wait3A_315 : memref<80x8xf32, #tpu.memory_space<vmem>>)
      tpu.yield
    }) : () -> ()
    %scan3A_8 = arith.constant 0 : i32
    %scan3A_9 = arith.constant 0 : i32
    %scan3A_10 = arith.constant 8 : i32
    %scan3A_11 = arith.addi %scan3A_9, %scan3A_10 : i32
    %scan3A_12 = arith.constant 1 : i32
    scf.for %scan3A_303 = %scan3A_9 to %scan3A_11 step %scan3A_12  : i32 {
      %mul3A_304 = arith.constant 80 : i32
      %mul3A_305 = arith.muli %scan3A_303, %mul3A_304 : i32
      %add3A_306 = arith.addi %mul3A_2, %mul3A_305 : i32
      %dma_start3A_307 = arith.constant 1 : i32
      %dma_start3A_308 = arith.constant 0 : i32
      %dma_start3A_309 = arith.constant 0 : i32
      %dma_start3A_310 = tpu.memref_slice %arg17[%dma_start3A_308, %dma_start3A_309] : memref<640x8xf32, #tpu.memory_space<vmem>> -> memref<80x8xf32, #tpu.memory_space<vmem>>
      %dma_start3A_311 = arith.constant 0 : i32
      %dma_start3A_312 = tpu.memref_slice %arg18[%add3A_306, %dma_start3A_311] : memref<10240x8xf32, #tpu.memory_space<vmem_shared>> -> memref<80x8xf32, #tpu.memory_space<vmem_shared>>
      %dma_start3A_313 = tpu.memref_slice %arg14[%dma_start3A_307] : memref<3x!tpu.dma_semaphore, #tpu.memory_space<semaphore_mem>> -> memref<1x!tpu.dma_semaphore, #tpu.memory_space<semaphore_mem>>
      %dma_start3A_314 = tpu.memref_squeeze %dma_start3A_313 : memref<1x!tpu.dma_semaphore, #tpu.memory_space<semaphore_mem>> -> memref<!tpu.dma_semaphore, #tpu.memory_space<semaphore_mem>>
      %dma_start3A_315 = arith.constant 0 : i32
      %dma_start3A_316 = tpu.memref_slice %arg18[%add3A_306, %dma_start3A_315] : memref<10240x8xf32, #tpu.memory_space<vmem_shared>> -> memref<80x8xf32, #tpu.memory_space<vmem_shared>>
      %dma_start3A_317 = arith.constant 0 : i32
      %dma_start3A_318 = arith.constant 0 : i32
      %dma_start3A_319 = tpu.memref_slice %arg17[%dma_start3A_317, %dma_start3A_318] : memref<640x8xf32, #tpu.memory_space<vmem>> -> memref<80x8xf32, #tpu.memory_space<vmem>>
      tpu.enqueue_dma source(%dma_start3A_319 : memref<80x8xf32, #tpu.memory_space<vmem>>) target(%dma_start3A_316 : memref<80x8xf32, #tpu.memory_space<vmem_shared>>) target_semaphore(%dma_start3A_314 : memref<!tpu.dma_semaphore, #tpu.memory_space<semaphore_mem>>)
    }
    %scan3A_13 = arith.constant 8 : i32
    %mul3A_14 = arith.constant 125 : i32
    %mul3A_15 = arith.muli %add3A, %mul3A_14 : i32
    %add3A_16 = arith.constant 0 : i32
    %add3A_17 = arith.addi %mul3A_15, %add3A_16 : i32
    %mul3A_18 = arith.constant 80 : i32
    %mul3A_19 = arith.muli %add3A_17, %mul3A_18 : i32
    %dma_start3A = arith.constant 0 : i32
    %dma_start3A_20 = arith.constant 0 : i32
    %dma_start3A_21 = arith.constant 0 : i32
    %dma_start3A_22 = arith.constant 0 : i32
    %dma_start3A_23 = tpu.memref_slice %arg10[%dma_start3A, %dma_start3A_20, %dma_start3A_22] : memref<4x2x80xi32, #tpu.memory_space<vmem>> -> memref<1x1x80xi32, #tpu.memory_space<vmem>>
    %dma_start3A_24 = tpu.memref_squeeze %dma_start3A_23 : memref<1x1x80xi32, #tpu.memory_space<vmem>> -> memref<80xi32, #tpu.memory_space<vmem>>
    %dma_start3A_25 = tpu.memref_slice %arg3[%mul3A_19] : memref<320000xi32, #tpu.memory_space<hbm>> -> memref<80xi32, #tpu.memory_space<hbm>>
    %dma_start3A_26 = tpu.memref_slice %arg13[%dma_start3A_21] : memref<4x!tpu.dma_semaphore, #tpu.memory_space<semaphore_mem>> -> memref<1x!tpu.dma_semaphore, #tpu.memory_space<semaphore_mem>>
    %dma_start3A_27 = tpu.memref_squeeze %dma_start3A_26 : memref<1x!tpu.dma_semaphore, #tpu.memory_space<semaphore_mem>> -> memref<!tpu.dma_semaphore, #tpu.memory_space<semaphore_mem>>
    %dma_start3A_28 = arith.constant 0 : i32
    %dma_start3A_29 = tpu.memref_slice %arg10[%dma_start3A, %dma_start3A_20, %dma_start3A_28] : memref<4x2x80xi32, #tpu.memory_space<vmem>> -> memref<1x1x80xi32, #tpu.memory_space<vmem>>
    %dma_start3A_30 = tpu.memref_squeeze %dma_start3A_29 : memref<1x1x80xi32, #tpu.memory_space<vmem>> -> memref<80xi32, #tpu.memory_space<vmem>>
    %dma_start3A_31 = tpu.memref_slice %arg3[%mul3A_19] : memref<320000xi32, #tpu.memory_space<hbm>> -> memref<80xi32, #tpu.memory_space<hbm>>
    tpu.enqueue_dma source(%dma_start3A_31 : memref<80xi32, #tpu.memory_space<hbm>>) target(%dma_start3A_30 : memref<80xi32, #tpu.memory_space<vmem>>) target_semaphore(%dma_start3A_27 : memref<!tpu.dma_semaphore, #tpu.memory_space<semaphore_mem>>)
    %dma_start3A_32 = arith.constant 0 : i32
    %dma_start3A_33 = arith.constant 1 : i32
    %dma_start3A_34 = arith.constant 0 : i32
    %dma_start3A_35 = arith.constant 0 : i32
    %dma_start3A_36 = tpu.memref_slice %arg10[%dma_start3A_32, %dma_start3A_33, %dma_start3A_35] : memref<4x2x80xi32, #tpu.memory_space<vmem>> -> memref<1x1x80xi32, #tpu.memory_space<vmem>>
    %dma_start3A_37 = tpu.memref_squeeze %dma_start3A_36 : memref<1x1x80xi32, #tpu.memory_space<vmem>> -> memref<80xi32, #tpu.memory_space<vmem>>
    %dma_start3A_38 = tpu.memref_slice %arg4[%mul3A_19] : memref<320000xi32, #tpu.memory_space<hbm>> -> memref<80xi32, #tpu.memory_space<hbm>>
    %dma_start3A_39 = tpu.memref_slice %arg13[%dma_start3A_34] : memref<4x!tpu.dma_semaphore, #tpu.memory_space<semaphore_mem>> -> memref<1x!tpu.dma_semaphore, #tpu.memory_space<semaphore_mem>>
    %dma_start3A_40 = tpu.memref_squeeze %dma_start3A_39 : memref<1x!tpu.dma_semaphore, #tpu.memory_space<semaphore_mem>> -> memref<!tpu.dma_semaphore, #tpu.memory_space<semaphore_mem>>
    %dma_start3A_41 = arith.constant 0 : i32
    %dma_start3A_42 = tpu.memref_slice %arg10[%dma_start3A_32, %dma_start3A_33, %dma_start3A_41] : memref<4x2x80xi32, #tpu.memory_space<vmem>> -> memref<1x1x80xi32, #tpu.memory_space<vmem>>
    %dma_start3A_43 = tpu.memref_squeeze %dma_start3A_42 : memref<1x1x80xi32, #tpu.memory_space<vmem>> -> memref<80xi32, #tpu.memory_space<vmem>>
    %dma_start3A_44 = tpu.memref_slice %arg4[%mul3A_19] : memref<320000xi32, #tpu.memory_space<hbm>> -> memref<80xi32, #tpu.memory_space<hbm>>
    tpu.enqueue_dma source(%dma_start3A_44 : memref<80xi32, #tpu.memory_space<hbm>>) target(%dma_start3A_43 : memref<80xi32, #tpu.memory_space<vmem>>) target_semaphore(%dma_start3A_40 : memref<!tpu.dma_semaphore, #tpu.memory_space<semaphore_mem>>)
    %mul3A_45 = arith.constant 125 : i32
    %mul3A_46 = arith.muli %add3A, %mul3A_45 : i32
    %add3A_47 = arith.constant 1 : i32
    %add3A_48 = arith.addi %mul3A_46, %add3A_47 : i32
    %mul3A_49 = arith.constant 80 : i32
    %mul3A_50 = arith.muli %add3A_48, %mul3A_49 : i32
    %dma_start3A_51 = arith.constant 1 : i32
    %dma_start3A_52 = arith.constant 0 : i32
    %dma_start3A_53 = arith.constant 1 : i32
    %dma_start3A_54 = arith.constant 0 : i32
    %dma_start3A_55 = tpu.memref_slice %arg10[%dma_start3A_51, %dma_start3A_52, %dma_start3A_54] : memref<4x2x80xi32, #tpu.memory_space<vmem>> -> memref<1x1x80xi32, #tpu.memory_space<vmem>>
    %dma_start3A_56 = tpu.memref_squeeze %dma_start3A_55 : memref<1x1x80xi32, #tpu.memory_space<vmem>> -> memref<80xi32, #tpu.memory_space<vmem>>
    %dma_start3A_57 = tpu.memref_slice %arg3[%mul3A_50] : memref<320000xi32, #tpu.memory_space<hbm>> -> memref<80xi32, #tpu.memory_space<hbm>>
    %dma_start3A_58 = tpu.memref_slice %arg13[%dma_start3A_53] : memref<4x!tpu.dma_semaphore, #tpu.memory_space<semaphore_mem>> -> memref<1x!tpu.dma_semaphore, #tpu.memory_space<semaphore_mem>>
    %dma_start3A_59 = tpu.memref_squeeze %dma_start3A_58 : memref<1x!tpu.dma_semaphore, #tpu.memory_space<semaphore_mem>> -> memref<!tpu.dma_semaphore, #tpu.memory_space<semaphore_mem>>
    %dma_start3A_60 = arith.constant 0 : i32
    %dma_start3A_61 = tpu.memref_slice %arg10[%dma_start3A_51, %dma_start3A_52, %dma_start3A_60] : memref<4x2x80xi32, #tpu.memory_space<vmem>> -> memref<1x1x80xi32, #tpu.memory_space<vmem>>
    %dma_start3A_62 = tpu.memref_squeeze %dma_start3A_61 : memref<1x1x80xi32, #tpu.memory_space<vmem>> -> memref<80xi32, #tpu.memory_space<vmem>>
    %dma_start3A_63 = tpu.memref_slice %arg3[%mul3A_50] : memref<320000xi32, #tpu.memory_space<hbm>> -> memref<80xi32, #tpu.memory_space<hbm>>
    tpu.enqueue_dma source(%dma_start3A_63 : memref<80xi32, #tpu.memory_space<hbm>>) target(%dma_start3A_62 : memref<80xi32, #tpu.memory_space<vmem>>) target_semaphore(%dma_start3A_59 : memref<!tpu.dma_semaphore, #tpu.memory_space<semaphore_mem>>)
    %dma_start3A_64 = arith.constant 1 : i32
    %dma_start3A_65 = arith.constant 1 : i32
    %dma_start3A_66 = arith.constant 1 : i32
    %dma_start3A_67 = arith.constant 0 : i32
    %dma_start3A_68 = tpu.memref_slice %arg10[%dma_start3A_64, %dma_start3A_65, %dma_start3A_67] : memref<4x2x80xi32, #tpu.memory_space<vmem>> -> memref<1x1x80xi32, #tpu.memory_space<vmem>>
    %dma_start3A_69 = tpu.memref_squeeze %dma_start3A_68 : memref<1x1x80xi32, #tpu.memory_space<vmem>> -> memref<80xi32, #tpu.memory_space<vmem>>
    %dma_start3A_70 = tpu.memref_slice %arg4[%mul3A_50] : memref<320000xi32, #tpu.memory_space<hbm>> -> memref<80xi32, #tpu.memory_space<hbm>>
    %dma_start3A_71 = tpu.memref_slice %arg13[%dma_start3A_66] : memref<4x!tpu.dma_semaphore, #tpu.memory_space<semaphore_mem>> -> memref<1x!tpu.dma_semaphore, #tpu.memory_space<semaphore_mem>>
    %dma_start3A_72 = tpu.memref_squeeze %dma_start3A_71 : memref<1x!tpu.dma_semaphore, #tpu.memory_space<semaphore_mem>> -> memref<!tpu.dma_semaphore, #tpu.memory_space<semaphore_mem>>
    %dma_start3A_73 = arith.constant 0 : i32
    %dma_start3A_74 = tpu.memref_slice %arg10[%dma_start3A_64, %dma_start3A_65, %dma_start3A_73] : memref<4x2x80xi32, #tpu.memory_space<vmem>> -> memref<1x1x80xi32, #tpu.memory_space<vmem>>
    %dma_start3A_75 = tpu.memref_squeeze %dma_start3A_74 : memref<1x1x80xi32, #tpu.memory_space<vmem>> -> memref<80xi32, #tpu.memory_space<vmem>>
    %dma_start3A_76 = tpu.memref_slice %arg4[%mul3A_50] : memref<320000xi32, #tpu.memory_space<hbm>> -> memref<80xi32, #tpu.memory_space<hbm>>
    tpu.enqueue_dma source(%dma_start3A_76 : memref<80xi32, #tpu.memory_space<hbm>>) target(%dma_start3A_75 : memref<80xi32, #tpu.memory_space<vmem>>) target_semaphore(%dma_start3A_72 : memref<!tpu.dma_semaphore, #tpu.memory_space<semaphore_mem>>)
    %mul3A_77 = arith.constant 125 : i32
    %mul3A_78 = arith.muli %add3A, %mul3A_77 : i32
    %add3A_79 = arith.constant 2 : i32
    %add3A_80 = arith.addi %mul3A_78, %add3A_79 : i32
    %mul3A_81 = arith.constant 80 : i32
    %mul3A_82 = arith.muli %add3A_80, %mul3A_81 : i32
    %dma_start3A_83 = arith.constant 2 : i32
    %dma_start3A_84 = arith.constant 0 : i32
    %dma_start3A_85 = arith.constant 2 : i32
    %dma_start3A_86 = arith.constant 0 : i32
    %dma_start3A_87 = tpu.memref_slice %arg10[%dma_start3A_83, %dma_start3A_84, %dma_start3A_86] : memref<4x2x80xi32, #tpu.memory_space<vmem>> -> memref<1x1x80xi32, #tpu.memory_space<vmem>>
    %dma_start3A_88 = tpu.memref_squeeze %dma_start3A_87 : memref<1x1x80xi32, #tpu.memory_space<vmem>> -> memref<80xi32, #tpu.memory_space<vmem>>
    %dma_start3A_89 = tpu.memref_slice %arg3[%mul3A_82] : memref<320000xi32, #tpu.memory_space<hbm>> -> memref<80xi32, #tpu.memory_space<hbm>>
    %dma_start3A_90 = tpu.memref_slice %arg13[%dma_start3A_85] : memref<4x!tpu.dma_semaphore, #tpu.memory_space<semaphore_mem>> -> memref<1x!tpu.dma_semaphore, #tpu.memory_space<semaphore_mem>>
    %dma_start3A_91 = tpu.memref_squeeze %dma_start3A_90 : memref<1x!tpu.dma_semaphore, #tpu.memory_space<semaphore_mem>> -> memref<!tpu.dma_semaphore, #tpu.memory_space<semaphore_mem>>
    %dma_start3A_92 = arith.constant 0 : i32
    %dma_start3A_93 = tpu.memref_slice %arg10[%dma_start3A_83, %dma_start3A_84, %dma_start3A_92] : memref<4x2x80xi32, #tpu.memory_space<vmem>> -> memref<1x1x80xi32, #tpu.memory_space<vmem>>
    %dma_start3A_94 = tpu.memref_squeeze %dma_start3A_93 : memref<1x1x80xi32, #tpu.memory_space<vmem>> -> memref<80xi32, #tpu.memory_space<vmem>>
    %dma_start3A_95 = tpu.memref_slice %arg3[%mul3A_82] : memref<320000xi32, #tpu.memory_space<hbm>> -> memref<80xi32, #tpu.memory_space<hbm>>
    tpu.enqueue_dma source(%dma_start3A_95 : memref<80xi32, #tpu.memory_space<hbm>>) target(%dma_start3A_94 : memref<80xi32, #tpu.memory_space<vmem>>) target_semaphore(%dma_start3A_91 : memref<!tpu.dma_semaphore, #tpu.memory_space<semaphore_mem>>)
    %dma_start3A_96 = arith.constant 2 : i32
    %dma_start3A_97 = arith.constant 1 : i32
    %dma_start3A_98 = arith.constant 2 : i32
    %dma_start3A_99 = arith.constant 0 : i32
    %dma_start3A_100 = tpu.memref_slice %arg10[%dma_start3A_96, %dma_start3A_97, %dma_start3A_99] : memref<4x2x80xi32, #tpu.memory_space<vmem>> -> memref<1x1x80xi32, #tpu.memory_space<vmem>>
    %dma_start3A_101 = tpu.memref_squeeze %dma_start3A_100 : memref<1x1x80xi32, #tpu.memory_space<vmem>> -> memref<80xi32, #tpu.memory_space<vmem>>
    %dma_start3A_102 = tpu.memref_slice %arg4[%mul3A_82] : memref<320000xi32, #tpu.memory_space<hbm>> -> memref<80xi32, #tpu.memory_space<hbm>>
    %dma_start3A_103 = tpu.memref_slice %arg13[%dma_start3A_98] : memref<4x!tpu.dma_semaphore, #tpu.memory_space<semaphore_mem>> -> memref<1x!tpu.dma_semaphore, #tpu.memory_space<semaphore_mem>>
    %dma_start3A_104 = tpu.memref_squeeze %dma_start3A_103 : memref<1x!tpu.dma_semaphore, #tpu.memory_space<semaphore_mem>> -> memref<!tpu.dma_semaphore, #tpu.memory_space<semaphore_mem>>
    %dma_start3A_105 = arith.constant 0 : i32
    %dma_start3A_106 = tpu.memref_slice %arg10[%dma_start3A_96, %dma_start3A_97, %dma_start3A_105] : memref<4x2x80xi32, #tpu.memory_space<vmem>> -> memref<1x1x80xi32, #tpu.memory_space<vmem>>
    %dma_start3A_107 = tpu.memref_squeeze %dma_start3A_106 : memref<1x1x80xi32, #tpu.memory_space<vmem>> -> memref<80xi32, #tpu.memory_space<vmem>>
    %dma_start3A_108 = tpu.memref_slice %arg4[%mul3A_82] : memref<320000xi32, #tpu.memory_space<hbm>> -> memref<80xi32, #tpu.memory_space<hbm>>
    tpu.enqueue_dma source(%dma_start3A_108 : memref<80xi32, #tpu.memory_space<hbm>>) target(%dma_start3A_107 : memref<80xi32, #tpu.memory_space<vmem>>) target_semaphore(%dma_start3A_104 : memref<!tpu.dma_semaphore, #tpu.memory_space<semaphore_mem>>)
    %scan3A_109 = arith.constant 0 : i32
    %scan3A_110 = arith.constant 0 : i32
    %scan3A_111 = arith.constant 8 : i32
    %scan3A_112 = arith.addi %scan3A_110, %scan3A_111 : i32
    %scan3A_113 = arith.constant 1 : i32
    scf.for %scan3A_303 = %scan3A_110 to %scan3A_112 step %scan3A_113  : i32 {
      %dma_wait3A_304 = arith.constant 0 : i32
      %dma_wait3A_305 = arith.constant 0 : i32
      %dma_wait3A_306 = arith.constant 0 : i32
      %dma_wait3A_307 = arith.constant 0 : i32
      %dma_wait3A_308 = tpu.memref_slice %arg11[%dma_wait3A_304, %dma_wait3A_306, %dma_wait3A_307] : memref<3x80x128xf32, #tpu.memory_space<vmem>> -> memref<1x80x128xf32, #tpu.memory_space<vmem>>
      %dma_wait3A_309 = tpu.memref_squeeze %dma_wait3A_308 : memref<1x80x128xf32, #tpu.memory_space<vmem>> -> memref<80x128xf32, #tpu.memory_space<vmem>>
      %dma_wait3A_310 = arith.constant 0 : i32
      %dma_wait3A_311 = tpu.memref_slice %arg15[%mul3A_2, %dma_wait3A_310] : memref<10240x128xf32, #tpu.memory_space<vmem_shared>> -> memref<80x128xf32, #tpu.memory_space<vmem_shared>>
      %dma_wait3A_312 = tpu.memref_slice %arg14[%dma_wait3A_305] : memref<3x!tpu.dma_semaphore, #tpu.memory_space<semaphore_mem>> -> memref<1x!tpu.dma_semaphore, #tpu.memory_space<semaphore_mem>>
      %dma_wait3A_313 = tpu.memref_squeeze %dma_wait3A_312 : memref<1x!tpu.dma_semaphore, #tpu.memory_space<semaphore_mem>> -> memref<!tpu.dma_semaphore, #tpu.memory_space<semaphore_mem>>
      %dma_wait3A_314 = arith.constant 0 : i32
      %dma_wait3A_315 = tpu.memref_slice %arg15[%mul3A_2, %dma_wait3A_314] : memref<10240x128xf32, #tpu.memory_space<vmem_shared>> -> memref<80x128xf32, #tpu.memory_space<vmem_shared>>
      %dma_wait3A_316 = arith.constant 0 : i32
      %dma_wait3A_317 = arith.constant 0 : i32
      %dma_wait3A_318 = tpu.memref_slice %arg11[%dma_wait3A_304, %dma_wait3A_316, %dma_wait3A_317] : memref<3x80x128xf32, #tpu.memory_space<vmem>> -> memref<1x80x128xf32, #tpu.memory_space<vmem>>
      %dma_wait3A_319 = tpu.memref_squeeze %dma_wait3A_318 : memref<1x80x128xf32, #tpu.memory_space<vmem>> -> memref<80x128xf32, #tpu.memory_space<vmem>>
      tpu.wait_dma2 semaphore(%dma_wait3A_313 : memref<!tpu.dma_semaphore, #tpu.memory_space<semaphore_mem>>) src(%dma_wait3A_319 : memref<80x128xf32, #tpu.memory_space<vmem>>) dst(%dma_wait3A_315 : memref<80x128xf32, #tpu.memory_space<vmem_shared>>)
    }
    %scan3A_114 = arith.constant 8 : i32
    %scan3A_115 = arith.constant 0 : i32
    %scan3A_116 = arith.constant 0 : i32
    %scan3A_117 = arith.constant 8 : i32
    %scan3A_118 = arith.addi %scan3A_116, %scan3A_117 : i32
    %scan3A_119 = arith.constant 1 : i32
    scf.for %scan3A_303 = %scan3A_116 to %scan3A_118 step %scan3A_119  : i32 {
      %dma_wait3A_304 = arith.constant 1 : i32
      %dma_wait3A_305 = arith.constant 0 : i32
      %dma_wait3A_306 = arith.constant 0 : i32
      %dma_wait3A_307 = tpu.memref_slice %arg17[%dma_wait3A_305, %dma_wait3A_306] : memref<640x8xf32, #tpu.memory_space<vmem>> -> memref<80x8xf32, #tpu.memory_space<vmem>>
      %dma_wait3A_308 = arith.constant 0 : i32
      %dma_wait3A_309 = tpu.memref_slice %arg18[%mul3A_2, %dma_wait3A_308] : memref<10240x8xf32, #tpu.memory_space<vmem_shared>> -> memref<80x8xf32, #tpu.memory_space<vmem_shared>>
      %dma_wait3A_310 = tpu.memref_slice %arg14[%dma_wait3A_304] : memref<3x!tpu.dma_semaphore, #tpu.memory_space<semaphore_mem>> -> memref<1x!tpu.dma_semaphore, #tpu.memory_space<semaphore_mem>>
      %dma_wait3A_311 = tpu.memref_squeeze %dma_wait3A_310 : memref<1x!tpu.dma_semaphore, #tpu.memory_space<semaphore_mem>> -> memref<!tpu.dma_semaphore, #tpu.memory_space<semaphore_mem>>
      %dma_wait3A_312 = arith.constant 0 : i32
      %dma_wait3A_313 = tpu.memref_slice %arg18[%mul3A_2, %dma_wait3A_312] : memref<10240x8xf32, #tpu.memory_space<vmem_shared>> -> memref<80x8xf32, #tpu.memory_space<vmem_shared>>
      %dma_wait3A_314 = arith.constant 0 : i32
      %dma_wait3A_315 = arith.constant 0 : i32
      %dma_wait3A_316 = tpu.memref_slice %arg17[%dma_wait3A_314, %dma_wait3A_315] : memref<640x8xf32, #tpu.memory_space<vmem>> -> memref<80x8xf32, #tpu.memory_space<vmem>>
      tpu.wait_dma2 semaphore(%dma_wait3A_311 : memref<!tpu.dma_semaphore, #tpu.memory_space<semaphore_mem>>) src(%dma_wait3A_316 : memref<80x8xf32, #tpu.memory_space<vmem>>) dst(%dma_wait3A_313 : memref<80x8xf32, #tpu.memory_space<vmem_shared>>)
    }
    %scan3A_120 = arith.constant 8 : i32
    %barrier3A = arith.constant 0 : index
    tpu.barrier barrier_id(%barrier3A)
    %mul3A_121 = arith.constant 125 : i32
    %mul3A_122 = arith.muli %add3A, %mul3A_121 : i32
    %add3A_123 = arith.constant 0 : i32
    %add3A_124 = arith.addi %mul3A_122, %add3A_123 : i32
    %mul3A_125 = arith.constant 80 : i32
    %mul3A_126 = arith.muli %add3A_124, %mul3A_125 : i32
    %dma_wait3A = arith.constant 0 : i32
    %dma_wait3A_127 = arith.constant 0 : i32
    %dma_wait3A_128 = arith.constant 0 : i32
    %dma_wait3A_129 = arith.constant 0 : i32
    %dma_wait3A_130 = tpu.memref_slice %arg10[%dma_wait3A, %dma_wait3A_127, %dma_wait3A_129] : memref<4x2x80xi32, #tpu.memory_space<vmem>> -> memref<1x1x80xi32, #tpu.memory_space<vmem>>
    %dma_wait3A_131 = tpu.memref_squeeze %dma_wait3A_130 : memref<1x1x80xi32, #tpu.memory_space<vmem>> -> memref<80xi32, #tpu.memory_space<vmem>>
    %dma_wait3A_132 = tpu.memref_slice %arg3[%mul3A_126] : memref<320000xi32, #tpu.memory_space<hbm>> -> memref<80xi32, #tpu.memory_space<hbm>>
    %dma_wait3A_133 = tpu.memref_slice %arg13[%dma_wait3A_128] : memref<4x!tpu.dma_semaphore, #tpu.memory_space<semaphore_mem>> -> memref<1x!tpu.dma_semaphore, #tpu.memory_space<semaphore_mem>>
    %dma_wait3A_134 = tpu.memref_squeeze %dma_wait3A_133 : memref<1x!tpu.dma_semaphore, #tpu.memory_space<semaphore_mem>> -> memref<!tpu.dma_semaphore, #tpu.memory_space<semaphore_mem>>
    %dma_wait3A_135 = arith.constant 0 : i32
    %dma_wait3A_136 = tpu.memref_slice %arg10[%dma_wait3A, %dma_wait3A_127, %dma_wait3A_135] : memref<4x2x80xi32, #tpu.memory_space<vmem>> -> memref<1x1x80xi32, #tpu.memory_space<vmem>>
    %dma_wait3A_137 = tpu.memref_squeeze %dma_wait3A_136 : memref<1x1x80xi32, #tpu.memory_space<vmem>> -> memref<80xi32, #tpu.memory_space<vmem>>
    %dma_wait3A_138 = tpu.memref_slice %arg3[%mul3A_126] : memref<320000xi32, #tpu.memory_space<hbm>> -> memref<80xi32, #tpu.memory_space<hbm>>
    tpu.wait_dma2 semaphore(%dma_wait3A_134 : memref<!tpu.dma_semaphore, #tpu.memory_space<semaphore_mem>>) src(%dma_wait3A_138 : memref<80xi32, #tpu.memory_space<hbm>>) dst(%dma_wait3A_137 : memref<80xi32, #tpu.memory_space<vmem>>)
    %dma_wait3A_139 = arith.constant 0 : i32
    %dma_wait3A_140 = arith.constant 1 : i32
    %dma_wait3A_141 = arith.constant 0 : i32
    %dma_wait3A_142 = arith.constant 0 : i32
    %dma_wait3A_143 = tpu.memref_slice %arg10[%dma_wait3A_139, %dma_wait3A_140, %dma_wait3A_142] : memref<4x2x80xi32, #tpu.memory_space<vmem>> -> memref<1x1x80xi32, #tpu.memory_space<vmem>>
    %dma_wait3A_144 = tpu.memref_squeeze %dma_wait3A_143 : memref<1x1x80xi32, #tpu.memory_space<vmem>> -> memref<80xi32, #tpu.memory_space<vmem>>
    %dma_wait3A_145 = tpu.memref_slice %arg4[%mul3A_126] : memref<320000xi32, #tpu.memory_space<hbm>> -> memref<80xi32, #tpu.memory_space<hbm>>
    %dma_wait3A_146 = tpu.memref_slice %arg13[%dma_wait3A_141] : memref<4x!tpu.dma_semaphore, #tpu.memory_space<semaphore_mem>> -> memref<1x!tpu.dma_semaphore, #tpu.memory_space<semaphore_mem>>
    %dma_wait3A_147 = tpu.memref_squeeze %dma_wait3A_146 : memref<1x!tpu.dma_semaphore, #tpu.memory_space<semaphore_mem>> -> memref<!tpu.dma_semaphore, #tpu.memory_space<semaphore_mem>>
    %dma_wait3A_148 = arith.constant 0 : i32
    %dma_wait3A_149 = tpu.memref_slice %arg10[%dma_wait3A_139, %dma_wait3A_140, %dma_wait3A_148] : memref<4x2x80xi32, #tpu.memory_space<vmem>> -> memref<1x1x80xi32, #tpu.memory_space<vmem>>
    %dma_wait3A_150 = tpu.memref_squeeze %dma_wait3A_149 : memref<1x1x80xi32, #tpu.memory_space<vmem>> -> memref<80xi32, #tpu.memory_space<vmem>>
    %dma_wait3A_151 = tpu.memref_slice %arg4[%mul3A_126] : memref<320000xi32, #tpu.memory_space<hbm>> -> memref<80xi32, #tpu.memory_space<hbm>>
    tpu.wait_dma2 semaphore(%dma_wait3A_147 : memref<!tpu.dma_semaphore, #tpu.memory_space<semaphore_mem>>) src(%dma_wait3A_151 : memref<80xi32, #tpu.memory_space<hbm>>) dst(%dma_wait3A_150 : memref<80xi32, #tpu.memory_space<vmem>>)
    %dma_start3A_152 = arith.constant 0 : i32
    %dma_start3A_153 = arith.constant 0 : i32
    %dma_start3A_154 = arith.constant 0 : i32
    %dma_start3A_155 = arith.constant 0 : i32
    %dma_start3A_156 = arith.constant 0 : i32
    %dma_start3A_157 = arith.constant 0 : i32
    %dma_start3A_158 = tpu.memref_slice %arg11[%dma_start3A_154, %dma_start3A_156, %dma_start3A_157] : memref<3x80x128xf32, #tpu.memory_space<vmem>> -> memref<1x80x128xf32, #tpu.memory_space<vmem>>
    %dma_start3A_159 = tpu.memref_squeeze %dma_start3A_158 : memref<1x80x128xf32, #tpu.memory_space<vmem>> -> memref<80x128xf32, #tpu.memory_space<vmem>>
    %dma_start3A_160 = arith.constant 0 : i32
    %dma_start3A_161 = tpu.memref_slice %arg10[%dma_start3A_152, %dma_start3A_153, %dma_start3A_160] : memref<4x2x80xi32, #tpu.memory_space<vmem>> -> memref<1x1x80xi32, #tpu.memory_space<vmem>>
    %dma_start3A_162 = tpu.memref_squeeze %dma_start3A_161 : memref<1x1x80xi32, #tpu.memory_space<vmem>> -> memref<80xi32, #tpu.memory_space<vmem>>
    %dma_start3A_163 = arith.constant 0 : i32
    %dma_start3A_164 = arith.constant 0 : i32
    %dma_start3A_165 = tpu.memref_slice %arg2[%dma_start3A_163, %dma_start3A_164] : memref<10000x128xf32, #tpu.memory_space<hbm>> -> memref<10000x128xf32, #tpu.memory_space<hbm>>
    %dma_start3A_166 = tpu.memref_slice %arg12[%dma_start3A_155] : memref<3x!tpu.dma_semaphore, #tpu.memory_space<semaphore_mem>> -> memref<1x!tpu.dma_semaphore, #tpu.memory_space<semaphore_mem>>
    %dma_start3A_167 = tpu.memref_squeeze %dma_start3A_166 : memref<1x!tpu.dma_semaphore, #tpu.memory_space<semaphore_mem>> -> memref<!tpu.dma_semaphore, #tpu.memory_space<semaphore_mem>>
    tpu.enqueue_indirect_dma source(%dma_start3A_165 : memref<10000x128xf32, #tpu.memory_space<hbm>>) target(%dma_start3A_159 : memref<80x128xf32, #tpu.memory_space<vmem>>) offsets(%dma_start3A_162 : memref<80xi32, #tpu.memory_space<vmem>>) semaphore(%dma_start3A_167 : memref<!tpu.dma_semaphore, #tpu.memory_space<semaphore_mem>>)
    %mul3A_168 = arith.constant 125 : i32
    %mul3A_169 = arith.muli %add3A, %mul3A_168 : i32
    %add3A_170 = arith.constant 1 : i32
    %add3A_171 = arith.addi %mul3A_169, %add3A_170 : i32
    %mul3A_172 = arith.constant 80 : i32
    %mul3A_173 = arith.muli %add3A_171, %mul3A_172 : i32
    %dma_wait3A_174 = arith.constant 1 : i32
    %dma_wait3A_175 = arith.constant 0 : i32
    %dma_wait3A_176 = arith.constant 1 : i32
    %dma_wait3A_177 = arith.constant 0 : i32
    %dma_wait3A_178 = tpu.memref_slice %arg10[%dma_wait3A_174, %dma_wait3A_175, %dma_wait3A_177] : memref<4x2x80xi32, #tpu.memory_space<vmem>> -> memref<1x1x80xi32, #tpu.memory_space<vmem>>
    %dma_wait3A_179 = tpu.memref_squeeze %dma_wait3A_178 : memref<1x1x80xi32, #tpu.memory_space<vmem>> -> memref<80xi32, #tpu.memory_space<vmem>>
    %dma_wait3A_180 = tpu.memref_slice %arg3[%mul3A_173] : memref<320000xi32, #tpu.memory_space<hbm>> -> memref<80xi32, #tpu.memory_space<hbm>>
    %dma_wait3A_181 = tpu.memref_slice %arg13[%dma_wait3A_176] : memref<4x!tpu.dma_semaphore, #tpu.memory_space<semaphore_mem>> -> memref<1x!tpu.dma_semaphore, #tpu.memory_space<semaphore_mem>>
    %dma_wait3A_182 = tpu.memref_squeeze %dma_wait3A_181 : memref<1x!tpu.dma_semaphore, #tpu.memory_space<semaphore_mem>> -> memref<!tpu.dma_semaphore, #tpu.memory_space<semaphore_mem>>
    %dma_wait3A_183 = arith.constant 0 : i32
    %dma_wait3A_184 = tpu.memref_slice %arg10[%dma_wait3A_174, %dma_wait3A_175, %dma_wait3A_183] : memref<4x2x80xi32, #tpu.memory_space<vmem>> -> memref<1x1x80xi32, #tpu.memory_space<vmem>>
    %dma_wait3A_185 = tpu.memref_squeeze %dma_wait3A_184 : memref<1x1x80xi32, #tpu.memory_space<vmem>> -> memref<80xi32, #tpu.memory_space<vmem>>
    %dma_wait3A_186 = tpu.memref_slice %arg3[%mul3A_173] : memref<320000xi32, #tpu.memory_space<hbm>> -> memref<80xi32, #tpu.memory_space<hbm>>
    tpu.wait_dma2 semaphore(%dma_wait3A_182 : memref<!tpu.dma_semaphore, #tpu.memory_space<semaphore_mem>>) src(%dma_wait3A_186 : memref<80xi32, #tpu.memory_space<hbm>>) dst(%dma_wait3A_185 : memref<80xi32, #tpu.memory_space<vmem>>)
    %dma_wait3A_187 = arith.constant 1 : i32
    %dma_wait3A_188 = arith.constant 1 : i32
    %dma_wait3A_189 = arith.constant 1 : i32
    %dma_wait3A_190 = arith.constant 0 : i32
    %dma_wait3A_191 = tpu.memref_slice %arg10[%dma_wait3A_187, %dma_wait3A_188, %dma_wait3A_190] : memref<4x2x80xi32, #tpu.memory_space<vmem>> -> memref<1x1x80xi32, #tpu.memory_space<vmem>>
    %dma_wait3A_192 = tpu.memref_squeeze %dma_wait3A_191 : memref<1x1x80xi32, #tpu.memory_space<vmem>> -> memref<80xi32, #tpu.memory_space<vmem>>
    %dma_wait3A_193 = tpu.memref_slice %arg4[%mul3A_173] : memref<320000xi32, #tpu.memory_space<hbm>> -> memref<80xi32, #tpu.memory_space<hbm>>
    %dma_wait3A_194 = tpu.memref_slice %arg13[%dma_wait3A_189] : memref<4x!tpu.dma_semaphore, #tpu.memory_space<semaphore_mem>> -> memref<1x!tpu.dma_semaphore, #tpu.memory_space<semaphore_mem>>
    %dma_wait3A_195 = tpu.memref_squeeze %dma_wait3A_194 : memref<1x!tpu.dma_semaphore, #tpu.memory_space<semaphore_mem>> -> memref<!tpu.dma_semaphore, #tpu.memory_space<semaphore_mem>>
    %dma_wait3A_196 = arith.constant 0 : i32
    %dma_wait3A_197 = tpu.memref_slice %arg10[%dma_wait3A_187, %dma_wait3A_188, %dma_wait3A_196] : memref<4x2x80xi32, #tpu.memory_space<vmem>> -> memref<1x1x80xi32, #tpu.memory_space<vmem>>
    %dma_wait3A_198 = tpu.memref_squeeze %dma_wait3A_197 : memref<1x1x80xi32, #tpu.memory_space<vmem>> -> memref<80xi32, #tpu.memory_space<vmem>>
    %dma_wait3A_199 = tpu.memref_slice %arg4[%mul3A_173] : memref<320000xi32, #tpu.memory_space<hbm>> -> memref<80xi32, #tpu.memory_space<hbm>>
    tpu.wait_dma2 semaphore(%dma_wait3A_195 : memref<!tpu.dma_semaphore, #tpu.memory_space<semaphore_mem>>) src(%dma_wait3A_199 : memref<80xi32, #tpu.memory_space<hbm>>) dst(%dma_wait3A_198 : memref<80xi32, #tpu.memory_space<vmem>>)
    %dma_start3A_200 = arith.constant 1 : i32
    %dma_start3A_201 = arith.constant 0 : i32
    %dma_start3A_202 = arith.constant 1 : i32
    %dma_start3A_203 = arith.constant 1 : i32
    %dma_start3A_204 = arith.constant 0 : i32
    %dma_start3A_205 = arith.constant 0 : i32
    %dma_start3A_206 = tpu.memref_slice %arg11[%dma_start3A_202, %dma_start3A_204, %dma_start3A_205] : memref<3x80x128xf32, #tpu.memory_space<vmem>> -> memref<1x80x128xf32, #tpu.memory_space<vmem>>
    %dma_start3A_207 = tpu.memref_squeeze %dma_start3A_206 : memref<1x80x128xf32, #tpu.memory_space<vmem>> -> memref<80x128xf32, #tpu.memory_space<vmem>>
    %dma_start3A_208 = arith.constant 0 : i32
    %dma_start3A_209 = tpu.memref_slice %arg10[%dma_start3A_200, %dma_start3A_201, %dma_start3A_208] : memref<4x2x80xi32, #tpu.memory_space<vmem>> -> memref<1x1x80xi32, #tpu.memory_space<vmem>>
    %dma_start3A_210 = tpu.memref_squeeze %dma_start3A_209 : memref<1x1x80xi32, #tpu.memory_space<vmem>> -> memref<80xi32, #tpu.memory_space<vmem>>
    %dma_start3A_211 = arith.constant 0 : i32
    %dma_start3A_212 = arith.constant 0 : i32
    %dma_start3A_213 = tpu.memref_slice %arg2[%dma_start3A_211, %dma_start3A_212] : memref<10000x128xf32, #tpu.memory_space<hbm>> -> memref<10000x128xf32, #tpu.memory_space<hbm>>
    %dma_start3A_214 = tpu.memref_slice %arg12[%dma_start3A_203] : memref<3x!tpu.dma_semaphore, #tpu.memory_space<semaphore_mem>> -> memref<1x!tpu.dma_semaphore, #tpu.memory_space<semaphore_mem>>
    %dma_start3A_215 = tpu.memref_squeeze %dma_start3A_214 : memref<1x!tpu.dma_semaphore, #tpu.memory_space<semaphore_mem>> -> memref<!tpu.dma_semaphore, #tpu.memory_space<semaphore_mem>>
    tpu.enqueue_indirect_dma source(%dma_start3A_213 : memref<10000x128xf32, #tpu.memory_space<hbm>>) target(%dma_start3A_207 : memref<80x128xf32, #tpu.memory_space<vmem>>) offsets(%dma_start3A_210 : memref<80xi32, #tpu.memory_space<vmem>>) semaphore(%dma_start3A_215 : memref<!tpu.dma_semaphore, #tpu.memory_space<semaphore_mem>>)
    %scan3A_216 = arith.constant 0 : i32
    %scan3A_217 = arith.constant 0 : i32
    %scan3A_218 = arith.constant 125 : i32
    %scan3A_219 = arith.addi %scan3A_217, %scan3A_218 : i32
    %scan3A_220 = arith.constant 1 : i32
    scf.for %scan3A_303 = %scan3A_217 to %scan3A_219 step %scan3A_220  : i32 {
      %rem3A = arith.constant 3 : i32
      %rem3A_304 = arith.remsi %scan3A_303, %rem3A : i32
      %rem3A_305 = arith.constant 4 : i32
      %rem3A_306 = arith.remsi %scan3A_303, %rem3A_305 : i32
      %dma_wait3A_307 = arith.constant 0 : i32
      %dma_wait3A_308 = arith.constant 0 : i32
      %dma_wait3A_309 = arith.constant 0 : i32
      %dma_wait3A_310 = tpu.memref_slice %arg11[%rem3A_304, %dma_wait3A_308, %dma_wait3A_309] : memref<3x80x128xf32, #tpu.memory_space<vmem>> -> memref<1x80x128xf32, #tpu.memory_space<vmem>>
      %dma_wait3A_311 = tpu.memref_squeeze %dma_wait3A_310 : memref<1x80x128xf32, #tpu.memory_space<vmem>> -> memref<80x128xf32, #tpu.memory_space<vmem>>
      %dma_wait3A_312 = arith.constant 0 : i32
      %dma_wait3A_313 = tpu.memref_slice %arg10[%rem3A_306, %dma_wait3A_307, %dma_wait3A_312] : memref<4x2x80xi32, #tpu.memory_space<vmem>> -> memref<1x1x80xi32, #tpu.memory_space<vmem>>
      %dma_wait3A_314 = tpu.memref_squeeze %dma_wait3A_313 : memref<1x1x80xi32, #tpu.memory_space<vmem>> -> memref<80xi32, #tpu.memory_space<vmem>>
      %dma_wait3A_315 = arith.constant 0 : i32
      %dma_wait3A_316 = arith.constant 0 : i32
      %dma_wait3A_317 = tpu.memref_slice %arg2[%dma_wait3A_315, %dma_wait3A_316] : memref<10000x128xf32, #tpu.memory_space<hbm>> -> memref<10000x128xf32, #tpu.memory_space<hbm>>
      %dma_wait3A_318 = tpu.memref_slice %arg12[%rem3A_304] : memref<3x!tpu.dma_semaphore, #tpu.memory_space<semaphore_mem>> -> memref<1x!tpu.dma_semaphore, #tpu.memory_space<semaphore_mem>>
      %dma_wait3A_319 = tpu.memref_squeeze %dma_wait3A_318 : memref<1x!tpu.dma_semaphore, #tpu.memory_space<semaphore_mem>> -> memref<!tpu.dma_semaphore, #tpu.memory_space<semaphore_mem>>
      tpu.wait_indirect_dma semaphore(%dma_wait3A_319 : memref<!tpu.dma_semaphore, #tpu.memory_space<semaphore_mem>>) src(%dma_wait3A_317 : memref<10000x128xf32, #tpu.memory_space<hbm>>) dst(%dma_wait3A_311 : memref<80x128xf32, #tpu.memory_space<vmem>>)
      %dma_start3A_320 = arith.constant 1 : i32
      %dma_start3A_321 = arith.constant 0 : i32
      %dma_start3A_322 = arith.constant 0 : i32
      %dma_start3A_323 = tpu.memref_slice %arg11[%rem3A_304, %dma_start3A_321, %dma_start3A_322] : memref<3x80x128xf32, #tpu.memory_space<vmem>> -> memref<1x80x128xf32, #tpu.memory_space<vmem>>
      %dma_start3A_324 = tpu.memref_squeeze %dma_start3A_323 : memref<1x80x128xf32, #tpu.memory_space<vmem>> -> memref<80x128xf32, #tpu.memory_space<vmem>>
      %dma_start3A_325 = arith.constant 0 : i32
      %dma_start3A_326 = tpu.memref_slice %arg10[%rem3A_306, %dma_start3A_320, %dma_start3A_325] : memref<4x2x80xi32, #tpu.memory_space<vmem>> -> memref<1x1x80xi32, #tpu.memory_space<vmem>>
      %dma_start3A_327 = tpu.memref_squeeze %dma_start3A_326 : memref<1x1x80xi32, #tpu.memory_space<vmem>> -> memref<80xi32, #tpu.memory_space<vmem>>
      %dma_start3A_328 = arith.constant 0 : i32
      %dma_start3A_329 = arith.constant 0 : i32
      %dma_start3A_330 = tpu.memref_slice %arg15[%dma_start3A_328, %dma_start3A_329] : memref<10240x128xf32, #tpu.memory_space<vmem_shared>> -> memref<10240x128xf32, #tpu.memory_space<vmem_shared>>
      %dma_start3A_331 = tpu.memref_slice %arg14[%rem3A_304] : memref<3x!tpu.dma_semaphore, #tpu.memory_space<semaphore_mem>> -> memref<1x!tpu.dma_semaphore, #tpu.memory_space<semaphore_mem>>
      %dma_start3A_332 = tpu.memref_squeeze %dma_start3A_331 : memref<1x!tpu.dma_semaphore, #tpu.memory_space<semaphore_mem>> -> memref<!tpu.dma_semaphore, #tpu.memory_space<semaphore_mem>>
      tpu.enqueue_indirect_dma source(%dma_start3A_324 : memref<80x128xf32, #tpu.memory_space<vmem>>) target(%dma_start3A_330 : memref<10240x128xf32, #tpu.memory_space<vmem_shared>>) offsets(%dma_start3A_327 : memref<80xi32, #tpu.memory_space<vmem>>) semaphore(%dma_start3A_332 : memref<!tpu.dma_semaphore, #tpu.memory_space<semaphore_mem>>) {add = true}
      %run_scoped3A_333 = arith.constant 1 : i32
      "tpu.region"() ({
        %run_scoped3A_349 = tpu.sem_alloc : memref<!tpu.dma_semaphore, #tpu.memory_space<semaphore_mem>>
        %dma_start3A_350 = arith.constant 0 : i32
        %dma_start3A_351 = tpu.memref_slice %arg10[%rem3A_306, %run_scoped3A_333, %dma_start3A_350] : memref<4x2x80xi32, #tpu.memory_space<vmem>> -> memref<1x1x80xi32, #tpu.memory_space<vmem>>
        %dma_start3A_352 = tpu.memref_squeeze %dma_start3A_351 : memref<1x1x80xi32, #tpu.memory_space<vmem>> -> memref<80xi32, #tpu.memory_space<vmem>>
        %dma_start3A_353 = arith.constant 0 : i32
        %dma_start3A_354 = arith.constant 0 : i32
        %dma_start3A_355 = tpu.memref_slice %arg18[%dma_start3A_353, %dma_start3A_354] : memref<10240x8xf32, #tpu.memory_space<vmem_shared>> -> memref<10240x8xf32, #tpu.memory_space<vmem_shared>>
        tpu.enqueue_indirect_dma source(%arg16 : memref<80x8xf32, #tpu.memory_space<vmem>>) target(%dma_start3A_355 : memref<10240x8xf32, #tpu.memory_space<vmem_shared>>) offsets(%dma_start3A_352 : memref<80xi32, #tpu.memory_space<vmem>>) semaphore(%run_scoped3A_349 : memref<!tpu.dma_semaphore, #tpu.memory_space<semaphore_mem>>) {add = true}
        %dma_wait3A_356 = arith.constant 0 : i32
        %dma_wait3A_357 = tpu.memref_slice %arg10[%rem3A_306, %run_scoped3A_333, %dma_wait3A_356] : memref<4x2x80xi32, #tpu.memory_space<vmem>> -> memref<1x1x80xi32, #tpu.memory_space<vmem>>
        %dma_wait3A_358 = tpu.memref_squeeze %dma_wait3A_357 : memref<1x1x80xi32, #tpu.memory_space<vmem>> -> memref<80xi32, #tpu.memory_space<vmem>>
        %dma_wait3A_359 = arith.constant 0 : i32
        %dma_wait3A_360 = arith.constant 0 : i32
        %dma_wait3A_361 = tpu.memref_slice %arg18[%dma_wait3A_359, %dma_wait3A_360] : memref<10240x8xf32, #tpu.memory_space<vmem_shared>> -> memref<10240x8xf32, #tpu.memory_space<vmem_shared>>
        tpu.wait_indirect_dma semaphore(%run_scoped3A_349 : memref<!tpu.dma_semaphore, #tpu.memory_space<semaphore_mem>>) src(%arg16 : memref<80x8xf32, #tpu.memory_space<vmem>>) dst(%dma_wait3A_361 : memref<10240x8xf32, #tpu.memory_space<vmem_shared>>)
        tpu.yield
      }) : () -> ()
      %ge3A = arith.constant 1 : i32
      %ge3A_334 = arith.cmpi sge, %scan3A_303, %ge3A : i32
      %convert_element_type3A = arith.extui %ge3A_334 : i1 to i32
      %cond3A = arith.constant 0 : i32
      %cond3A_335 = arith.cmpi ne, %convert_element_type3A, %cond3A : i32
      scf.if %cond3A_335 {
        %sub3A = arith.constant 1 : i32
        %sub3A_349 = arith.subi %scan3A_303, %sub3A : i32
        %rem3A_350 = arith.constant 4 : i32
        %rem3A_351 = arith.remsi %sub3A_349, %rem3A_350 : i32
        %add3A_352 = arith.constant 2 : i32
        %add3A_353 = arith.addi %scan3A_303, %add3A_352 : i32
        %rem3A_354 = arith.constant 3 : i32
        %rem3A_355 = arith.remsi %add3A_353, %rem3A_354 : i32
        %dma_wait3A_356 = arith.constant 1 : i32
        %dma_wait3A_357 = arith.constant 0 : i32
        %dma_wait3A_358 = arith.constant 0 : i32
        %dma_wait3A_359 = tpu.memref_slice %arg11[%rem3A_355, %dma_wait3A_357, %dma_wait3A_358] : memref<3x80x128xf32, #tpu.memory_space<vmem>> -> memref<1x80x128xf32, #tpu.memory_space<vmem>>
        %dma_wait3A_360 = tpu.memref_squeeze %dma_wait3A_359 : memref<1x80x128xf32, #tpu.memory_space<vmem>> -> memref<80x128xf32, #tpu.memory_space<vmem>>
        %dma_wait3A_361 = arith.constant 0 : i32
        %dma_wait3A_362 = tpu.memref_slice %arg10[%rem3A_351, %dma_wait3A_356, %dma_wait3A_361] : memref<4x2x80xi32, #tpu.memory_space<vmem>> -> memref<1x1x80xi32, #tpu.memory_space<vmem>>
        %dma_wait3A_363 = tpu.memref_squeeze %dma_wait3A_362 : memref<1x1x80xi32, #tpu.memory_space<vmem>> -> memref<80xi32, #tpu.memory_space<vmem>>
        %dma_wait3A_364 = arith.constant 0 : i32
        %dma_wait3A_365 = arith.constant 0 : i32
        %dma_wait3A_366 = tpu.memref_slice %arg15[%dma_wait3A_364, %dma_wait3A_365] : memref<10240x128xf32, #tpu.memory_space<vmem_shared>> -> memref<10240x128xf32, #tpu.memory_space<vmem_shared>>
        %dma_wait3A_367 = tpu.memref_slice %arg14[%rem3A_355] : memref<3x!tpu.dma_semaphore, #tpu.memory_space<semaphore_mem>> -> memref<1x!tpu.dma_semaphore, #tpu.memory_space<semaphore_mem>>
        %dma_wait3A_368 = tpu.memref_squeeze %dma_wait3A_367 : memref<1x!tpu.dma_semaphore, #tpu.memory_space<semaphore_mem>> -> memref<!tpu.dma_semaphore, #tpu.memory_space<semaphore_mem>>
        tpu.wait_indirect_dma semaphore(%dma_wait3A_368 : memref<!tpu.dma_semaphore, #tpu.memory_space<semaphore_mem>>) src(%dma_wait3A_360 : memref<80x128xf32, #tpu.memory_space<vmem>>) dst(%dma_wait3A_366 : memref<10240x128xf32, #tpu.memory_space<vmem_shared>>)
      } else {
      }
      %add3A_336 = arith.constant 3 : i32
      %add3A_337 = arith.addi %scan3A_303, %add3A_336 : i32
      %lt3A = arith.constant 125 : i32
      %lt3A_338 = arith.cmpi slt, %add3A_337, %lt3A : i32
      %convert_element_type3A_339 = arith.extui %lt3A_338 : i1 to i32
      %cond3A_340 = arith.constant 0 : i32
      %cond3A_341 = arith.cmpi ne, %convert_element_type3A_339, %cond3A_340 : i32
      scf.if %cond3A_341 {
        %add3A_349 = arith.constant 3 : i32
        %add3A_350 = arith.addi %scan3A_303, %add3A_349 : i32
        %add3A_351 = arith.constant 3 : i32
        %add3A_352 = arith.addi %scan3A_303, %add3A_351 : i32
        %rem3A_353 = arith.constant 4 : i32
        %rem3A_354 = arith.remsi %add3A_352, %rem3A_353 : i32
        %mul3A_355 = arith.constant 125 : i32
        %mul3A_356 = arith.muli %add3A, %mul3A_355 : i32
        %add3A_357 = arith.addi %mul3A_356, %add3A_350 : i32
        %mul3A_358 = arith.constant 80 : i32
        %mul3A_359 = arith.muli %add3A_357, %mul3A_358 : i32
        %dma_start3A_360 = arith.constant 0 : i32
        %dma_start3A_361 = arith.constant 0 : i32
        %dma_start3A_362 = tpu.memref_slice %arg10[%rem3A_354, %dma_start3A_360, %dma_start3A_361] : memref<4x2x80xi32, #tpu.memory_space<vmem>> -> memref<1x1x80xi32, #tpu.memory_space<vmem>>
        %dma_start3A_363 = tpu.memref_squeeze %dma_start3A_362 : memref<1x1x80xi32, #tpu.memory_space<vmem>> -> memref<80xi32, #tpu.memory_space<vmem>>
        %dma_start3A_364 = tpu.memref_slice %arg3[%mul3A_359] : memref<320000xi32, #tpu.memory_space<hbm>> -> memref<80xi32, #tpu.memory_space<hbm>>
        %dma_start3A_365 = tpu.memref_slice %arg13[%rem3A_354] : memref<4x!tpu.dma_semaphore, #tpu.memory_space<semaphore_mem>> -> memref<1x!tpu.dma_semaphore, #tpu.memory_space<semaphore_mem>>
        %dma_start3A_366 = tpu.memref_squeeze %dma_start3A_365 : memref<1x!tpu.dma_semaphore, #tpu.memory_space<semaphore_mem>> -> memref<!tpu.dma_semaphore, #tpu.memory_space<semaphore_mem>>
        %dma_start3A_367 = arith.constant 0 : i32
        %dma_start3A_368 = tpu.memref_slice %arg10[%rem3A_354, %dma_start3A_360, %dma_start3A_367] : memref<4x2x80xi32, #tpu.memory_space<vmem>> -> memref<1x1x80xi32, #tpu.memory_space<vmem>>
        %dma_start3A_369 = tpu.memref_squeeze %dma_start3A_368 : memref<1x1x80xi32, #tpu.memory_space<vmem>> -> memref<80xi32, #tpu.memory_space<vmem>>
        %dma_start3A_370 = tpu.memref_slice %arg3[%mul3A_359] : memref<320000xi32, #tpu.memory_space<hbm>> -> memref<80xi32, #tpu.memory_space<hbm>>
        tpu.enqueue_dma source(%dma_start3A_370 : memref<80xi32, #tpu.memory_space<hbm>>) target(%dma_start3A_369 : memref<80xi32, #tpu.memory_space<vmem>>) target_semaphore(%dma_start3A_366 : memref<!tpu.dma_semaphore, #tpu.memory_space<semaphore_mem>>)
        %dma_start3A_371 = arith.constant 1 : i32
        %dma_start3A_372 = arith.constant 0 : i32
        %dma_start3A_373 = tpu.memref_slice %arg10[%rem3A_354, %dma_start3A_371, %dma_start3A_372] : memref<4x2x80xi32, #tpu.memory_space<vmem>> -> memref<1x1x80xi32, #tpu.memory_space<vmem>>
        %dma_start3A_374 = tpu.memref_squeeze %dma_start3A_373 : memref<1x1x80xi32, #tpu.memory_space<vmem>> -> memref<80xi32, #tpu.memory_space<vmem>>
        %dma_start3A_375 = tpu.memref_slice %arg4[%mul3A_359] : memref<320000xi32, #tpu.memory_space<hbm>> -> memref<80xi32, #tpu.memory_space<hbm>>
        %dma_start3A_376 = tpu.memref_slice %arg13[%rem3A_354] : memref<4x!tpu.dma_semaphore, #tpu.memory_space<semaphore_mem>> -> memref<1x!tpu.dma_semaphore, #tpu.memory_space<semaphore_mem>>
        %dma_start3A_377 = tpu.memref_squeeze %dma_start3A_376 : memref<1x!tpu.dma_semaphore, #tpu.memory_space<semaphore_mem>> -> memref<!tpu.dma_semaphore, #tpu.memory_space<semaphore_mem>>
        %dma_start3A_378 = arith.constant 0 : i32
        %dma_start3A_379 = tpu.memref_slice %arg10[%rem3A_354, %dma_start3A_371, %dma_start3A_378] : memref<4x2x80xi32, #tpu.memory_space<vmem>> -> memref<1x1x80xi32, #tpu.memory_space<vmem>>
        %dma_start3A_380 = tpu.memref_squeeze %dma_start3A_379 : memref<1x1x80xi32, #tpu.memory_space<vmem>> -> memref<80xi32, #tpu.memory_space<vmem>>
        %dma_start3A_381 = tpu.memref_slice %arg4[%mul3A_359] : memref<320000xi32, #tpu.memory_space<hbm>> -> memref<80xi32, #tpu.memory_space<hbm>>
        tpu.enqueue_dma source(%dma_start3A_381 : memref<80xi32, #tpu.memory_space<hbm>>) target(%dma_start3A_380 : memref<80xi32, #tpu.memory_space<vmem>>) target_semaphore(%dma_start3A_377 : memref<!tpu.dma_semaphore, #tpu.memory_space<semaphore_mem>>)
      } else {
      }
      %add3A_342 = arith.constant 2 : i32
      %add3A_343 = arith.addi %scan3A_303, %add3A_342 : i32
      %lt3A_344 = arith.constant 125 : i32
      %lt3A_345 = arith.cmpi slt, %add3A_343, %lt3A_344 : i32
      %convert_element_type3A_346 = arith.extui %lt3A_345 : i1 to i32
      %cond3A_347 = arith.constant 0 : i32
      %cond3A_348 = arith.cmpi ne, %convert_element_type3A_346, %cond3A_347 : i32
      scf.if %cond3A_348 {
        %add3A_349 = arith.constant 2 : i32
        %add3A_350 = arith.addi %scan3A_303, %add3A_349 : i32
        %rem3A_351 = arith.constant 4 : i32
        %rem3A_352 = arith.remsi %add3A_350, %rem3A_351 : i32
        %add3A_353 = arith.constant 2 : i32
        %add3A_354 = arith.addi %scan3A_303, %add3A_353 : i32
        %mul3A_355 = arith.constant 125 : i32
        %mul3A_356 = arith.muli %add3A, %mul3A_355 : i32
        %add3A_357 = arith.addi %mul3A_356, %add3A_354 : i32
        %mul3A_358 = arith.constant 80 : i32
        %mul3A_359 = arith.muli %add3A_357, %mul3A_358 : i32
        %dma_wait3A_360 = arith.constant 0 : i32
        %dma_wait3A_361 = arith.constant 0 : i32
        %dma_wait3A_362 = tpu.memref_slice %arg10[%rem3A_352, %dma_wait3A_360, %dma_wait3A_361] : memref<4x2x80xi32, #tpu.memory_space<vmem>> -> memref<1x1x80xi32, #tpu.memory_space<vmem>>
        %dma_wait3A_363 = tpu.memref_squeeze %dma_wait3A_362 : memref<1x1x80xi32, #tpu.memory_space<vmem>> -> memref<80xi32, #tpu.memory_space<vmem>>
        %dma_wait3A_364 = tpu.memref_slice %arg3[%mul3A_359] : memref<320000xi32, #tpu.memory_space<hbm>> -> memref<80xi32, #tpu.memory_space<hbm>>
        %dma_wait3A_365 = tpu.memref_slice %arg13[%rem3A_352] : memref<4x!tpu.dma_semaphore, #tpu.memory_space<semaphore_mem>> -> memref<1x!tpu.dma_semaphore, #tpu.memory_space<semaphore_mem>>
        %dma_wait3A_366 = tpu.memref_squeeze %dma_wait3A_365 : memref<1x!tpu.dma_semaphore, #tpu.memory_space<semaphore_mem>> -> memref<!tpu.dma_semaphore, #tpu.memory_space<semaphore_mem>>
        %dma_wait3A_367 = arith.constant 0 : i32
        %dma_wait3A_368 = tpu.memref_slice %arg10[%rem3A_352, %dma_wait3A_360, %dma_wait3A_367] : memref<4x2x80xi32, #tpu.memory_space<vmem>> -> memref<1x1x80xi32, #tpu.memory_space<vmem>>
        %dma_wait3A_369 = tpu.memref_squeeze %dma_wait3A_368 : memref<1x1x80xi32, #tpu.memory_space<vmem>> -> memref<80xi32, #tpu.memory_space<vmem>>
        %dma_wait3A_370 = tpu.memref_slice %arg3[%mul3A_359] : memref<320000xi32, #tpu.memory_space<hbm>> -> memref<80xi32, #tpu.memory_space<hbm>>
        tpu.wait_dma2 semaphore(%dma_wait3A_366 : memref<!tpu.dma_semaphore, #tpu.memory_space<semaphore_mem>>) src(%dma_wait3A_370 : memref<80xi32, #tpu.memory_space<hbm>>) dst(%dma_wait3A_369 : memref<80xi32, #tpu.memory_space<vmem>>)
        %dma_wait3A_371 = arith.constant 1 : i32
        %dma_wait3A_372 = arith.constant 0 : i32
        %dma_wait3A_373 = tpu.memref_slice %arg10[%rem3A_352, %dma_wait3A_371, %dma_wait3A_372] : memref<4x2x80xi32, #tpu.memory_space<vmem>> -> memref<1x1x80xi32, #tpu.memory_space<vmem>>
        %dma_wait3A_374 = tpu.memref_squeeze %dma_wait3A_373 : memref<1x1x80xi32, #tpu.memory_space<vmem>> -> memref<80xi32, #tpu.memory_space<vmem>>
        %dma_wait3A_375 = tpu.memref_slice %arg4[%mul3A_359] : memref<320000xi32, #tpu.memory_space<hbm>> -> memref<80xi32, #tpu.memory_space<hbm>>
        %dma_wait3A_376 = tpu.memref_slice %arg13[%rem3A_352] : memref<4x!tpu.dma_semaphore, #tpu.memory_space<semaphore_mem>> -> memref<1x!tpu.dma_semaphore, #tpu.memory_space<semaphore_mem>>
        %dma_wait3A_377 = tpu.memref_squeeze %dma_wait3A_376 : memref<1x!tpu.dma_semaphore, #tpu.memory_space<semaphore_mem>> -> memref<!tpu.dma_semaphore, #tpu.memory_space<semaphore_mem>>
        %dma_wait3A_378 = arith.constant 0 : i32
        %dma_wait3A_379 = tpu.memref_slice %arg10[%rem3A_352, %dma_wait3A_371, %dma_wait3A_378] : memref<4x2x80xi32, #tpu.memory_space<vmem>> -> memref<1x1x80xi32, #tpu.memory_space<vmem>>
        %dma_wait3A_380 = tpu.memref_squeeze %dma_wait3A_379 : memref<1x1x80xi32, #tpu.memory_space<vmem>> -> memref<80xi32, #tpu.memory_space<vmem>>
        %dma_wait3A_381 = tpu.memref_slice %arg4[%mul3A_359] : memref<320000xi32, #tpu.memory_space<hbm>> -> memref<80xi32, #tpu.memory_space<hbm>>
        tpu.wait_dma2 semaphore(%dma_wait3A_377 : memref<!tpu.dma_semaphore, #tpu.memory_space<semaphore_mem>>) src(%dma_wait3A_381 : memref<80xi32, #tpu.memory_space<hbm>>) dst(%dma_wait3A_380 : memref<80xi32, #tpu.memory_space<vmem>>)
        %add3A_382 = arith.constant 2 : i32
        %add3A_383 = arith.addi %scan3A_303, %add3A_382 : i32
        %rem3A_384 = arith.constant 3 : i32
        %rem3A_385 = arith.remsi %add3A_383, %rem3A_384 : i32
        %dma_start3A_386 = arith.constant 0 : i32
        %dma_start3A_387 = arith.constant 0 : i32
        %dma_start3A_388 = arith.constant 0 : i32
        %dma_start3A_389 = tpu.memref_slice %arg11[%rem3A_385, %dma_start3A_387, %dma_start3A_388] : memref<3x80x128xf32, #tpu.memory_space<vmem>> -> memref<1x80x128xf32, #tpu.memory_space<vmem>>
        %dma_start3A_390 = tpu.memref_squeeze %dma_start3A_389 : memref<1x80x128xf32, #tpu.memory_space<vmem>> -> memref<80x128xf32, #tpu.memory_space<vmem>>
        %dma_start3A_391 = arith.constant 0 : i32
        %dma_start3A_392 = tpu.memref_slice %arg10[%rem3A_352, %dma_start3A_386, %dma_start3A_391] : memref<4x2x80xi32, #tpu.memory_space<vmem>> -> memref<1x1x80xi32, #tpu.memory_space<vmem>>
        %dma_start3A_393 = tpu.memref_squeeze %dma_start3A_392 : memref<1x1x80xi32, #tpu.memory_space<vmem>> -> memref<80xi32, #tpu.memory_space<vmem>>
        %dma_start3A_394 = arith.constant 0 : i32
        %dma_start3A_395 = arith.constant 0 : i32
        %dma_start3A_396 = tpu.memref_slice %arg2[%dma_start3A_394, %dma_start3A_395] : memref<10000x128xf32, #tpu.memory_space<hbm>> -> memref<10000x128xf32, #tpu.memory_space<hbm>>
        %dma_start3A_397 = tpu.memref_slice %arg12[%rem3A_385] : memref<3x!tpu.dma_semaphore, #tpu.memory_space<semaphore_mem>> -> memref<1x!tpu.dma_semaphore, #tpu.memory_space<semaphore_mem>>
        %dma_start3A_398 = tpu.memref_squeeze %dma_start3A_397 : memref<1x!tpu.dma_semaphore, #tpu.memory_space<semaphore_mem>> -> memref<!tpu.dma_semaphore, #tpu.memory_space<semaphore_mem>>
        tpu.enqueue_indirect_dma source(%dma_start3A_396 : memref<10000x128xf32, #tpu.memory_space<hbm>>) target(%dma_start3A_390 : memref<80x128xf32, #tpu.memory_space<vmem>>) offsets(%dma_start3A_393 : memref<80xi32, #tpu.memory_space<vmem>>) semaphore(%dma_start3A_398 : memref<!tpu.dma_semaphore, #tpu.memory_space<semaphore_mem>>)
      } else {
      }
    }
    %scan3A_221 = arith.constant 125 : i32
    %dma_wait3A_222 = arith.constant 1 : i32
    %dma_wait3A_223 = arith.constant 0 : i32
    %dma_wait3A_224 = arith.constant 1 : i32
    %dma_wait3A_225 = arith.constant 1 : i32
    %dma_wait3A_226 = arith.constant 0 : i32
    %dma_wait3A_227 = arith.constant 0 : i32
    %dma_wait3A_228 = tpu.memref_slice %arg11[%dma_wait3A_222, %dma_wait3A_226, %dma_wait3A_227] : memref<3x80x128xf32, #tpu.memory_space<vmem>> -> memref<1x80x128xf32, #tpu.memory_space<vmem>>
    %dma_wait3A_229 = tpu.memref_squeeze %dma_wait3A_228 : memref<1x80x128xf32, #tpu.memory_space<vmem>> -> memref<80x128xf32, #tpu.memory_space<vmem>>
    %dma_wait3A_230 = arith.constant 0 : i32
    %dma_wait3A_231 = tpu.memref_slice %arg10[%dma_wait3A_223, %dma_wait3A_224, %dma_wait3A_230] : memref<4x2x80xi32, #tpu.memory_space<vmem>> -> memref<1x1x80xi32, #tpu.memory_space<vmem>>
    %dma_wait3A_232 = tpu.memref_squeeze %dma_wait3A_231 : memref<1x1x80xi32, #tpu.memory_space<vmem>> -> memref<80xi32, #tpu.memory_space<vmem>>
    %dma_wait3A_233 = arith.constant 0 : i32
    %dma_wait3A_234 = arith.constant 0 : i32
    %dma_wait3A_235 = tpu.memref_slice %arg15[%dma_wait3A_233, %dma_wait3A_234] : memref<10240x128xf32, #tpu.memory_space<vmem_shared>> -> memref<10240x128xf32, #tpu.memory_space<vmem_shared>>
    %dma_wait3A_236 = tpu.memref_slice %arg14[%dma_wait3A_225] : memref<3x!tpu.dma_semaphore, #tpu.memory_space<semaphore_mem>> -> memref<1x!tpu.dma_semaphore, #tpu.memory_space<semaphore_mem>>
    %dma_wait3A_237 = tpu.memref_squeeze %dma_wait3A_236 : memref<1x!tpu.dma_semaphore, #tpu.memory_space<semaphore_mem>> -> memref<!tpu.dma_semaphore, #tpu.memory_space<semaphore_mem>>
    tpu.wait_indirect_dma semaphore(%dma_wait3A_237 : memref<!tpu.dma_semaphore, #tpu.memory_space<semaphore_mem>>) src(%dma_wait3A_229 : memref<80x128xf32, #tpu.memory_space<vmem>>) dst(%dma_wait3A_235 : memref<10240x128xf32, #tpu.memory_space<vmem_shared>>)
    %barrier3A_238 = arith.constant 0 : index
    tpu.barrier barrier_id(%barrier3A_238)
    %add3A_239 = arith.constant 0 : i32
    %add3A_240 = arith.addi %mul3A_2, %add3A_239 : i32
    %dma_start3A_241 = arith.constant 0 : i32
    %dma_start3A_242 = arith.constant 0 : i32
    %dma_start3A_243 = arith.constant 0 : i32
    %dma_start3A_244 = arith.constant 0 : i32
    %dma_start3A_245 = tpu.memref_slice %arg11[%dma_start3A_241, %dma_start3A_243, %dma_start3A_244] : memref<3x80x128xf32, #tpu.memory_space<vmem>> -> memref<1x80x128xf32, #tpu.memory_space<vmem>>
    %dma_start3A_246 = tpu.memref_squeeze %dma_start3A_245 : memref<1x80x128xf32, #tpu.memory_space<vmem>> -> memref<80x128xf32, #tpu.memory_space<vmem>>
    %dma_start3A_247 = arith.constant 0 : i32
    %dma_start3A_248 = tpu.memref_slice %arg15[%add3A_240, %dma_start3A_247] : memref<10240x128xf32, #tpu.memory_space<vmem_shared>> -> memref<80x128xf32, #tpu.memory_space<vmem_shared>>
    %dma_start3A_249 = tpu.memref_slice %arg12[%dma_start3A_242] : memref<3x!tpu.dma_semaphore, #tpu.memory_space<semaphore_mem>> -> memref<1x!tpu.dma_semaphore, #tpu.memory_space<semaphore_mem>>
    %dma_start3A_250 = tpu.memref_squeeze %dma_start3A_249 : memref<1x!tpu.dma_semaphore, #tpu.memory_space<semaphore_mem>> -> memref<!tpu.dma_semaphore, #tpu.memory_space<semaphore_mem>>
    %dma_start3A_251 = arith.constant 0 : i32
    %dma_start3A_252 = arith.constant 0 : i32
    %dma_start3A_253 = tpu.memref_slice %arg11[%dma_start3A_241, %dma_start3A_251, %dma_start3A_252] : memref<3x80x128xf32, #tpu.memory_space<vmem>> -> memref<1x80x128xf32, #tpu.memory_space<vmem>>
    %dma_start3A_254 = tpu.memref_squeeze %dma_start3A_253 : memref<1x80x128xf32, #tpu.memory_space<vmem>> -> memref<80x128xf32, #tpu.memory_space<vmem>>
    %dma_start3A_255 = arith.constant 0 : i32
    %dma_start3A_256 = tpu.memref_slice %arg15[%add3A_240, %dma_start3A_255] : memref<10240x128xf32, #tpu.memory_space<vmem_shared>> -> memref<80x128xf32, #tpu.memory_space<vmem_shared>>
    tpu.enqueue_dma source(%dma_start3A_256 : memref<80x128xf32, #tpu.memory_space<vmem_shared>>) target(%dma_start3A_254 : memref<80x128xf32, #tpu.memory_space<vmem>>) target_semaphore(%dma_start3A_250 : memref<!tpu.dma_semaphore, #tpu.memory_space<semaphore_mem>>)
    %scan3A_257 = arith.constant 0 : i32
    %scan3A_258 = arith.constant 0 : i32
    %scan3A_259 = arith.constant 8 : i32
    %scan3A_260 = arith.addi %scan3A_258, %scan3A_259 : i32
    %scan3A_261 = arith.constant 1 : i32
    scf.for %scan3A_303 = %scan3A_258 to %scan3A_260 step %scan3A_261  : i32 {
      %rem3A = arith.constant 2 : i32
      %rem3A_304 = arith.remsi %scan3A_303, %rem3A : i32
      %mul3A_305 = arith.constant 80 : i32
      %mul3A_306 = arith.muli %scan3A_303, %mul3A_305 : i32
      %add3A_307 = arith.addi %mul3A_2, %mul3A_306 : i32
      %dma_wait3A_308 = arith.constant 0 : i32
      %dma_wait3A_309 = arith.constant 0 : i32
      %dma_wait3A_310 = tpu.memref_slice %arg11[%rem3A_304, %dma_wait3A_308, %dma_wait3A_309] : memref<3x80x128xf32, #tpu.memory_space<vmem>> -> memref<1x80x128xf32, #tpu.memory_space<vmem>>
      %dma_wait3A_311 = tpu.memref_squeeze %dma_wait3A_310 : memref<1x80x128xf32, #tpu.memory_space<vmem>> -> memref<80x128xf32, #tpu.memory_space<vmem>>
      %dma_wait3A_312 = arith.constant 0 : i32
      %dma_wait3A_313 = tpu.memref_slice %arg15[%add3A_307, %dma_wait3A_312] : memref<10240x128xf32, #tpu.memory_space<vmem_shared>> -> memref<80x128xf32, #tpu.memory_space<vmem_shared>>
      %dma_wait3A_314 = tpu.memref_slice %arg12[%rem3A_304] : memref<3x!tpu.dma_semaphore, #tpu.memory_space<semaphore_mem>> -> memref<1x!tpu.dma_semaphore, #tpu.memory_space<semaphore_mem>>
      %dma_wait3A_315 = tpu.memref_squeeze %dma_wait3A_314 : memref<1x!tpu.dma_semaphore, #tpu.memory_space<semaphore_mem>> -> memref<!tpu.dma_semaphore, #tpu.memory_space<semaphore_mem>>
      %dma_wait3A_316 = arith.constant 0 : i32
      %dma_wait3A_317 = arith.constant 0 : i32
      %dma_wait3A_318 = tpu.memref_slice %arg11[%rem3A_304, %dma_wait3A_316, %dma_wait3A_317] : memref<3x80x128xf32, #tpu.memory_space<vmem>> -> memref<1x80x128xf32, #tpu.memory_space<vmem>>
      %dma_wait3A_319 = tpu.memref_squeeze %dma_wait3A_318 : memref<1x80x128xf32, #tpu.memory_space<vmem>> -> memref<80x128xf32, #tpu.memory_space<vmem>>
      %dma_wait3A_320 = arith.constant 0 : i32
      %dma_wait3A_321 = tpu.memref_slice %arg15[%add3A_307, %dma_wait3A_320] : memref<10240x128xf32, #tpu.memory_space<vmem_shared>> -> memref<80x128xf32, #tpu.memory_space<vmem_shared>>
      tpu.wait_dma2 semaphore(%dma_wait3A_315 : memref<!tpu.dma_semaphore, #tpu.memory_space<semaphore_mem>>) src(%dma_wait3A_321 : memref<80x128xf32, #tpu.memory_space<vmem_shared>>) dst(%dma_wait3A_319 : memref<80x128xf32, #tpu.memory_space<vmem>>)
      %mul3A_322 = arith.constant 80 : i32
      %mul3A_323 = arith.muli %scan3A_303, %mul3A_322 : i32
      %add3A_324 = arith.addi %mul3A_2, %mul3A_323 : i32
      %dma_start3A_325 = arith.constant 0 : i32
      %dma_start3A_326 = arith.constant 0 : i32
      %dma_start3A_327 = tpu.memref_slice %arg11[%rem3A_304, %dma_start3A_325, %dma_start3A_326] : memref<3x80x128xf32, #tpu.memory_space<vmem>> -> memref<1x80x128xf32, #tpu.memory_space<vmem>>
      %dma_start3A_328 = tpu.memref_squeeze %dma_start3A_327 : memref<1x80x128xf32, #tpu.memory_space<vmem>> -> memref<80x128xf32, #tpu.memory_space<vmem>>
      %dma_start3A_329 = arith.constant 0 : i32
      %dma_start3A_330 = tpu.memref_slice %arg8[%arg0, %add3A_324, %dma_start3A_329] : memref<2x10240x128xf32, #tpu.memory_space<hbm>> -> memref<1x80x128xf32, #tpu.memory_space<hbm>>
      %dma_start3A_331 = tpu.memref_squeeze %dma_start3A_330 : memref<1x80x128xf32, #tpu.memory_space<hbm>> -> memref<80x128xf32, #tpu.memory_space<hbm>>
      %dma_start3A_332 = tpu.memref_slice %arg14[%rem3A_304] : memref<3x!tpu.dma_semaphore, #tpu.memory_space<semaphore_mem>> -> memref<1x!tpu.dma_semaphore, #tpu.memory_space<semaphore_mem>>
      %dma_start3A_333 = tpu.memref_squeeze %dma_start3A_332 : memref<1x!tpu.dma_semaphore, #tpu.memory_space<semaphore_mem>> -> memref<!tpu.dma_semaphore, #tpu.memory_space<semaphore_mem>>
      %dma_start3A_334 = arith.constant 0 : i32
      %dma_start3A_335 = tpu.memref_slice %arg8[%arg0, %add3A_324, %dma_start3A_334] : memref<2x10240x128xf32, #tpu.memory_space<hbm>> -> memref<1x80x128xf32, #tpu.memory_space<hbm>>
      %dma_start3A_336 = tpu.memref_squeeze %dma_start3A_335 : memref<1x80x128xf32, #tpu.memory_space<hbm>> -> memref<80x128xf32, #tpu.memory_space<hbm>>
      %dma_start3A_337 = arith.constant 0 : i32
      %dma_start3A_338 = arith.constant 0 : i32
      %dma_start3A_339 = tpu.memref_slice %arg11[%rem3A_304, %dma_start3A_337, %dma_start3A_338] : memref<3x80x128xf32, #tpu.memory_space<vmem>> -> memref<1x80x128xf32, #tpu.memory_space<vmem>>
      %dma_start3A_340 = tpu.memref_squeeze %dma_start3A_339 : memref<1x80x128xf32, #tpu.memory_space<vmem>> -> memref<80x128xf32, #tpu.memory_space<vmem>>
      tpu.enqueue_dma source(%dma_start3A_340 : memref<80x128xf32, #tpu.memory_space<vmem>>) target(%dma_start3A_336 : memref<80x128xf32, #tpu.memory_space<hbm>>) target_semaphore(%dma_start3A_333 : memref<!tpu.dma_semaphore, #tpu.memory_space<semaphore_mem>>)
      %add3A_341 = arith.constant 1 : i32
      %add3A_342 = arith.addi %scan3A_303, %add3A_341 : i32
      %lt3A = arith.constant 8 : i32
      %lt3A_343 = arith.cmpi slt, %add3A_342, %lt3A : i32
      %convert_element_type3A = arith.extui %lt3A_343 : i1 to i32
      %cond3A = arith.constant 0 : i32
      %cond3A_344 = arith.cmpi ne, %convert_element_type3A, %cond3A : i32
      scf.if %cond3A_344 {
        %add3A_345 = arith.constant 1 : i32
        %add3A_346 = arith.addi %scan3A_303, %add3A_345 : i32
        %rem3A_347 = arith.constant 2 : i32
        %rem3A_348 = arith.remsi %add3A_346, %rem3A_347 : i32
        %ge3A = arith.constant 1 : i32
        %ge3A_349 = arith.cmpi sge, %scan3A_303, %ge3A : i32
        %convert_element_type3A_350 = arith.extui %ge3A_349 : i1 to i32
        %cond3A_351 = arith.constant 0 : i32
        %cond3A_352 = arith.cmpi ne, %convert_element_type3A_350, %cond3A_351 : i32
        scf.if %cond3A_352 {
          %sub3A = arith.constant 1 : i32
          %sub3A_372 = arith.subi %scan3A_303, %sub3A : i32
          %mul3A_373 = arith.constant 80 : i32
          %mul3A_374 = arith.muli %sub3A_372, %mul3A_373 : i32
          %add3A_375 = arith.addi %mul3A_2, %mul3A_374 : i32
          %dma_wait3A_376 = arith.constant 0 : i32
          %dma_wait3A_377 = arith.constant 0 : i32
          %dma_wait3A_378 = tpu.memref_slice %arg11[%rem3A_348, %dma_wait3A_376, %dma_wait3A_377] : memref<3x80x128xf32, #tpu.memory_space<vmem>> -> memref<1x80x128xf32, #tpu.memory_space<vmem>>
          %dma_wait3A_379 = tpu.memref_squeeze %dma_wait3A_378 : memref<1x80x128xf32, #tpu.memory_space<vmem>> -> memref<80x128xf32, #tpu.memory_space<vmem>>
          %dma_wait3A_380 = arith.constant 0 : i32
          %dma_wait3A_381 = tpu.memref_slice %arg8[%arg0, %add3A_375, %dma_wait3A_380] : memref<2x10240x128xf32, #tpu.memory_space<hbm>> -> memref<1x80x128xf32, #tpu.memory_space<hbm>>
          %dma_wait3A_382 = tpu.memref_squeeze %dma_wait3A_381 : memref<1x80x128xf32, #tpu.memory_space<hbm>> -> memref<80x128xf32, #tpu.memory_space<hbm>>
          %dma_wait3A_383 = tpu.memref_slice %arg14[%rem3A_348] : memref<3x!tpu.dma_semaphore, #tpu.memory_space<semaphore_mem>> -> memref<1x!tpu.dma_semaphore, #tpu.memory_space<semaphore_mem>>
          %dma_wait3A_384 = tpu.memref_squeeze %dma_wait3A_383 : memref<1x!tpu.dma_semaphore, #tpu.memory_space<semaphore_mem>> -> memref<!tpu.dma_semaphore, #tpu.memory_space<semaphore_mem>>
          %dma_wait3A_385 = arith.constant 0 : i32
          %dma_wait3A_386 = tpu.memref_slice %arg8[%arg0, %add3A_375, %dma_wait3A_385] : memref<2x10240x128xf32, #tpu.memory_space<hbm>> -> memref<1x80x128xf32, #tpu.memory_space<hbm>>
          %dma_wait3A_387 = tpu.memref_squeeze %dma_wait3A_386 : memref<1x80x128xf32, #tpu.memory_space<hbm>> -> memref<80x128xf32, #tpu.memory_space<hbm>>
          %dma_wait3A_388 = arith.constant 0 : i32
          %dma_wait3A_389 = arith.constant 0 : i32
          %dma_wait3A_390 = tpu.memref_slice %arg11[%rem3A_348, %dma_wait3A_388, %dma_wait3A_389] : memref<3x80x128xf32, #tpu.memory_space<vmem>> -> memref<1x80x128xf32, #tpu.memory_space<vmem>>
          %dma_wait3A_391 = tpu.memref_squeeze %dma_wait3A_390 : memref<1x80x128xf32, #tpu.memory_space<vmem>> -> memref<80x128xf32, #tpu.memory_space<vmem>>
          tpu.wait_dma2 semaphore(%dma_wait3A_384 : memref<!tpu.dma_semaphore, #tpu.memory_space<semaphore_mem>>) src(%dma_wait3A_391 : memref<80x128xf32, #tpu.memory_space<vmem>>) dst(%dma_wait3A_387 : memref<80x128xf32, #tpu.memory_space<hbm>>)
        } else {
        }
        %add3A_353 = arith.constant 1 : i32
        %add3A_354 = arith.addi %scan3A_303, %add3A_353 : i32
        %mul3A_355 = arith.constant 80 : i32
        %mul3A_356 = arith.muli %add3A_354, %mul3A_355 : i32
        %add3A_357 = arith.addi %mul3A_2, %mul3A_356 : i32
        %dma_start3A_358 = arith.constant 0 : i32
        %dma_start3A_359 = arith.constant 0 : i32
        %dma_start3A_360 = tpu.memref_slice %arg11[%rem3A_348, %dma_start3A_358, %dma_start3A_359] : memref<3x80x128xf32, #tpu.memory_space<vmem>> -> memref<1x80x128xf32, #tpu.memory_space<vmem>>
        %dma_start3A_361 = tpu.memref_squeeze %dma_start3A_360 : memref<1x80x128xf32, #tpu.memory_space<vmem>> -> memref<80x128xf32, #tpu.memory_space<vmem>>
        %dma_start3A_362 = arith.constant 0 : i32
        %dma_start3A_363 = tpu.memref_slice %arg15[%add3A_357, %dma_start3A_362] : memref<10240x128xf32, #tpu.memory_space<vmem_shared>> -> memref<80x128xf32, #tpu.memory_space<vmem_shared>>
        %dma_start3A_364 = tpu.memref_slice %arg12[%rem3A_348] : memref<3x!tpu.dma_semaphore, #tpu.memory_space<semaphore_mem>> -> memref<1x!tpu.dma_semaphore, #tpu.memory_space<semaphore_mem>>
        %dma_start3A_365 = tpu.memref_squeeze %dma_start3A_364 : memref<1x!tpu.dma_semaphore, #tpu.memory_space<semaphore_mem>> -> memref<!tpu.dma_semaphore, #tpu.memory_space<semaphore_mem>>
        %dma_start3A_366 = arith.constant 0 : i32
        %dma_start3A_367 = arith.constant 0 : i32
        %dma_start3A_368 = tpu.memref_slice %arg11[%rem3A_348, %dma_start3A_366, %dma_start3A_367] : memref<3x80x128xf32, #tpu.memory_space<vmem>> -> memref<1x80x128xf32, #tpu.memory_space<vmem>>
        %dma_start3A_369 = tpu.memref_squeeze %dma_start3A_368 : memref<1x80x128xf32, #tpu.memory_space<vmem>> -> memref<80x128xf32, #tpu.memory_space<vmem>>
        %dma_start3A_370 = arith.constant 0 : i32
        %dma_start3A_371 = tpu.memref_slice %arg15[%add3A_357, %dma_start3A_370] : memref<10240x128xf32, #tpu.memory_space<vmem_shared>> -> memref<80x128xf32, #tpu.memory_space<vmem_shared>>
        tpu.enqueue_dma source(%dma_start3A_371 : memref<80x128xf32, #tpu.memory_space<vmem_shared>>) target(%dma_start3A_369 : memref<80x128xf32, #tpu.memory_space<vmem>>) target_semaphore(%dma_start3A_365 : memref<!tpu.dma_semaphore, #tpu.memory_space<semaphore_mem>>)
      } else {
      }
    }
    %scan3A_262 = arith.constant 8 : i32
    %add3A_263 = arith.constant 480 : i32
    %add3A_264 = arith.addi %mul3A_2, %add3A_263 : i32
    %dma_wait3A_265 = arith.constant 0 : i32
    %dma_wait3A_266 = arith.constant 0 : i32
    %dma_wait3A_267 = arith.constant 0 : i32
    %dma_wait3A_268 = arith.constant 0 : i32
    %dma_wait3A_269 = tpu.memref_slice %arg11[%dma_wait3A_265, %dma_wait3A_267, %dma_wait3A_268] : memref<3x80x128xf32, #tpu.memory_space<vmem>> -> memref<1x80x128xf32, #tpu.memory_space<vmem>>
    %dma_wait3A_270 = tpu.memref_squeeze %dma_wait3A_269 : memref<1x80x128xf32, #tpu.memory_space<vmem>> -> memref<80x128xf32, #tpu.memory_space<vmem>>
    %dma_wait3A_271 = arith.constant 0 : i32
    %dma_wait3A_272 = tpu.memref_slice %arg8[%arg0, %add3A_264, %dma_wait3A_271] : memref<2x10240x128xf32, #tpu.memory_space<hbm>> -> memref<1x80x128xf32, #tpu.memory_space<hbm>>
    %dma_wait3A_273 = tpu.memref_squeeze %dma_wait3A_272 : memref<1x80x128xf32, #tpu.memory_space<hbm>> -> memref<80x128xf32, #tpu.memory_space<hbm>>
    %dma_wait3A_274 = tpu.memref_slice %arg14[%dma_wait3A_266] : memref<3x!tpu.dma_semaphore, #tpu.memory_space<semaphore_mem>> -> memref<1x!tpu.dma_semaphore, #tpu.memory_space<semaphore_mem>>
    %dma_wait3A_275 = tpu.memref_squeeze %dma_wait3A_274 : memref<1x!tpu.dma_semaphore, #tpu.memory_space<semaphore_mem>> -> memref<!tpu.dma_semaphore, #tpu.memory_space<semaphore_mem>>
    %dma_wait3A_276 = arith.constant 0 : i32
    %dma_wait3A_277 = tpu.memref_slice %arg8[%arg0, %add3A_264, %dma_wait3A_276] : memref<2x10240x128xf32, #tpu.memory_space<hbm>> -> memref<1x80x128xf32, #tpu.memory_space<hbm>>
    %dma_wait3A_278 = tpu.memref_squeeze %dma_wait3A_277 : memref<1x80x128xf32, #tpu.memory_space<hbm>> -> memref<80x128xf32, #tpu.memory_space<hbm>>
    %dma_wait3A_279 = arith.constant 0 : i32
    %dma_wait3A_280 = arith.constant 0 : i32
    %dma_wait3A_281 = tpu.memref_slice %arg11[%dma_wait3A_265, %dma_wait3A_279, %dma_wait3A_280] : memref<3x80x128xf32, #tpu.memory_space<vmem>> -> memref<1x80x128xf32, #tpu.memory_space<vmem>>
    %dma_wait3A_282 = tpu.memref_squeeze %dma_wait3A_281 : memref<1x80x128xf32, #tpu.memory_space<vmem>> -> memref<80x128xf32, #tpu.memory_space<vmem>>
    tpu.wait_dma2 semaphore(%dma_wait3A_275 : memref<!tpu.dma_semaphore, #tpu.memory_space<semaphore_mem>>) src(%dma_wait3A_282 : memref<80x128xf32, #tpu.memory_space<vmem>>) dst(%dma_wait3A_278 : memref<80x128xf32, #tpu.memory_space<hbm>>)
    %add3A_283 = arith.constant 560 : i32
    %add3A_284 = arith.addi %mul3A_2, %add3A_283 : i32
    %dma_wait3A_285 = arith.constant 1 : i32
    %dma_wait3A_286 = arith.constant 1 : i32
    %dma_wait3A_287 = arith.constant 0 : i32
    %dma_wait3A_288 = arith.constant 0 : i32
    %dma_wait3A_289 = tpu.memref_slice %arg11[%dma_wait3A_285, %dma_wait3A_287, %dma_wait3A_288] : memref<3x80x128xf32, #tpu.memory_space<vmem>> -> memref<1x80x128xf32, #tpu.memory_space<vmem>>
    %dma_wait3A_290 = tpu.memref_squeeze %dma_wait3A_289 : memref<1x80x128xf32, #tpu.memory_space<vmem>> -> memref<80x128xf32, #tpu.memory_space<vmem>>
    %dma_wait3A_291 = arith.constant 0 : i32
    %dma_wait3A_292 = tpu.memref_slice %arg8[%arg0, %add3A_284, %dma_wait3A_291] : memref<2x10240x128xf32, #tpu.memory_space<hbm>> -> memref<1x80x128xf32, #tpu.memory_space<hbm>>
    %dma_wait3A_293 = tpu.memref_squeeze %dma_wait3A_292 : memref<1x80x128xf32, #tpu.memory_space<hbm>> -> memref<80x128xf32, #tpu.memory_space<hbm>>
    %dma_wait3A_294 = tpu.memref_slice %arg14[%dma_wait3A_286] : memref<3x!tpu.dma_semaphore, #tpu.memory_space<semaphore_mem>> -> memref<1x!tpu.dma_semaphore, #tpu.memory_space<semaphore_mem>>
    %dma_wait3A_295 = tpu.memref_squeeze %dma_wait3A_294 : memref<1x!tpu.dma_semaphore, #tpu.memory_space<semaphore_mem>> -> memref<!tpu.dma_semaphore, #tpu.memory_space<semaphore_mem>>
    %dma_wait3A_296 = arith.constant 0 : i32
    %dma_wait3A_297 = tpu.memref_slice %arg8[%arg0, %add3A_284, %dma_wait3A_296] : memref<2x10240x128xf32, #tpu.memory_space<hbm>> -> memref<1x80x128xf32, #tpu.memory_space<hbm>>
    %dma_wait3A_298 = tpu.memref_squeeze %dma_wait3A_297 : memref<1x80x128xf32, #tpu.memory_space<hbm>> -> memref<80x128xf32, #tpu.memory_space<hbm>>
    %dma_wait3A_299 = arith.constant 0 : i32
    %dma_wait3A_300 = arith.constant 0 : i32
    %dma_wait3A_301 = tpu.memref_slice %arg11[%dma_wait3A_285, %dma_wait3A_299, %dma_wait3A_300] : memref<3x80x128xf32, #tpu.memory_space<vmem>> -> memref<1x80x128xf32, #tpu.memory_space<vmem>>
    %dma_wait3A_302 = tpu.memref_squeeze %dma_wait3A_301 : memref<1x80x128xf32, #tpu.memory_space<vmem>> -> memref<80x128xf32, #tpu.memory_space<vmem>>
    tpu.wait_dma2 semaphore(%dma_wait3A_295 : memref<!tpu.dma_semaphore, #tpu.memory_space<semaphore_mem>>) src(%dma_wait3A_302 : memref<80x128xf32, #tpu.memory_space<vmem>>) dst(%dma_wait3A_298 : memref<80x128xf32, #tpu.memory_space<hbm>>)
    "tpu.region"() ({
      %run_scoped3A_303 = tpu.sem_alloc : memref<!tpu.dma_semaphore, #tpu.memory_space<semaphore_mem>>
      %dma_start3A_304 = arith.constant 0 : i32
      %dma_start3A_305 = tpu.memref_slice %arg18[%mul3A_2, %dma_start3A_304] : memref<10240x8xf32, #tpu.memory_space<vmem_shared>> -> memref<640x8xf32, #tpu.memory_space<vmem_shared>>
      %dma_start3A_306 = arith.constant 0 : i32
      %dma_start3A_307 = tpu.memref_slice %arg18[%mul3A_2, %dma_start3A_306] : memref<10240x8xf32, #tpu.memory_space<vmem_shared>> -> memref<640x8xf32, #tpu.memory_space<vmem_shared>>
      tpu.enqueue_dma source(%dma_start3A_307 : memref<640x8xf32, #tpu.memory_space<vmem_shared>>) target(%arg17 : memref<640x8xf32, #tpu.memory_space<vmem>>) target_semaphore(%run_scoped3A_303 : memref<!tpu.dma_semaphore, #tpu.memory_space<semaphore_mem>>)
      %dma_wait3A_308 = arith.constant 0 : i32
      %dma_wait3A_309 = tpu.memref_slice %arg18[%mul3A_2, %dma_wait3A_308] : memref<10240x8xf32, #tpu.memory_space<vmem_shared>> -> memref<640x8xf32, #tpu.memory_space<vmem_shared>>
      %dma_wait3A_310 = arith.constant 0 : i32
      %dma_wait3A_311 = tpu.memref_slice %arg18[%mul3A_2, %dma_wait3A_310] : memref<10240x8xf32, #tpu.memory_space<vmem_shared>> -> memref<640x8xf32, #tpu.memory_space<vmem_shared>>
      tpu.wait_dma2 semaphore(%run_scoped3A_303 : memref<!tpu.dma_semaphore, #tpu.memory_space<semaphore_mem>>) src(%dma_wait3A_311 : memref<640x8xf32, #tpu.memory_space<vmem_shared>>) dst(%arg17 : memref<640x8xf32, #tpu.memory_space<vmem>>)
      tpu.yield
    }) : () -> ()
    "tpu.region"() ({
      %run_scoped3A_303 = tpu.sem_alloc : memref<!tpu.dma_semaphore, #tpu.memory_space<semaphore_mem>>
      %dma_start3A_304 = arith.constant 0 : i32
      %dma_start3A_305 = tpu.memref_slice %arg9[%arg0, %mul3A_2, %dma_start3A_304] : memref<2x10240x8xf32, #tpu.memory_space<hbm>> -> memref<1x640x8xf32, #tpu.memory_space<hbm>>
      %dma_start3A_306 = tpu.memref_squeeze %dma_start3A_305 : memref<1x640x8xf32, #tpu.memory_space<hbm>> -> memref<640x8xf32, #tpu.memory_space<hbm>>
      %dma_start3A_307 = arith.constant 0 : i32
      %dma_start3A_308 = tpu.memref_slice %arg9[%arg0, %mul3A_2, %dma_start3A_307] : memref<2x10240x8xf32, #tpu.memory_space<hbm>> -> memref<1x640x8xf32, #tpu.memory_space<hbm>>
      %dma_start3A_309 = tpu.memref_squeeze %dma_start3A_308 : memref<1x640x8xf32, #tpu.memory_space<hbm>> -> memref<640x8xf32, #tpu.memory_space<hbm>>
      tpu.enqueue_dma source(%arg17 : memref<640x8xf32, #tpu.memory_space<vmem>>) target(%dma_start3A_309 : memref<640x8xf32, #tpu.memory_space<hbm>>) target_semaphore(%run_scoped3A_303 : memref<!tpu.dma_semaphore, #tpu.memory_space<semaphore_mem>>)
      %dma_wait3A_310 = arith.constant 0 : i32
      %dma_wait3A_311 = tpu.memref_slice %arg9[%arg0, %mul3A_2, %dma_wait3A_310] : memref<2x10240x8xf32, #tpu.memory_space<hbm>> -> memref<1x640x8xf32, #tpu.memory_space<hbm>>
      %dma_wait3A_312 = tpu.memref_squeeze %dma_wait3A_311 : memref<1x640x8xf32, #tpu.memory_space<hbm>> -> memref<640x8xf32, #tpu.memory_space<hbm>>
      %dma_wait3A_313 = arith.constant 0 : i32
      %dma_wait3A_314 = tpu.memref_slice %arg9[%arg0, %mul3A_2, %dma_wait3A_313] : memref<2x10240x8xf32, #tpu.memory_space<hbm>> -> memref<1x640x8xf32, #tpu.memory_space<hbm>>
      %dma_wait3A_315 = tpu.memref_squeeze %dma_wait3A_314 : memref<1x640x8xf32, #tpu.memory_space<hbm>> -> memref<640x8xf32, #tpu.memory_space<hbm>>
      tpu.wait_dma2 semaphore(%run_scoped3A_303 : memref<!tpu.dma_semaphore, #tpu.memory_space<semaphore_mem>>) src(%arg17 : memref<640x8xf32, #tpu.memory_space<vmem>>) dst(%dma_wait3A_315 : memref<640x8xf32, #tpu.memory_space<hbm>>)
      tpu.yield
    }) : () -> ()
    return
  }
}

module attributes {stable_mosaic.version = 14 : i64} {
  func.func @body(%arg0: i32, %arg1: memref<2000x128xf32, #tpu.memory_space<vmem>>, %arg2: memref<128x128xf32, #tpu.memory_space<vmem>>, %arg3: memref<1x128xf32, #tpu.memory_space<vmem>>, %arg4: memref<2000x128xf32, #tpu.memory_space<vmem>>) attributes {dimension_semantics = [#tpu.dimension_semantics<arbitrary>], iteration_bounds = array<i64: 5>, scalar_prefetch = 0 : i64, scratch_operands = 0 : i64, tpu.core_type = #tpu.core_type<tc>, window_params = [{transform_indices = @transform_0, window_bounds = array<i64: 2000, 128>}, {pipeline_mode = #tpu.pipeline_mode<synchronous>, transform_indices = @transform_1, window_bounds = array<i64: 128, 128>}, {pipeline_mode = #tpu.pipeline_mode<synchronous>, transform_indices = @transform_2, window_bounds = array<i64: 1, 128>}, {transform_indices = @transform_3, window_bounds = array<i64: 2000, 128>}]} {
    %get3A = arith.constant 0 : index
    %get3A_0 = arith.constant 0 : index
    %get3A_1 = vector.load %arg1[%get3A, %get3A_0] : memref<2000x128xf32, #tpu.memory_space<vmem>>, vector<2000x128xf32>
    %get3A_2 = arith.constant 0 : index
    %get3A_3 = arith.constant 0 : index
    %get3A_4 = vector.load %arg2[%get3A_2, %get3A_3] : memref<128x128xf32, #tpu.memory_space<vmem>>, vector<128x128xf32>
    %dot_general3A = arith.constant dense<0.000000e+00> : vector<2000x128xf32>
    %dot_general3A_5 = tpu.matmul %get3A_1, %get3A_4, %dot_general3A {dimension_numbers = #tpu.dot_dimension_numbers<[1], [1], [0], [0], [0, 0, 1, 0], [], []>, precision = #tpu.contract_precision<fp32>, transpose_lhs_hint = false} : vector<2000x128xf32>, vector<128x128xf32>, vector<2000x128xf32> -> vector<2000x128xf32>
    %get3A_6 = arith.constant 0 : index
    %get3A_7 = arith.constant 0 : index
    %get3A_8 = vector.load %arg3[%get3A_6, %get3A_7] : memref<1x128xf32, #tpu.memory_space<vmem>>, vector<1x128xf32>
    %add3A = vector.broadcast %get3A_8 : vector<1x128xf32> to vector<2000x128xf32>
    %add3A_9 = arith.addf %dot_general3A_5, %add3A : vector<2000x128xf32>
    %swap3A = arith.constant 0 : index
    %swap3A_10 = arith.constant 0 : index
    %swap3A_11 = vector.load %arg4[%swap3A, %swap3A_10] : memref<2000x128xf32, #tpu.memory_space<vmem>>, vector<2000x128xf32>
    tpu.vector_store %arg4[%swap3A, %swap3A_10], %add3A_9 {strides = array<i32>} : memref<2000x128xf32, #tpu.memory_space<vmem>>, vector<2000x128xf32>,
    return
  }
  func.func @transform_0(%arg0: i32) -> (i32, i32) {
    %c0_i32 = arith.constant 0 : i32
    %c0_i32_0 = arith.constant 0 : i32
    return %arg0, %c0_i32 : i32, i32
  }
  func.func @transform_1(%arg0: i32) -> (i32, i32) {
    %c0_i32 = arith.constant 0 : i32
    %c0_i32_0 = arith.constant 0 : i32
    %c0_i32_1 = arith.constant 0 : i32
    return %c0_i32, %c0_i32_0 : i32, i32
  }
  func.func @transform_2(%arg0: i32) -> (i32, i32) {
    %c0_i32 = arith.constant 0 : i32
    %c0_i32_0 = arith.constant 0 : i32
    %c0_i32_1 = arith.constant 0 : i32
    return %c0_i32, %c0_i32_0 : i32, i32
  }
  func.func @transform_3(%arg0: i32) -> (i32, i32) {
    %c0_i32 = arith.constant 0 : i32
    %c0_i32_0 = arith.constant 0 : i32
    return %arg0, %c0_i32 : i32, i32
  }
}

module attributes {stable_mosaic.version = 14 : i64} {
  func.func @body(%arg0: i32, %arg1: memref<2x2000x128xf32, #tpu.memory_space<vmem>>, %arg2: memref<2x2000x8xf32, #tpu.memory_space<vmem>>, %arg3: memref<2000x128xf32, #tpu.memory_space<vmem>>, %arg4: memref<128x128xf32, #tpu.memory_space<vmem>>, %arg5: memref<2000x128xf32, #tpu.memory_space<vmem>>, %arg6: memref<2000x8xf32, #tpu.memory_space<vmem>>) attributes {dimension_semantics = [#tpu.dimension_semantics<arbitrary>], iteration_bounds = array<i64: 5>, scalar_prefetch = 0 : i64, scratch_operands = 0 : i64, tpu.core_type = #tpu.core_type<tc>, window_params = [{transform_indices = @transform_0, window_bounds = array<i64: 2, 2000, 128>}, {transform_indices = @transform_1, window_bounds = array<i64: 2, 2000, 8>}, {transform_indices = @transform_2, window_bounds = array<i64: 2000, 128>}, {pipeline_mode = #tpu.pipeline_mode<synchronous>, transform_indices = @transform_3, window_bounds = array<i64: 128, 128>}, {transform_indices = @transform_4, window_bounds = array<i64: 2000, 128>}, {transform_indices = @transform_5, window_bounds = array<i64: 2000, 8>}]} {
    %get3A = arith.constant 0 : index
    %get3A_0 = arith.constant 0 : index
    %get3A_1 = arith.constant 0 : index
    %get3A_2 = vector.load %arg1[%get3A, %get3A_0, %get3A_1] : memref<2x2000x128xf32, #tpu.memory_space<vmem>>, vector<1x2000x128xf32>
    %get3A_3 = vector.shape_cast %get3A_2 : vector<1x2000x128xf32> to vector<2000x128xf32>
    %get3A_4 = arith.constant 1 : index
    %get3A_5 = arith.constant 0 : index
    %get3A_6 = arith.constant 0 : index
    %get3A_7 = vector.load %arg1[%get3A_4, %get3A_5, %get3A_6] : memref<2x2000x128xf32, #tpu.memory_space<vmem>>, vector<1x2000x128xf32>
    %get3A_8 = vector.shape_cast %get3A_7 : vector<1x2000x128xf32> to vector<2000x128xf32>
    %add3A = arith.addf %get3A_3, %get3A_8 : vector<2000x128xf32>
    %get3A_9 = arith.constant 0 : index
    %get3A_10 = arith.constant 0 : index
    %get3A_11 = arith.constant 0 : index
    %get3A_12 = vector.load %arg2[%get3A_9, %get3A_10, %get3A_11] : memref<2x2000x8xf32, #tpu.memory_space<vmem>>, vector<1x2000x1xf32>
    %get3A_13 = vector.shape_cast %get3A_12 : vector<1x2000x1xf32> to vector<2000x1xf32>
    %get3A_14 = arith.constant 1 : index
    %get3A_15 = arith.constant 0 : index
    %get3A_16 = arith.constant 0 : index
    %get3A_17 = vector.load %arg2[%get3A_14, %get3A_15, %get3A_16] : memref<2x2000x8xf32, #tpu.memory_space<vmem>>, vector<1x2000x1xf32>
    %get3A_18 = vector.shape_cast %get3A_17 : vector<1x2000x1xf32> to vector<2000x1xf32>
    %add3A_19 = arith.addf %get3A_13, %get3A_18 : vector<2000x1xf32>
    %max3A = arith.constant 1.000000e+00 : f32
    %max3A_20 = vector.broadcast %max3A : f32 to vector<2000x1xf32>
    %max3A_21 = arith.maximumf %add3A_19, %max3A_20 : vector<2000x1xf32>
    %div3A = vector.broadcast %max3A_21 : vector<2000x1xf32> to vector<2000x128xf32>
    %div3A_22 = arith.divf %add3A, %div3A : vector<2000x128xf32>
    %get3A_23 = arith.constant 0 : index
    %get3A_24 = arith.constant 0 : index
    %get3A_25 = vector.load %arg4[%get3A_23, %get3A_24] : memref<128x128xf32, #tpu.memory_space<vmem>>, vector<128x128xf32>
    %dot_general3A = arith.constant dense<0.000000e+00> : vector<2000x128xf32>
    %dot_general3A_26 = tpu.matmul %div3A_22, %get3A_25, %dot_general3A {dimension_numbers = #tpu.dot_dimension_numbers<[1], [1], [0], [0], [0, 0, 1, 0], [], []>, precision = #tpu.contract_precision<fp32>, transpose_lhs_hint = false} : vector<2000x128xf32>, vector<128x128xf32>, vector<2000x128xf32> -> vector<2000x128xf32>
    %get3A_27 = arith.constant 0 : index
    %get3A_28 = arith.constant 0 : index
    %get3A_29 = vector.load %arg3[%get3A_27, %get3A_28] : memref<2000x128xf32, #tpu.memory_space<vmem>>, vector<2000x128xf32>
    %add3A_30 = arith.addf %dot_general3A_26, %get3A_29 : vector<2000x128xf32>
    %mul3A = arith.mulf %add3A_30, %add3A_30 : vector<2000x128xf32>
    %reduce_sum3A = arith.constant dense<0.000000e+00> : vector<2000xf32>
    %reduce_sum3A_31 = vector.multi_reduction <add>, %mul3A, %reduce_sum3A [1] : vector<2000x128xf32> to vector<2000xf32>
    %broadcast_in_dim3A = vector.shape_cast %reduce_sum3A_31 : vector<2000xf32> to vector<2000x1xf32>
    %sqrt3A = math.sqrt %broadcast_in_dim3A : vector<2000x1xf32>
    %max3A_32 = arith.constant 9.99999996E-13 : f32
    %max3A_33 = vector.broadcast %max3A_32 : f32 to vector<2000x1xf32>
    %max3A_34 = arith.maximumf %sqrt3A, %max3A_33 : vector<2000x1xf32>
    %div3A_35 = vector.broadcast %max3A_34 : vector<2000x1xf32> to vector<2000x128xf32>
    %div3A_36 = arith.divf %add3A_30, %div3A_35 : vector<2000x128xf32>
    %swap3A = arith.constant 0 : index
    %swap3A_37 = arith.constant 0 : index
    %swap3A_38 = vector.load %arg5[%swap3A, %swap3A_37] : memref<2000x128xf32, #tpu.memory_space<vmem>>, vector<2000x128xf32>
    tpu.vector_store %arg5[%swap3A, %swap3A_37], %div3A_36 {strides = array<i32>} : memref<2000x128xf32, #tpu.memory_space<vmem>>, vector<2000x128xf32>,
    %broadcast_in_dim3A_39 = vector.shape_cast %add3A_19 : vector<2000x1xf32> to vector<2000x1xf32>
    %broadcast_in_dim3A_40 = vector.broadcast %broadcast_in_dim3A_39 : vector<2000x1xf32> to vector<2000x8xf32>
    %swap3A_41 = arith.constant 0 : index
    %swap3A_42 = arith.constant 0 : index
    %swap3A_43 = vector.load %arg6[%swap3A_41, %swap3A_42] : memref<2000x8xf32, #tpu.memory_space<vmem>>, vector<2000x8xf32>
    tpu.vector_store %arg6[%swap3A_41, %swap3A_42], %broadcast_in_dim3A_40 {strides = array<i32>} : memref<2000x8xf32, #tpu.memory_space<vmem>>, vector<2000x8xf32>,
    return
  }
  func.func @transform_0(%arg0: i32) -> (i32, i32, i32) {
    %c0_i32 = arith.constant 0 : i32
    %c0_i32_0 = arith.constant 0 : i32
    %c0_i32_1 = arith.constant 0 : i32
    return %c0_i32, %arg0, %c0_i32_0 : i32, i32, i32
  }
  func.func @transform_1(%arg0: i32) -> (i32, i32, i32) {
    %c0_i32 = arith.constant 0 : i32
    %c0_i32_0 = arith.constant 0 : i32
    %c0_i32_1 = arith.constant 0 : i32
    return %c0_i32, %arg0, %c0_i32_0 : i32, i32, i32
  }
  func.func @transform_2(%arg0: i32) -> (i32, i32) {
    %c0_i32 = arith.constant 0 : i32
    %c0_i32_0 = arith.constant 0 : i32
    return %arg0, %c0_i32 : i32, i32
  }
  func.func @transform_3(%arg0: i32) -> (i32, i32) {
    %c0_i32 = arith.constant 0 : i32
    %c0_i32_0 = arith.constant 0 : i32
    %c0_i32_1 = arith.constant 0 : i32
    return %c0_i32, %c0_i32_0 : i32, i32
  }
  func.func @transform_4(%arg0: i32) -> (i32, i32) {
    %c0_i32 = arith.constant 0 : i32
    %c0_i32_0 = arith.constant 0 : i32
    return %arg0, %c0_i32 : i32, i32
  }
  func.func @transform_5(%arg0: i32) -> (i32, i32) {
    %c0_i32 = arith.constant 0 : i32
    %c0_i32_0 = arith.constant 0 : i32
    return %arg0, %c0_i32 : i32, i32
  }
}

module attributes {stable_mosaic.version = 14 : i64} {
  func.func @body(%arg0: i32, %arg1: memref<2x2000x128xf32, #tpu.memory_space<vmem>>, %arg2: memref<2000x8xf32, #tpu.memory_space<vmem>>, %arg3: memref<2000x128xf32, #tpu.memory_space<vmem>>, %arg4: memref<128x128xf32, #tpu.memory_space<vmem>>, %arg5: memref<2000x128xf32, #tpu.memory_space<vmem>>) attributes {dimension_semantics = [#tpu.dimension_semantics<arbitrary>], iteration_bounds = array<i64: 5>, scalar_prefetch = 0 : i64, scratch_operands = 0 : i64, tpu.core_type = #tpu.core_type<tc>, window_params = [{transform_indices = @transform_0, window_bounds = array<i64: 2, 2000, 128>}, {transform_indices = @transform_1, window_bounds = array<i64: 2000, 8>}, {transform_indices = @transform_2, window_bounds = array<i64: 2000, 128>}, {pipeline_mode = #tpu.pipeline_mode<synchronous>, transform_indices = @transform_3, window_bounds = array<i64: 128, 128>}, {transform_indices = @transform_4, window_bounds = array<i64: 2000, 128>}]} {
    %get3A = arith.constant 0 : index
    %get3A_0 = arith.constant 0 : index
    %get3A_1 = arith.constant 0 : index
    %get3A_2 = vector.load %arg1[%get3A, %get3A_0, %get3A_1] : memref<2x2000x128xf32, #tpu.memory_space<vmem>>, vector<1x2000x128xf32>
    %get3A_3 = vector.shape_cast %get3A_2 : vector<1x2000x128xf32> to vector<2000x128xf32>
    %get3A_4 = arith.constant 1 : index
    %get3A_5 = arith.constant 0 : index
    %get3A_6 = arith.constant 0 : index
    %get3A_7 = vector.load %arg1[%get3A_4, %get3A_5, %get3A_6] : memref<2x2000x128xf32, #tpu.memory_space<vmem>>, vector<1x2000x128xf32>
    %get3A_8 = vector.shape_cast %get3A_7 : vector<1x2000x128xf32> to vector<2000x128xf32>
    %add3A = arith.addf %get3A_3, %get3A_8 : vector<2000x128xf32>
    %get3A_9 = arith.constant 0 : index
    %get3A_10 = arith.constant 0 : index
    %get3A_11 = vector.load %arg2[%get3A_9, %get3A_10] : memref<2000x8xf32, #tpu.memory_space<vmem>>, vector<2000x1xf32>
    %max3A = arith.constant 1.000000e+00 : f32
    %max3A_12 = vector.broadcast %max3A : f32 to vector<2000x1xf32>
    %max3A_13 = arith.maximumf %get3A_11, %max3A_12 : vector<2000x1xf32>
    %div3A = vector.broadcast %max3A_13 : vector<2000x1xf32> to vector<2000x128xf32>
    %div3A_14 = arith.divf %add3A, %div3A : vector<2000x128xf32>
    %get3A_15 = arith.constant 0 : index
    %get3A_16 = arith.constant 0 : index
    %get3A_17 = vector.load %arg4[%get3A_15, %get3A_16] : memref<128x128xf32, #tpu.memory_space<vmem>>, vector<128x128xf32>
    %dot_general3A = arith.constant dense<0.000000e+00> : vector<2000x128xf32>
    %dot_general3A_18 = tpu.matmul %div3A_14, %get3A_17, %dot_general3A {dimension_numbers = #tpu.dot_dimension_numbers<[1], [1], [0], [0], [0, 0, 1, 0], [], []>, precision = #tpu.contract_precision<fp32>, transpose_lhs_hint = false} : vector<2000x128xf32>, vector<128x128xf32>, vector<2000x128xf32> -> vector<2000x128xf32>
    %get3A_19 = arith.constant 0 : index
    %get3A_20 = arith.constant 0 : index
    %get3A_21 = vector.load %arg3[%get3A_19, %get3A_20] : memref<2000x128xf32, #tpu.memory_space<vmem>>, vector<2000x128xf32>
    %add3A_22 = arith.addf %dot_general3A_18, %get3A_21 : vector<2000x128xf32>
    %mul3A = arith.mulf %add3A_22, %add3A_22 : vector<2000x128xf32>
    %reduce_sum3A = arith.constant dense<0.000000e+00> : vector<2000xf32>
    %reduce_sum3A_23 = vector.multi_reduction <add>, %mul3A, %reduce_sum3A [1] : vector<2000x128xf32> to vector<2000xf32>
    %broadcast_in_dim3A = vector.shape_cast %reduce_sum3A_23 : vector<2000xf32> to vector<2000x1xf32>
    %sqrt3A = math.sqrt %broadcast_in_dim3A : vector<2000x1xf32>
    %max3A_24 = arith.constant 9.99999996E-13 : f32
    %max3A_25 = vector.broadcast %max3A_24 : f32 to vector<2000x1xf32>
    %max3A_26 = arith.maximumf %sqrt3A, %max3A_25 : vector<2000x1xf32>
    %div3A_27 = vector.broadcast %max3A_26 : vector<2000x1xf32> to vector<2000x128xf32>
    %div3A_28 = arith.divf %add3A_22, %div3A_27 : vector<2000x128xf32>
    %swap3A = arith.constant 0 : index
    %swap3A_29 = arith.constant 0 : index
    %swap3A_30 = vector.load %arg5[%swap3A, %swap3A_29] : memref<2000x128xf32, #tpu.memory_space<vmem>>, vector<2000x128xf32>
    tpu.vector_store %arg5[%swap3A, %swap3A_29], %div3A_28 {strides = array<i32>} : memref<2000x128xf32, #tpu.memory_space<vmem>>, vector<2000x128xf32>,
    return
  }
  func.func @transform_0(%arg0: i32) -> (i32, i32, i32) {
    %c0_i32 = arith.constant 0 : i32
    %c0_i32_0 = arith.constant 0 : i32
    %c0_i32_1 = arith.constant 0 : i32
    return %c0_i32, %arg0, %c0_i32_0 : i32, i32, i32
  }
  func.func @transform_1(%arg0: i32) -> (i32, i32) {
    %c0_i32 = arith.constant 0 : i32
    %c0_i32_0 = arith.constant 0 : i32
    return %arg0, %c0_i32 : i32, i32
  }
  func.func @transform_2(%arg0: i32) -> (i32, i32) {
    %c0_i32 = arith.constant 0 : i32
    %c0_i32_0 = arith.constant 0 : i32
    return %arg0, %c0_i32 : i32, i32
  }
  func.func @transform_3(%arg0: i32) -> (i32, i32) {
    %c0_i32 = arith.constant 0 : i32
    %c0_i32_0 = arith.constant 0 : i32
    %c0_i32_1 = arith.constant 0 : i32
    return %c0_i32, %c0_i32_0 : i32, i32
  }
  func.func @transform_4(%arg0: i32) -> (i32, i32) {
    %c0_i32 = arith.constant 0 : i32
    %c0_i32_0 = arith.constant 0 : i32
    return %arg0, %c0_i32 : i32, i32
  }
}

</mosaic_0001>

<sc_bundles>
// kernel: kernel.11.cloned.1.call-start
scs
__scs_entry_jumppad:
0x0: {  	(pc) =	sbr.rel $0x88, $3  }
0x1: {  	(tag) =	ssettag $0x0;
	lr =	simm.s32 $0x1  }
0x2: {  	[smem:$0x3F99] =	sst lr;
	_ =	strace $0xD0000000  }
0x3: {  	_ = 	snop  }
0x4: {  	_ = 	snop  }
0x5: {  	_ = 	snop  }
0x6: {  	_ = 	snop  }
0x7: {  	_ = 	snop  }
__scs_overlays_trampoline_lowered:
0x8: {  	[smem:$0x3FA8] =	sst s0  }
0x9: {  	[smem:$0x3FA9] =	sst s1  }
0xa: {  	[smem:$0x3FAA] =	sst s2  }
0xb: {  	[smem:$0x3FAB] =	sst s3  }
0xc: {  	[smem:$0x3FAC] =	sst s4  }
0xd: {  	[smem:$0x3FAD] =	sst s5  }
0xe: {  	[smem:$0x3FAE] =	sst s6  }
0xf: {  	[smem:$0x3FAF] =	sst s7  }
0x10: {  	[smem:$0x3FB0] =	sst s8  }
0x11: {  	[smem:$0x3FB1] =	sst s9;
	s0 =	simm.s32 @!p0 $0x0  }
0x12: {  	s1 =	sld [smem:$0x3F97];
	s0 =	simm.s32 @p0 $0x1  }
0x13: {  	[smem:$0x3FB2] =	sst s0;
	s0 =	simm.s32 @!p1 $0x0  }
0x14: {  	s2 =	sld [smem:$0x3F96];
	s0 =	simm.s32 @p1 $0x1  }
0x15: {  	[smem:$0x3FB3] =	sst s0;
	s0 =	simm.s32 @!p2 $0x0  }
0x16: {  	s3 =	sld [smem:$0x3FDB];
	s0 =	simm.s32 @p2 $0x1  }
0x17: {  	s4 =	simm.s32 $0x1BF5;
	[smem:$0x3FB5] =	sst s0  }
0x18: {  	s0 =	sld [smem:$0x3F98];
	_ =	swait.ge [sflag:s4], $0x0  }
0x19: {  	s7 =	sld [smem:$0x3F99]  }
0x1a: {  	s8 =	sadd.s32 $0xFFFFE003, lr  }
0x1b: {  	s9 =	sadd.s32 $0xFFFFFEF7, lr;
	s5 =	simm.s32 $0xFFFFFFFF;
	p2 =	slt.u32 s8, $0xFFFFF086  }
0x1c: {  	p1 =	slt.u32 s9, $0xF7A;
	s5 =	simm.s32 @!p2 $0x0  }
0x1d: {  	s5 =	simm.s32 @p1 $0x1;
	p0 =	seq.s32 s7, s2  }
0x1e: {  	s7 =	smul.u32 @!p0 $0xF7A, s2;
	p2 =	seq.s32 @!p0 s5, $0x0  }
0x1f: {  	s9 =	smul.u32 $0xF7A, s1;
	s8 =	simm.s32 @!p0 $0x1BF5;
	p2 =	por !p2, p0  }
0x20: {  	[sflag:s8] =	ssyncset.s32 @!p0 $0xFFFFF086;
	s6 =	sadd.s32 @!p0 s3, s7;
	s7 =	simm.s32 @!p0 $0x108  }
0x21: {  	s3 =	sadd.s32 s3, s9;
	s6 =	sadd.s32 @!p0 $0x88, s6;
	s7 =	simm.s32 @p2 $0x1082  }
0x22: {  	[simem:s7], [sflag:s8] =	dma.local @!p0 [hbm:s6], $0xF7A  }
0x23: {  	s9 =	sor.u32 $0xD0000000, s2;
	s6 =	simm.s32 $0x108;
	_ =	swait.ge @!p0 [sflag:s8], $0x0  }
0x24: {  	s3 =	sadd.s32 $0x88, s3;
	s6 =	simm.s32 @!p1 $0x1082;
	[sflag:s4] =	ssyncset.s32 $0xFFFFF086  }
0x25: {  	[simem:s6], [sflag:s4] =	dma.local [hbm:s3], $0xF7A  }
0x26: {  	[smem:$0x3F99] =	sst s1;
	(tag) =	ssettag s2;
	_ =	strace s9  }
0x27: {  	s1 =	sld [smem:$0x3FA9]  }
0x28: {  	s2 =	sld [smem:$0x3FAA]  }
0x29: {  	s4 =	sld [smem:$0x3FAC]  }
0x2a: {  	p0 =	seq.s32 s5, $0x0;
	s5 =	sld [smem:$0x3FAD]  }
0x2b: {  	s6 =	sld [smem:$0x3FAE]  }
0x2c: {  	s7 =	sld [smem:$0x3FAF]  }
0x2d: {  	s3 =	simm.s32 $0x108;
	s8 =	sld [smem:$0x3FB0]  }
0x2e: {  	s3 =	simm.s32 @!p0 $0x1082;
	s9 =	sld [smem:$0x3FB1]  }
0x2f: {  	lr =	sadd.s32 s0, s3;
	s0 =	sld [smem:$0x3FA8]  }
0x30: {  	s3 =	sld [smem:$0x3FAB]  }
0x31: {  	[smem:$0x3FB4] =	sst s10  }
0x32: {  	s10 =	sld [smem:$0x3FB2];
	_ =	sdelay $0x3  }
0x33: {  	p0 =	seq.s32 s10, $0x1;
	s10 =	sld [smem:$0x3FB4];
	_ =	sdelay $0x3  }
0x34: {  	[smem:$0x3FB4] =	sst s10  }
0x35: {  	s10 =	sld [smem:$0x3FB3];
	_ =	sdelay $0x3  }
0x36: {  	p1 =	seq.s32 s10, $0x1;
	s10 =	sld [smem:$0x3FB4];
	_ =	sdelay $0x3  }
0x37: {  	[smem:$0x3FB4] =	sst s10  }
0x38: {  	s10 =	sld [smem:$0x3FB5]  }
0x39: {  	_ = 	snop;
	(pc) =	sbr.ind lr, $3  }
0x3a: {  	_ = 	snop  }
0x3b: {  	_ = 	snop  }
0x3c: {  	p2 =	seq.s32 s10, $0x1;
	s10 =	sld [smem:$0x3FB4]  }
0x3d: {  	_ =	shalt  }
0x3e: {  	_ =	shalt  }
0x3f: {  	_ =	shalt  }
0x40: {  	_ =	shalt  }
0x41: {  	_ =	shalt  }
0x42: {  	_ =	shalt  }
0x43: {  	_ =	shalt  }
0x44: {  	_ =	shalt  }
0x45: {  	_ =	shalt  }
0x46: {  	_ =	shalt  }
0x47: {  	_ =	shalt  }
0x48: {  	_ =	shalt  }
0x49: {  	_ =	shalt  }
0x4a: {  	_ =	shalt  }
0x4b: {  	_ =	shalt  }
0x4c: {  	_ =	shalt  }
0x4d: {  	_ =	shalt  }
0x4e: {  	_ =	shalt  }
0x4f: {  	_ =	shalt  }
0x50: {  	_ =	shalt  }
0x51: {  	_ =	shalt  }
0x52: {  	_ =	shalt  }
0x53: {  	_ =	shalt  }
0x54: {  	_ =	shalt  }
0x55: {  	_ =	shalt  }
0x56: {  	_ =	shalt  }
0x57: {  	_ =	shalt  }
0x58: {  	_ =	shalt  }
0x59: {  	_ =	shalt  }
0x5a: {  	_ =	shalt  }
0x5b: {  	_ =	shalt  }
0x5c: {  	_ =	shalt  }
0x5d: {  	_ =	shalt  }
0x5e: {  	_ =	shalt  }
0x5f: {  	_ =	shalt  }
0x60: {  	_ =	shalt  }
0x61: {  	_ =	shalt  }
0x62: {  	_ =	shalt  }
0x63: {  	_ =	shalt  }
0x64: {  	_ =	shalt  }
0x65: {  	_ =	shalt  }
0x66: {  	_ =	shalt  }
0x67: {  	_ =	shalt  }
0x68: {  	_ =	shalt  }
0x69: {  	_ =	shalt  }
0x6a: {  	_ =	shalt  }
0x6b: {  	_ =	shalt  }
0x6c: {  	_ =	shalt  }
0x6d: {  	_ =	shalt  }
0x6e: {  	_ =	shalt  }
0x6f: {  	_ =	shalt  }
0x70: {  	_ =	shalt  }
0x71: {  	_ =	shalt  }
0x72: {  	_ =	shalt  }
0x73: {  	_ =	shalt  }
0x74: {  	_ =	shalt  }
0x75: {  	_ =	shalt  }
0x76: {  	_ =	shalt  }
0x77: {  	_ =	shalt  }
0x78: {  	_ =	shalt  }
0x79: {  	_ =	shalt  }
0x7a: {  	_ =	shalt  }
0x7b: {  	_ =	shalt  }
0x7c: {  	_ =	shalt  }
0x7d: {  	_ =	shalt  }
0x7e: {  	_ =	shalt  }
0x7f: {  	_ =	shalt  }
0x80: {  	_ =	shalt  }
0x81: {  	_ =	shalt  }
0x82: {  	_ =	shalt  }
0x83: {  	_ =	shalt  }
0x84: {  	_ =	shalt  }
0x85: {  	_ =	shalt  }
0x86: {  	_ =	shalt  }
0x87: {  	_ =	shalt  }
.Lfunc_end0:
.L_simem_size_0:
called_computation.1_lowered:
.L_overlay_start_0:
0x88: {  	s2 =	sld [smem:$0x3FD9]  }
0x89: {  	s3 =	sld [smem:$0x3FFE];
	_ =	sdelay $0x1  }
0x8a: {  	s1 =	srdreg.scid  }
0x8b: {  	s0 =	sand.u32 $0x1, s1  }
0x8c: {  	s17 =	sshll.u32 s0, $0xA;
	s2 =	sadd.s32 s3, s2  }
0x8d: {  	s2 =	sadd.s32 s2, s17  }
0x8e: {  	[smem:$0x3FC0] =	sst s2  }
0x8f: {  	_ = 	snop  }
0x90: {  	s2 =	sld [smem:$0x3FD0];
	(tm) =	ssettm $0x1  }
0x91: {  	s18 =	sld [smem:$0x3FFB];
	_ =	sdelay $0x3  }
0x92: {  	_ =	strace s18  }
0x93: {  	s3 =	sld [smem:$0x3FFC];
	_ =	sdelay $0x3  }
0x94: {  	_ =	strace s3  }
0x95: {  	s3 =	sld [smem:$0x3FFD];
	_ =	sdelay $0x3  }
0x96: {  	_ =	strace s3  }
0x97: {  	_ =	strace $0x8FFFFFFF  }
0x98: {  	s19 =	sld [smem:$0x3FDB];
	_ =	sdelay $0x1  }
0x99: {  	s4 =	simm.s32 $_scs_section_size  }
0x9a: {  	s5 =	simm.s32 $_size__tile_overlayer_lowered;
	s6 =	simm.s32 $_tile_overlayer_lowered  }
0x9b: {  	s22 =	simm.s32 $0x1BFF;
	s21 =	sshll.u32 s6, $0x1;
	s3 =	sadd.s32 s4, s19  }
0x9c: {  	s7 =	simm.s32 $0x0;
	s20 =	sshll.u32 s5, $0x1;
	s5 =	sadd.s32 s21, s3  }
0x9d: {  	[timem:s7], [sflag:s22] =	dma.local [hbm:s5], s20  }
0x9e: {  	_ =	swait.ge [sflag:s22], s20  }
0x9f: {  	s4 =	ssub.s32 $0x0, s20;
	[sflag:s22] =	ssyncset.done $0x0  }
0xa0: {  	[sflag:s22] =	ssyncadd.s32 s4;
	_ =	sdelay $0x1  }
0xa1: {  	s23 =	simm.s32 $0x1B8B  }
0xa2: {  	_ =	swait.ge [sflag:s23], $0x1  }
0xa3: {  	[sflag:s23] =	ssyncset.done $0x0  }
0xa4: {  	s25 =	simm.s32 $0x1B8E;
	s24 =	sld [smem:$0x3FFE];
	[sflag:s23] =	ssyncadd.s32 $0xFFFFFFFF  }
0xa5: {  	s26 =	simm.s32 $execute0_lowered;
	[smem:$0x3FD2] =	sst s25  }
0xa6: {  	s5 =	sshll.u32 s26, $0x1;
	_ =	strace $0x80000049;
	[dreg:$0x1] =	wrdreg $0xFFFFFFFF  }
0xa7: {  	s28 =	simm.s32 $_size_execute0_lowered;
	s3 =	sadd.s32 s3, s5;
	[dreg:$0x0] =	wrdreg $0x0  }
0xa8: {  	s5 =	sshll.u32 s28, $0x1;
	[dreg:$0x2] =	wrdreg s3  }
0xa9: {  	[dreg:$0x3] =	wrdreg s5  }
0xaa: {  	[dreg:$0x4] =	wrdreg $0xC0  }
0xab: {  	_ =	task [dreg:s7], $0x5FFFF  }
0xac: {  	[dreg:$0x1] =	wrdreg $0xFFFFFFFF  }
0xad: {  	[dreg:$0x0] =	wrdreg $0x60  }
0xae: {  	[dreg:$0x2] =	wrdreg s2  }
0xaf: {  	[dreg:$0x3] =	wrdreg s24  }
0xb0: {  	[dreg:$0x4] =	wrdreg $0x7A800  }
0xb1: {  	[dreg:$0x5] =	wrdreg $0x9  }
0xb2: {  	_ =	task.clear_ibuf [dreg:s7], $0x6FFFF;
	_ =	strace $0x90000049  }
0xb3: {  	s29 =	simm.s32 $0x9;
	_ =	strace $0x8000004B  }
0xb4: {  	_ =	swait.ge [sflag:s29], $0x1  }
0xb5: {  	[sflag:s29] =	ssyncadd.s32 $0xFFFFFFFF  }
0xb6: {  	_ =	strace $0x9000004B  }
0xb7: {  	_ =	sfence  }
0xb8: {  	s30 =	sld [smem:$0x0];
	_ =	sdelay $0x2  }
0xb9: {  	s31 =	sshll.u32 s1, $0xD;
	s1 =	sshrl.u32 s1, $0x2  }
0xba: {  	s3 =	sand.u32 $0x4000, s31;
	s1 =	sadd.s32 s1, s30  }
0xbb: {  	s0 =	sor.u32 s3, s0;
	s1 =	sshll.u32 s1, $0x11  }
0xbc: {  	s0 =	sor.u32 s1, s0  }
0xbd: {  	s0 =	sadd.s32 $0x8F2B, s0  }
0xbe: {  	[sflag:s0] =	ssyncadd.remote.s32 $0x1  }
0xbf: {  	_ =	sfence.sel $0xFFFF  }
0xc0: {  	[dreg:$0x0] =	wrdreg $0xFFFFFFFF;
	(pc) =	sbr.abs _section_cstart, $3  }
0xc1: {  	[dreg:$0x1] =	wrdreg $0xFFFFFFFF  }
0xc2: {  	_ =	task.clear_ibuf [dreg:s7], $0x2FFFF;
	_ =	strace $0x9FFFFFFF  }
0xc3: {  	(tm) =	ssettm $0x7FFFFFFF  }
tec
execute0_lowered:
.L_overlay_start_1:
0x0: {  	(tag) =	ssettag $0x1  }
0x1: {  	s0 =	srdreg.scid;
	s19 =	stileid.u32;
	s1 =	simm.s32 $0x0  }
0x2: {  	s2 =	sand.u32 $0x1, s0;
	s0 =	rddreg [dreg:$0x1];
	s10 =	smul.u32 $0x14000, s19  }
0x3: {  	s3 =	sshll.u32 s19, $0x1;
	[smem:$0x7FF] =	sst s1;
	s20 =	smul.u32 $0x140000, s2  }
0x4: {  	s3 =	sor.u32 s2, s3;
	s7 =	ssub.s32 $0x2, s2;
	s2 =	smul.u32 $0x4E2, s2  }
0x5: {  	s4 =	sadd.s32 $0xBE00, s0;
	s6 =	sadd.s32 $0x2000, s0;
	s5 =	smul.u32 $0x4E2, s3  }
0x6: {  	s8 =	sadd.s32 $0x16600, s0;
	s0 =	sadd.s32 $0x16000, s0;
	s3 =	smul.u32 $0x2710, s3  }
0x7: {  	s9 =	sshrl.u32 s7, $0x1;
	s11 =	sor.u32 $0x2800, s10;
	s12 =	sadd.s32 $0x5000, s10  }
0x8: {  	s13 =	sadd.s32 $0x7800, s10;
	s14 =	sadd.s32 $0xA000, s10;
	s16 =	sadd.s32 $0xC800, s10  }
0x9: {  	s28 =	sadd.s32 $0xF000, s10;
	s7 =	ssub.s32 s7, s9;
	s15 =	sadd.s32 s20, s10  }
0xa: {  	s17 =	sadd.s32 s20, s11;
	s10 =	sadd.s32 $0x11800, s10;
	s22 =	sadd.s32 s20, s12  }
0xb: {  	s23 =	sadd.s32 s20, s13;
	s30 =	sadd.s32 s20, s16;
	s31 =	sadd.s32 s20, s28  }
0xc: {  	s18 =	sadd.s32 s4, s5;
	s3 =	sshrl.u32 s3, $0x3;
	s15 =	sshrl.u32 s15, $0x3  }
0xd: {  	s17 =	sshrl.u32 s17, $0x3;
	s5 =	sadd.s32 s6, s5;
	[dreg:$0x4] =	wrdreg s18  }
0xe: {  	s24 =	sshrl.u32 s23, $0x3;
	s15 =	sadd.s32 s8, s15;
	[dreg:$0xd] =	wrdreg s5  }
0xf: {  	s9 =	sadd.s32 s20, s10;
	s21 =	sadd.s32 s8, s17;
	[dreg:$0x5] =	wrdreg s15  }
0x10: {  	s18 =	sadd.s32 s20, s14;
	[dreg:$0x6] =	wrdreg s21;
	s15 =	sshrl.u32 s22, $0x3  }
0x11: {  	s25 =	sshrl.u32 s18, $0x3;
	s18 =	sadd.s32 $0xA, s3;
	s15 =	sadd.s32 s8, s15  }
0x12: {  	s20 =	sadd.s32 s4, s18;
	s21 =	sadd.s32 s6, s18;
	s18 =	rddreg [dreg:$0x2]  }
0x13: {  	s23 =	smul.u32 $0x9C4, s19;
	s26 =	sadd.s32 s8, s25;
	[dreg:$0x7] =	wrdreg s15  }
0x14: {  	s17 =	sshrl.u32 s31, $0x3;
	s9 =	sshrl.u32 s9, $0x3;
	[dreg:$0x9] =	wrdreg s26  }
0x15: {  	s3 =	sadd.s32 $0x14, s3;
	s5 =	sadd.s32 s23, s6;
	[dreg:$0xe] =	wrdreg s20  }
0x16: {  	s22 =	sadd.s32 s4, s3;
	s3 =	sadd.s32 s6, s3;
	[dreg:$0xf] =	wrdreg s21  }
0x17: {  	s25 =	smul.u32 $0x50000, s19;
	s6 =	simm.s32 $0x5;
	[dreg:$0x10] =	wrdreg s22  }
0x18: {  	s15 =	sadd.s32 s8, s24;
	[dreg:$0x11] =	wrdreg s3;
	s24 =	sadd.s32 s23, s4  }
0x19: {  	s26 =	smax.u32 s7, $0x1;
	s22 =	sadd.s32 s11, s18;
	s23 =	sadd.s32 s12, s18  }
0x1a: {  	s28 =	sadd.s32 s28, s18;
	s29 =	sadd.s32 s10, s18;
	s7 =	simm.s32 $0x2A80  }
0x1b: {  	s10 =	simm.s32 $0x2;
	s11 =	simm.s32 $0x0;
	[dreg:$0x8] =	wrdreg s15  }
0x1c: {  	s15 =	sshrl.u32 s30, $0x3;
	s3 =	sadd.s32 s2, s24;
	s2 =	sadd.s32 s2, s5  }
0x1d: {  	s4 =	sshrl.u32 s25, $0x2;
	s24 =	sadd.s32 s13, s18;
	s15 =	sadd.s32 s8, s15  }
0x1e: {  	s25 =	sadd.s32 s14, s18;
	s5 =	simm.s32 $0x4;
	[dreg:$0xa] =	wrdreg s15  }
0x1f: {  	s20 =	sadd.s32 s4, s18;
	s15 =	sadd.s32 s8, s17;
	s17 =	rddreg [dreg:$0x0]  }
0x20: {  	s30 =	sadd.s32 $0x1E, s3;
	s8 =	sadd.s32 s8, s9;
	[dreg:$0xb] =	wrdreg s15  }
.Ltmp0:
0x21: {  	s31 =	sadd.s32 $0x1E, s2;
	[dreg:$0xc] =	wrdreg s8;
	(pc) =	sbr.rel .LBB2_1-.Ltmp0, $4  }
0x22: {  	s2 =	simm.s32 $0x50;
	_ =	strace $0x8000004A;
	[dreg:$0x12] =	wrdreg s0  }
0x23: {  	s4 =	simm.s32 $0x8;
	s9 =	simm.s32 $0x1;
	[dreg:$0x13] =	wrdreg s26  }
0x24: {  	s8 =	simm.s32 $0x9;
	s26 =	sadd.s32 s16, s18;
	[dreg:$0x14] =	wrdreg s30  }
0x25: {  	[dreg:$0x15] =	wrdreg s31;
	s16 =	simm.s32 $0x280;
	s0 =	simm.s32 $0xB  }
.LBB2_7:
0x26: {  	_ =	swait.ge [sflag:s8], $0x2800  }
0x27: {  	[sflag:s8] =	ssyncset.done $0x0  }
0x28: {  	[sflag:s8] =	ssyncadd.s32 $0xFFFFD800  }
0x29: {  	[bflag:$0x0] =	sbarrier.arrive $0xFFFF  }
0x2a: {  	[tilespmem:s16], [sflag:$0x1] =	stream.linear.gather [spmem:s20], $0x2800, $0x38;
	[tilespmem:$0x1BA80] =	vst v63  }
0x2b: {  	_ =	swait.ge [sflag:s9], $0x2800  }
0x2c: {  	[sflag:s9] =	ssyncset.done $0x0  }
0x2d: {  	s3 =	rddreg [dreg:$0x5];
	[sflag:s9] =	ssyncadd.s32 $0xFFFFD800  }
0x2e: {  	[hbm4b:s3+s1] =	stream.linear.scatter [tilespmem:s16], [sflag:$0x8], $0x2800, $0x38;
	[tilespmem:$0x1BA80] =	vst v63  }
0x2f: {  	_ = 	snop  }
0x30: {  	[tilespmem:s7], [sflag:$0x2] =	stream.linear.gather [spmem:s22], $0x2800, $0x38;
	[tilespmem:$0x1BA80] =	vst v63  }
0x31: {  	_ =	swait.ge [sflag:s10], $0x2800  }
0x32: {  	[sflag:s10] =	ssyncset.done $0x0  }
0x33: {  	s12 =	rddreg [dreg:$0x6];
	[sflag:s10] =	ssyncadd.s32 $0xFFFFD800  }
0x34: {  	[hbm4b:s12+s1] =	stream.linear.scatter [tilespmem:s7], [sflag:$0x9], $0x2800, $0x38;
	[tilespmem:$0x1BA80] =	vst v63  }
0x35: {  	_ =	swait.ge [sflag:s4], $0x2800  }
0x36: {  	[sflag:s4] =	ssyncset.done $0x0  }
0x37: {  	[sflag:s4] =	ssyncadd.s32 $0xFFFFD800  }
0x38: {  	[tilespmem:s16], [sflag:$0x1] =	stream.linear.gather [spmem:s23], $0x2800, $0x38;
	[tilespmem:$0x1BA80] =	vst v63  }
0x39: {  	_ =	swait.ge [sflag:s9], $0x2800  }
0x3a: {  	[sflag:s9] =	ssyncset.done $0x0  }
0x3b: {  	s13 =	rddreg [dreg:$0x7];
	[sflag:s9] =	ssyncadd.s32 $0xFFFFD800  }
0x3c: {  	[hbm4b:s13+s1] =	stream.linear.scatter [tilespmem:s16], [sflag:$0x8], $0x2800, $0x38;
	[tilespmem:$0x1BA80] =	vst v63  }
0x3d: {  	_ =	swait.ge [sflag:s8], $0x2800  }
0x3e: {  	[sflag:s8] =	ssyncset.done $0x0  }
0x3f: {  	[sflag:s8] =	ssyncadd.s32 $0xFFFFD800  }
0x40: {  	[tilespmem:s7], [sflag:$0x2] =	stream.linear.gather [spmem:s24], $0x2800, $0x38;
	[tilespmem:$0x1BA80] =	vst v63  }
0x41: {  	_ =	swait.ge [sflag:s10], $0x2800  }
0x42: {  	[sflag:s10] =	ssyncset.done $0x0  }
0x43: {  	s14 =	rddreg [dreg:$0x8];
	[sflag:s10] =	ssyncadd.s32 $0xFFFFD800  }
0x44: {  	[hbm4b:s14+s1] =	stream.linear.scatter [tilespmem:s7], [sflag:$0x9], $0x2800, $0x38;
	[tilespmem:$0x1BA80] =	vst v63  }
0x45: {  	_ =	swait.ge [sflag:s4], $0x2800  }
0x46: {  	[sflag:s4] =	ssyncset.done $0x0  }
0x47: {  	[sflag:s4] =	ssyncadd.s32 $0xFFFFD800  }
0x48: {  	[tilespmem:s16], [sflag:$0x1] =	stream.linear.gather [spmem:s25], $0x2800, $0x38;
	[tilespmem:$0x1BA80] =	vst v63  }
0x49: {  	_ =	swait.ge [sflag:s9], $0x2800  }
0x4a: {  	[sflag:s9] =	ssyncset.done $0x0  }
0x4b: {  	s15 =	rddreg [dreg:$0x9];
	[sflag:s9] =	ssyncadd.s32 $0xFFFFD800  }
0x4c: {  	[hbm4b:s15+s1] =	stream.linear.scatter [tilespmem:s16], [sflag:$0x8], $0x2800, $0x38;
	[tilespmem:$0x1BA80] =	vst v63  }
0x4d: {  	_ =	swait.ge [sflag:s8], $0x2800  }
0x4e: {  	[sflag:s8] =	ssyncset.done $0x0  }
0x4f: {  	[sflag:s8] =	ssyncadd.s32 $0xFFFFD800  }
0x50: {  	[tilespmem:s7], [sflag:$0x2] =	stream.linear.gather [spmem:s26], $0x2800, $0x38;
	[tilespmem:$0x1BA80] =	vst v63  }
0x51: {  	_ =	swait.ge [sflag:s10], $0x2800  }
0x52: {  	[sflag:s10] =	ssyncset.done $0x0  }
0x53: {  	s19 =	rddreg [dreg:$0xa];
	[sflag:s10] =	ssyncadd.s32 $0xFFFFD800  }
0x54: {  	[hbm4b:s19+s1] =	stream.linear.scatter [tilespmem:s7], [sflag:$0x9], $0x2800, $0x38;
	[tilespmem:$0x1BA80] =	vst v63  }
0x55: {  	_ =	swait.ge [sflag:s4], $0x2800  }
0x56: {  	[sflag:s4] =	ssyncset.done $0x0  }
0x57: {  	[sflag:s4] =	ssyncadd.s32 $0xFFFFD800  }
0x58: {  	[tilespmem:s16], [sflag:$0x1] =	stream.linear.gather [spmem:s28], $0x2800, $0x38;
	[tilespmem:$0x1BA80] =	vst v63  }
0x59: {  	_ =	swait.ge [sflag:s9], $0x2800  }
0x5a: {  	[sflag:s9] =	ssyncset.done $0x0  }
0x5b: {  	s21 =	rddreg [dreg:$0xb];
	[sflag:s9] =	ssyncadd.s32 $0xFFFFD800  }
0x5c: {  	[hbm4b:s21+s1] =	stream.linear.scatter [tilespmem:s16], [sflag:$0x8], $0x2800, $0x38;
	[tilespmem:$0x1BA80] =	vst v63  }
0x5d: {  	_ =	swait.ge [sflag:s8], $0x2800  }
0x5e: {  	[sflag:s8] =	ssyncset.done $0x0  }
0x5f: {  	[sflag:s8] =	ssyncadd.s32 $0xFFFFD800  }
0x60: {  	[tilespmem:s7], [sflag:$0x2] =	stream.linear.gather [spmem:s29], $0x2800, $0x38;
	[tilespmem:$0x1BA80] =	vst v63  }
0x61: {  	_ =	swait.ge [sflag:s10], $0x2800  }
0x62: {  	[sflag:s10] =	ssyncset.done $0x0  }
0x63: {  	s30 =	rddreg [dreg:$0xc];
	[sflag:s10] =	ssyncadd.s32 $0xFFFFD800  }
0x64: {  	[hbm4b:s30+s1] =	stream.linear.scatter [tilespmem:s7], [sflag:$0x9], $0x2800, $0x38;
	[tilespmem:$0x1BA80] =	vst v63  }
0x65: {  	_ =	swait.ge [sflag:s4], $0x2800  }
0x66: {  	[sflag:s4] =	ssyncset.done $0x0  }
0x67: {  	[sflag:s4] =	ssyncadd.s32 $0xFFFFD800  }
0x68: {  	_ =	swait.ge [sflag:s8], $0x2800  }
0x69: {  	s11 =	sadd.s32 $0x1, s11;
	s31 =	rddreg [dreg:$0x13]  }
0x6a: {  	p0 =	sne.s32 s11, s31  }
.Ltmp1:
0x6b: {  	_ = 	snop;
	(pc) =	sbr.rel @!p0 .LBB2_8-.Ltmp1, $3  }
0x6c: {  	_ =	sdelay $0x1  }
0x6d: {  	[sflag:s8] =	ssyncset.done $0x0  }
0x6e: {  	[sflag:s8] =	ssyncadd.s32 $0xFFFFD800  }
.LBB2_1:
0x6f: {  	s3 =	rddreg [dreg:$0x12]  }
0x70: {  	[tilespmem:s16], [sflag:$0xB] =	stream.linear.gather [hbm4b:s3+s1], $0x2800, $0x38;
	[tilespmem:$0x1BA80] =	vst v63  }
0x71: {  	_ =	swait.ge [sflag:s0], $0x2800  }
0x72: {  	[sflag:s0] =	ssyncset.done $0x0  }
0x73: {  	[sflag:s0] =	ssyncadd.s32 $0xFFFFD800  }
0x74: {  	[spmem:s20] =	stream.linear.scatter [tilespmem:s16], [sflag:$0x8], $0x2800, $0x38;
	[tilespmem:$0x1BA80] =	vst v63  }
0x75: {  	_ = 	snop  }
0x76: {  	[spmem:s22] =	stream.linear.scatter [tilespmem:s16], [sflag:$0x8], $0x2800, $0x38;
	[tilespmem:$0x1BA80] =	vst v63  }
0x77: {  	_ = 	snop  }
0x78: {  	[spmem:s23] =	stream.linear.scatter [tilespmem:s16], [sflag:$0x8], $0x2800, $0x38;
	[tilespmem:$0x1BA80] =	vst v63  }
0x79: {  	_ = 	snop  }
0x7a: {  	[spmem:s24] =	stream.linear.scatter [tilespmem:s16], [sflag:$0x8], $0x2800, $0x38;
	[tilespmem:$0x1BA80] =	vst v63  }
0x7b: {  	_ = 	snop  }
0x7c: {  	[spmem:s25] =	stream.linear.scatter [tilespmem:s16], [sflag:$0x8], $0x2800, $0x38;
	[tilespmem:$0x1BA80] =	vst v63  }
0x7d: {  	_ = 	snop  }
0x7e: {  	[spmem:s26] =	stream.linear.scatter [tilespmem:s16], [sflag:$0x8], $0x2800, $0x38;
	[tilespmem:$0x1BA80] =	vst v63  }
0x7f: {  	_ = 	snop  }
0x80: {  	[spmem:s28] =	stream.linear.scatter [tilespmem:s16], [sflag:$0x8], $0x2800, $0x38;
	[tilespmem:$0x1BA80] =	vst v63  }
0x81: {  	_ = 	snop  }
0x82: {  	[spmem:s29] =	stream.linear.scatter [tilespmem:s16], [sflag:$0x8], $0x2800, $0x38;
	[tilespmem:$0x1BA80] =	vst v63  }
0x83: {  	s14 =	rddreg [dreg:$0x4]  }
0x84: {  	[tilespmem:s1], [sflag:$0x4] =	stream.linear.gather [hbm4b:s14+s1], $0x50, $0x38;
	[tilespmem:$0x1BA80] =	vst v63  }
0x85: {  	s15 =	rddreg [dreg:$0xd]  }
0x86: {  	[tilespmem:s2], [sflag:$0x4] =	stream.linear.gather [hbm4b:s15+s1], $0x50, $0x38;
	[tilespmem:$0x1BA80] =	vst v63  }
0x87: {  	s12 =	simm.s32 $0xA0;
	s19 =	rddreg [dreg:$0xe]  }
0x88: {  	[tilespmem:s12], [sflag:$0x5] =	stream.linear.gather [hbm4b:s19+s1], $0x50, $0x38;
	[tilespmem:$0x1BA80] =	vst v63  }
0x89: {  	s13 =	simm.s32 $0xF0;
	s21 =	rddreg [dreg:$0xf]  }
0x8a: {  	[tilespmem:s13], [sflag:$0x5] =	stream.linear.gather [hbm4b:s21+s1], $0x50, $0x38;
	[tilespmem:$0x1BA80] =	vst v63  }
0x8b: {  	s14 =	rddreg [dreg:$0x10];
	s15 =	simm.s32 $0x140  }
0x8c: {  	[tilespmem:s15], [sflag:$0x6] =	stream.linear.gather [hbm4b:s14+s1], $0x50, $0x38;
	[tilespmem:$0x1BA80] =	vst v63  }
0x8d: {  	s19 =	rddreg [dreg:$0x11];
	s21 =	simm.s32 $0x190  }
0x8e: {  	[tilespmem:s21], [sflag:$0x6] =	stream.linear.gather [hbm4b:s19+s1], $0x50, $0x38;
	[tilespmem:$0x1BA80] =	vst v63  }
0x8f: {  	_ =	swait.ge [sflag:s4], $0x2800  }
0x90: {  	[sflag:s4] =	ssyncset.done $0x0  }
0x91: {  	[sflag:s4] =	ssyncadd.s32 $0xFFFFD800  }
0x92: {  	_ =	swait.ge [sflag:s4], $0x2800  }
0x93: {  	[sflag:s4] =	ssyncset.done $0x0  }
0x94: {  	[sflag:s4] =	ssyncadd.s32 $0xFFFFD800  }
0x95: {  	_ =	swait.ge [sflag:s4], $0x2800  }
0x96: {  	[sflag:s4] =	ssyncset.done $0x0  }
0x97: {  	[sflag:s4] =	ssyncadd.s32 $0xFFFFD800  }
0x98: {  	_ =	swait.ge [sflag:s4], $0x2800  }
0x99: {  	[sflag:s4] =	ssyncset.done $0x0  }
0x9a: {  	[sflag:s4] =	ssyncadd.s32 $0xFFFFD800  }
0x9b: {  	_ =	swait.ge [sflag:s4], $0x2800  }
0x9c: {  	[sflag:s4] =	ssyncset.done $0x0  }
0x9d: {  	[sflag:s4] =	ssyncadd.s32 $0xFFFFD800  }
0x9e: {  	_ =	swait.ge [sflag:s4], $0x2800  }
0x9f: {  	[sflag:s4] =	ssyncset.done $0x0  }
0xa0: {  	[sflag:s4] =	ssyncadd.s32 $0xFFFFD800  }
0xa1: {  	_ =	swait.ge [sflag:s4], $0x2800  }
0xa2: {  	[sflag:s4] =	ssyncset.done $0x0  }
0xa3: {  	[sflag:s4] =	ssyncadd.s32 $0xFFFFD800  }
0xa4: {  	_ =	swait.ge [sflag:s4], $0x2800  }
0xa5: {  	[sflag:s4] =	ssyncset.done $0x0  }
0xa6: {  	[sflag:s4] =	ssyncadd.s32 $0xFFFFD800  }
0xa7: {  	[bflag:$0x0] =	sbarrier.arrive $0xFFFF  }
0xa8: {  	_ =	swait.ge [sflag:s5], $0x50  }
0xa9: {  	[sflag:s5] =	ssyncset.done $0x0  }
0xaa: {  	[sflag:s5] =	ssyncadd.s32 $0xFFFFFFB0  }
0xab: {  	_ =	swait.ge [sflag:s5], $0x50  }
0xac: {  	[sflag:s5] =	ssyncset.done $0x0  }
0xad: {  	[sflag:s5] =	ssyncadd.s32 $0xFFFFFFB0  }
0xae: {  	[tilespmem:s16], [sflag:$0x1] =	stream.indirect.gather [hbm4b:s17+s2], $0x80, s1, s2, $0xb8;
	[tilespmem:$0x1BA80] =	vst v63  }
0xaf: {  	_ =	swait.ge [sflag:s6], $0x50  }
0xb0: {  	[sflag:s6] =	ssyncset.done $0x0  }
.Ltmp2:
0xb1: {  	[sflag:s6] =	ssyncadd.s32 $0xFFFFFFB0;
	(pc) =	sbr.rel .LBB2_2-.Ltmp2, $4  }
0xb2: {  	_ =	swait.ge [sflag:s6], $0x50  }
0xb3: {  	[sflag:s6] =	ssyncset.done $0x0;
	s31 =	rddreg [dreg:$0x15]  }
0xb4: {  	s14 =	simm.s32 $0x0;
	s30 =	rddreg [dreg:$0x14];
	[sflag:s6] =	ssyncadd.s32 $0xFFFFFFB0  }
0xb5: {  	[tilespmem:s7], [sflag:$0x2] =	stream.indirect.gather [hbm4b:s17+s2], $0x80, s12, s2, $0xb8;
	[tilespmem:$0x1BA80] =	vst v63  }
.LBB2_3:
0xb6: {  	s3 =	sadd.s32 $0xFFFFFFFF, s14  }
0xb7: {  	s3 =	sand.u32 $0x3, s3  }
0xb8: {  	s12 =	smul.u32 $0x280, s3;
	_ =	sdelay $0x1  }
0xb9: {  	s3 =	sor.u32 $0x4, s3;
	s12 =	sshrl.u32 s12, $0x2  }
0xba: {  	[tilespmem:s12], [sflag:s3] =	stream.linear.gather [hbm4b:s30+s1], $0x50, $0x38;
	[tilespmem:$0x1BA80] =	vst v63  }
0xbb: {  	s12 =	sadd.s32 $0x50, s12  }
0xbc: {  	[tilespmem:s12], [sflag:s3] =	stream.linear.gather [hbm4b:s31+s1], $0x50, $0x38;
	[tilespmem:$0x1BA80] =	vst v63  }
.LBB2_5:
0xbd: {  	s3 =	sadd.s32 $0x2, s14  }
0xbe: {  	s12 =	smul.u32 $0xAB, s3;
	_ =	sdelay $0x1  }
0xbf: {  	s12 =	sshrl.u32 s12, $0x9  }
0xc0: {  	s12 =	sand.u32 $0x7F, s12  }
0xc1: {  	s13 =	sand.u32 $0x3, s3;
	s12 =	smul.u32 $0x3, s12  }
0xc2: {  	s15 =	sor.u32 $0x4, s13  }
0xc3: {  	_ =	swait.ge [sflag:s15], $0x50;
	s3 =	ssub.s32 s3, s12  }
0xc4: {  	s13 =	smul.u32 $0x280, s13;
	[sflag:s15] =	ssyncset.done $0x0;
	s3 =	sand.u32 $0xFF, s3  }
0xc5: {  	[sflag:s15] =	ssyncadd.s32 $0xFFFFFFB0;
	s21 =	smul.u32 $0xA000, s3  }
0xc6: {  	_ =	swait.ge [sflag:s15], $0x50  }
0xc7: {  	s13 =	sshrl.u32 s13, $0x2;
	[sflag:s15] =	ssyncset.done $0x0;
	s12 =	sshrl.u32 s21, $0x2  }
0xc8: {  	[sflag:s15] =	ssyncadd.s32 $0xFFFFFFB0;
	s3 =	sadd.s32 $0x1, s3;
	s12 =	sor.u32 $0x280, s12  }
0xc9: {  	[tilespmem:s12], [sflag:s3] =	stream.indirect.gather [hbm4b:s17+s2], $0x80, s13, s2, $0xb8;
	[tilespmem:$0x1BA80] =	vst v63  }
.LBB2_6:
0xca: {  	s14 =	sadd.s32 $0x1, s14  }
0xcb: {  	p0 =	sne.s32 s14, $0x7D  }
.Ltmp3:
0xcc: {  	_ = 	snop;
	(pc) =	sbr.rel @!p0 .LBB2_7-.Ltmp3, $2  }
0xcd: {  	_ =	sdelay $0x2  }
0xce: {  	s30 =	sadd.s32 $0xA, s30;
	s31 =	sadd.s32 $0xA, s31  }
.LBB2_2:
0xcf: {  	s15 =	smul.u32 $0xAB, s14;
	_ =	sdelay $0x1  }
0xd0: {  	s15 =	sshrl.u32 s15, $0x9  }
0xd1: {  	s15 =	sand.u32 $0x7F, s15  }
0xd2: {  	p0 =	seq.s32 s14, $0x0;
	s15 =	smul.u32 $0x3, s15  }
0xd3: {  	s19 =	sand.u32 $0x3, s14;
	s13 =	sadd.s32 @!p0 $0x2, s14  }
0xd4: {  	s19 =	smul.u32 $0x280, s19;
	s12 =	sand.u32 @!p0 $0xFF, s13;
	s15 =	ssub.s32 s14, s15  }
0xd5: {  	p1 =	sgt.u32 @!p0 s14, $0x79;
	s12 =	smul.u32 @!p0 $0xAB, s12;
	s15 =	sand.u32 $0xFF, s15  }
0xd6: {  	s19 =	sshrl.u32 s19, $0x2;
	s21 =	smul.u32 $0xA000, s15;
	s3 =	sadd.s32 $0x1, s15  }
0xd7: {  	s19 =	sadd.s32 $0x50, s19;
	s12 =	sshrl.u32 @!p0 s12, $0x9;
	_ =	swait.ge [sflag:s3], $0x2800  }
0xd8: {  	s12 =	smul.u32 @!p0 $0x3, s12;
	[sflag:s3] =	ssyncset.done $0x0;
	s21 =	sshrl.u32 s21, $0x2  }
0xd9: {  	s15 =	sor.u32 $0x8, s15;
	[sflag:s3] =	ssyncadd.s32 $0xFFFFD800;
	s3 =	sor.u32 $0x280, s21  }
0xda: {  	[spmem:s18] =	stream.indirect.scatter.add.f32 [tilespmem:s3], [sflag:s15], $0x80, s19, s2, $0xb8;
	[tilespmem:$0x1BA80] =	vst v63  }
0xdb: {  	p1 =	por p0, !p1;
	s3 =	ssub.s32 @!p0 s13, s12  }
.Ltmp4:
0xdc: {  	s3 =	sor.u32 @!p0 $0x8, s3;
	(pc) =	sbr.rel @p1 .LBB2_3-.Ltmp4, $4  }
0xdd: {  	s3 =	sand.u32 @!p0 $0xFF, s3  }
0xde: {  	_ =	swait.ge @!p0 [sflag:s3], $0x2800  }
0xdf: {  	[sflag:s3] =	ssyncset.done @!p0 $0x0  }
0xe0: {  	[sflag:s3] =	ssyncadd.s32 @!p0 $0xFFFFD800  }
0xe1: {  	p0 =	sne.s32 s14, $0x7A  }
.Ltmp5:
0xe2: {  	_ = 	snop;
	(pc) =	sbr.rel @p0 .LBB2_6-.Ltmp5, $4  }
.Ltmp6:
0xe3: {  	_ = 	snop;
	(pc) =	sbr.rel @!p0 .LBB2_5-.Ltmp6, $4  }
0xe4: {  	_ = 	snop  }
0xe5: {  	_ = 	snop  }
0xe6: {  	_ = 	snop  }
0xe7: {  	_ = 	snop  }
.LBB2_8:
0xe8: {  	_ =	sfence.sel $0x180000  }
0xe9: {  	[bflag:$0x0] =	sbarrier.arrive $0xFFFF  }
0xea: {  	_ =	strace $0x9000004A  }
0xeb: {  	s0 =	stileid.u32;
	[bflag:$0x2] =	sbarrier.arrive $0xFFFF  }
0xec: {  	p0 =	sne.s32 s0, $0x0;
	s0 =	rddreg [dreg:$0x3]  }
0xed: {  	s0 =	sadd.s32 @!p0 $0x100000, s0  }
0xee: {  	[sflag:s0] =	ssyncadd.tile.s32 @!p0 $0x1;
	_ =	shalt  }
.Lfunc_end2:
_tile_overlayer_lowered:
.L_overlay_start_2:
0xef: {  	(tag) =	ssettag $0x2  }
0xf0: {  	s0 =	rddreg [dreg:$0x0];
	s2 =	stileid.u32  }
0xf1: {  	s1 =	rddreg [dreg:$0x1];
	p0 =	sne.s32 s2, $0x0  }
0xf2: {  	s3 =	rddreg [dreg:$0x2];
	[bflag:$0x3] =	sbarrier.arrive $0xFFFF;
	s2 =	simm.s32 @!p0 $0x1C0B  }
0xf3: {  	[timem:s3], [sflag:s2] =	dma.local @!p0 [hbm:s0], s1  }
0xf4: {  	s0 =	simm.s32 @!p0 $0xB  }
0xf5: {  	_ =	swait.ge @!p0 [sflag:s0], s1  }
0xf6: {  	s1 =	ssub.s32 @!p0 $0x0, s1;
	[sflag:s0] =	ssyncset.done @!p0 $0x0  }
0xf7: {  	[sflag:s0] =	ssyncadd.s32 @!p0 s1  }
0xf8: {  	[bflag:$0x3] =	sbarrier.arrive $0xFFFF  }
0xf9: {  	_ =	shalt  }

// kernel: kernel.8.cloned.1.call-start
scs
__scs_entry_jumppad:
0x0: {  	(pc) =	sbr.rel $0x88, $3  }
0x1: {  	(tag) =	ssettag $0x0;
	lr =	simm.s32 $0x1  }
0x2: {  	[smem:$0x3F99] =	sst lr;
	_ =	strace $0xD0000000  }
0x3: {  	_ = 	snop  }
0x4: {  	_ = 	snop  }
0x5: {  	_ = 	snop  }
0x6: {  	_ = 	snop  }
0x7: {  	_ = 	snop  }
__scs_overlays_trampoline_lowered:
0x8: {  	[smem:$0x3FA8] =	sst s0  }
0x9: {  	[smem:$0x3FA9] =	sst s1  }
0xa: {  	[smem:$0x3FAA] =	sst s2  }
0xb: {  	[smem:$0x3FAB] =	sst s3  }
0xc: {  	[smem:$0x3FAC] =	sst s4  }
0xd: {  	[smem:$0x3FAD] =	sst s5  }
0xe: {  	[smem:$0x3FAE] =	sst s6  }
0xf: {  	[smem:$0x3FAF] =	sst s7  }
0x10: {  	[smem:$0x3FB0] =	sst s8  }
0x11: {  	[smem:$0x3FB1] =	sst s9;
	s0 =	simm.s32 @!p0 $0x0  }
0x12: {  	s1 =	sld [smem:$0x3F97];
	s0 =	simm.s32 @p0 $0x1  }
0x13: {  	[smem:$0x3FB2] =	sst s0;
	s0 =	simm.s32 @!p1 $0x0  }
0x14: {  	s2 =	sld [smem:$0x3F96];
	s0 =	simm.s32 @p1 $0x1  }
0x15: {  	[smem:$0x3FB3] =	sst s0;
	s0 =	simm.s32 @!p2 $0x0  }
0x16: {  	s3 =	sld [smem:$0x3FDB];
	s0 =	simm.s32 @p2 $0x1  }
0x17: {  	s4 =	simm.s32 $0x1BF5;
	[smem:$0x3FB5] =	sst s0  }
0x18: {  	s0 =	sld [smem:$0x3F98];
	_ =	swait.ge [sflag:s4], $0x0  }
0x19: {  	s7 =	sld [smem:$0x3F99]  }
0x1a: {  	s8 =	sadd.s32 $0xFFFFE003, lr  }
0x1b: {  	s9 =	sadd.s32 $0xFFFFFEF7, lr;
	s5 =	simm.s32 $0xFFFFFFFF;
	p2 =	slt.u32 s8, $0xFFFFF086  }
0x1c: {  	p1 =	slt.u32 s9, $0xF7A;
	s5 =	simm.s32 @!p2 $0x0  }
0x1d: {  	s5 =	simm.s32 @p1 $0x1;
	p0 =	seq.s32 s7, s2  }
0x1e: {  	s7 =	smul.u32 @!p0 $0xF7A, s2;
	p2 =	seq.s32 @!p0 s5, $0x0  }
0x1f: {  	s9 =	smul.u32 $0xF7A, s1;
	s8 =	simm.s32 @!p0 $0x1BF5;
	p2 =	por !p2, p0  }
0x20: {  	[sflag:s8] =	ssyncset.s32 @!p0 $0xFFFFF086;
	s6 =	sadd.s32 @!p0 s3, s7;
	s7 =	simm.s32 @!p0 $0x108  }
0x21: {  	s3 =	sadd.s32 s3, s9;
	s6 =	sadd.s32 @!p0 $0x88, s6;
	s7 =	simm.s32 @p2 $0x1082  }
0x22: {  	[simem:s7], [sflag:s8] =	dma.local @!p0 [hbm:s6], $0xF7A  }
0x23: {  	s9 =	sor.u32 $0xD0000000, s2;
	s6 =	simm.s32 $0x108;
	_ =	swait.ge @!p0 [sflag:s8], $0x0  }
0x24: {  	s3 =	sadd.s32 $0x88, s3;
	s6 =	simm.s32 @!p1 $0x1082;
	[sflag:s4] =	ssyncset.s32 $0xFFFFF086  }
0x25: {  	[simem:s6], [sflag:s4] =	dma.local [hbm:s3], $0xF7A  }
0x26: {  	[smem:$0x3F99] =	sst s1;
	(tag) =	ssettag s2;
	_ =	strace s9  }
0x27: {  	s1 =	sld [smem:$0x3FA9]  }
0x28: {  	s2 =	sld [smem:$0x3FAA]  }
0x29: {  	s4 =	sld [smem:$0x3FAC]  }
0x2a: {  	p0 =	seq.s32 s5, $0x0;
	s5 =	sld [smem:$0x3FAD]  }
0x2b: {  	s6 =	sld [smem:$0x3FAE]  }
0x2c: {  	s7 =	sld [smem:$0x3FAF]  }
0x2d: {  	s3 =	simm.s32 $0x108;
	s8 =	sld [smem:$0x3FB0]  }
0x2e: {  	s3 =	simm.s32 @!p0 $0x1082;
	s9 =	sld [smem:$0x3FB1]  }
0x2f: {  	lr =	sadd.s32 s0, s3;
	s0 =	sld [smem:$0x3FA8]  }
0x30: {  	s3 =	sld [smem:$0x3FAB]  }
0x31: {  	[smem:$0x3FB4] =	sst s10  }
0x32: {  	s10 =	sld [smem:$0x3FB2];
	_ =	sdelay $0x3  }
0x33: {  	p0 =	seq.s32 s10, $0x1;
	s10 =	sld [smem:$0x3FB4];
	_ =	sdelay $0x3  }
0x34: {  	[smem:$0x3FB4] =	sst s10  }
0x35: {  	s10 =	sld [smem:$0x3FB3];
	_ =	sdelay $0x3  }
0x36: {  	p1 =	seq.s32 s10, $0x1;
	s10 =	sld [smem:$0x3FB4];
	_ =	sdelay $0x3  }
0x37: {  	[smem:$0x3FB4] =	sst s10  }
0x38: {  	s10 =	sld [smem:$0x3FB5]  }
0x39: {  	_ = 	snop;
	(pc) =	sbr.ind lr, $3  }
0x3a: {  	_ = 	snop  }
0x3b: {  	_ = 	snop  }
0x3c: {  	p2 =	seq.s32 s10, $0x1;
	s10 =	sld [smem:$0x3FB4]  }
0x3d: {  	_ =	shalt  }
0x3e: {  	_ =	shalt  }
0x3f: {  	_ =	shalt  }
0x40: {  	_ =	shalt  }
0x41: {  	_ =	shalt  }
0x42: {  	_ =	shalt  }
0x43: {  	_ =	shalt  }
0x44: {  	_ =	shalt  }
0x45: {  	_ =	shalt  }
0x46: {  	_ =	shalt  }
0x47: {  	_ =	shalt  }
0x48: {  	_ =	shalt  }
0x49: {  	_ =	shalt  }
0x4a: {  	_ =	shalt  }
0x4b: {  	_ =	shalt  }
0x4c: {  	_ =	shalt  }
0x4d: {  	_ =	shalt  }
0x4e: {  	_ =	shalt  }
0x4f: {  	_ =	shalt  }
0x50: {  	_ =	shalt  }
0x51: {  	_ =	shalt  }
0x52: {  	_ =	shalt  }
0x53: {  	_ =	shalt  }
0x54: {  	_ =	shalt  }
0x55: {  	_ =	shalt  }
0x56: {  	_ =	shalt  }
0x57: {  	_ =	shalt  }
0x58: {  	_ =	shalt  }
0x59: {  	_ =	shalt  }
0x5a: {  	_ =	shalt  }
0x5b: {  	_ =	shalt  }
0x5c: {  	_ =	shalt  }
0x5d: {  	_ =	shalt  }
0x5e: {  	_ =	shalt  }
0x5f: {  	_ =	shalt  }
0x60: {  	_ =	shalt  }
0x61: {  	_ =	shalt  }
0x62: {  	_ =	shalt  }
0x63: {  	_ =	shalt  }
0x64: {  	_ =	shalt  }
0x65: {  	_ =	shalt  }
0x66: {  	_ =	shalt  }
0x67: {  	_ =	shalt  }
0x68: {  	_ =	shalt  }
0x69: {  	_ =	shalt  }
0x6a: {  	_ =	shalt  }
0x6b: {  	_ =	shalt  }
0x6c: {  	_ =	shalt  }
0x6d: {  	_ =	shalt  }
0x6e: {  	_ =	shalt  }
0x6f: {  	_ =	shalt  }
0x70: {  	_ =	shalt  }
0x71: {  	_ =	shalt  }
0x72: {  	_ =	shalt  }
0x73: {  	_ =	shalt  }
0x74: {  	_ =	shalt  }
0x75: {  	_ =	shalt  }
0x76: {  	_ =	shalt  }
0x77: {  	_ =	shalt  }
0x78: {  	_ =	shalt  }
0x79: {  	_ =	shalt  }
0x7a: {  	_ =	shalt  }
0x7b: {  	_ =	shalt  }
0x7c: {  	_ =	shalt  }
0x7d: {  	_ =	shalt  }
0x7e: {  	_ =	shalt  }
0x7f: {  	_ =	shalt  }
0x80: {  	_ =	shalt  }
0x81: {  	_ =	shalt  }
0x82: {  	_ =	shalt  }
0x83: {  	_ =	shalt  }
0x84: {  	_ =	shalt  }
0x85: {  	_ =	shalt  }
0x86: {  	_ =	shalt  }
0x87: {  	_ =	shalt  }
.Lfunc_end0:
.L_simem_size_0:
called_computation_lowered:
.L_overlay_start_0:
0x88: {  	s2 =	sld [smem:$0x3FD9]  }
0x89: {  	s3 =	sld [smem:$0x3FFE];
	_ =	sdelay $0x1  }
0x8a: {  	s1 =	srdreg.scid  }
0x8b: {  	s0 =	sand.u32 $0x1, s1  }
0x8c: {  	s17 =	sshll.u32 s0, $0xA;
	s2 =	sadd.s32 s3, s2  }
0x8d: {  	s2 =	sadd.s32 s2, s17  }
0x8e: {  	[smem:$0x3FC0] =	sst s2  }
0x8f: {  	_ = 	snop  }
0x90: {  	s2 =	sld [smem:$0x3FC9]  }
0x91: {  	s18 =	sld [smem:$0x3FD0];
	(tm) =	ssettm $0x1  }
0x92: {  	s4 =	sld [smem:$0x3FFB];
	_ =	sdelay $0x3  }
0x93: {  	_ =	strace s4  }
0x94: {  	s4 =	sld [smem:$0x3FFC];
	_ =	sdelay $0x3  }
0x95: {  	_ =	strace s4  }
0x96: {  	s4 =	sld [smem:$0x3FFD];
	_ =	sdelay $0x3  }
0x97: {  	_ =	strace s4  }
0x98: {  	_ =	strace $0x8FFFFFFF  }
0x99: {  	s19 =	sld [smem:$0x3FDB];
	_ =	sdelay $0x1  }
0x9a: {  	s5 =	simm.s32 $_scs_section_size  }
0x9b: {  	s6 =	simm.s32 $_size__tile_overlayer_lowered;
	s7 =	simm.s32 $_tile_overlayer_lowered  }
0x9c: {  	s22 =	simm.s32 $0x1BFF;
	s21 =	sshll.u32 s7, $0x1;
	s4 =	sadd.s32 s5, s19  }
0x9d: {  	s8 =	simm.s32 $0x0;
	s20 =	sshll.u32 s6, $0x1;
	s6 =	sadd.s32 s21, s4  }
0x9e: {  	[timem:s8], [sflag:s22] =	dma.local [hbm:s6], s20  }
0x9f: {  	_ =	swait.ge [sflag:s22], s20  }
0xa0: {  	s5 =	ssub.s32 $0x0, s20;
	[sflag:s22] =	ssyncset.done $0x0  }
0xa1: {  	[sflag:s22] =	ssyncadd.s32 s5;
	_ =	sdelay $0x1  }
0xa2: {  	s23 =	simm.s32 $0x1B8B  }
0xa3: {  	_ =	swait.ge [sflag:s23], $0x1  }
0xa4: {  	[sflag:s23] =	ssyncset.done $0x0  }
0xa5: {  	s25 =	simm.s32 $0x1B8E;
	s24 =	sld [smem:$0x3FFE];
	[sflag:s23] =	ssyncadd.s32 $0xFFFFFFFF  }
0xa6: {  	s26 =	simm.s32 $execute0_lowered;
	[smem:$0x3FD2] =	sst s25  }
0xa7: {  	s6 =	sshll.u32 s26, $0x1;
	_ =	strace $0x80000046;
	[dreg:$0x1] =	wrdreg $0xFFFFFFFF  }
0xa8: {  	s28 =	simm.s32 $_size_execute0_lowered;
	s4 =	sadd.s32 s4, s6;
	[dreg:$0x0] =	wrdreg $0x0  }
0xa9: {  	s6 =	sshll.u32 s28, $0x1;
	[dreg:$0x2] =	wrdreg s4  }
0xaa: {  	[dreg:$0x3] =	wrdreg s6  }
0xab: {  	[dreg:$0x4] =	wrdreg $0xC0  }
0xac: {  	_ =	task [dreg:s8], $0x5FFFF  }
0xad: {  	[dreg:$0x1] =	wrdreg $0xFFFFFFFF  }
0xae: {  	[dreg:$0x0] =	wrdreg $0x60  }
0xaf: {  	[dreg:$0x2] =	wrdreg s2  }
0xb0: {  	[dreg:$0x3] =	wrdreg s24  }
0xb1: {  	[dreg:$0x4] =	wrdreg s18  }
0xb2: {  	[dreg:$0x5] =	wrdreg $0x7A800  }
0xb3: {  	[dreg:$0x6] =	wrdreg $0x1D1000  }
0xb4: {  	[dreg:$0x7] =	wrdreg $0x9  }
0xb5: {  	_ =	task.clear_ibuf [dreg:s8], $0x8FFFF;
	_ =	strace $0x90000046  }
0xb6: {  	s29 =	simm.s32 $0x9;
	_ =	strace $0x80000048  }
0xb7: {  	_ =	swait.ge [sflag:s29], $0x1  }
0xb8: {  	[sflag:s29] =	ssyncadd.s32 $0xFFFFFFFF  }
0xb9: {  	_ =	strace $0x90000048  }
0xba: {  	_ =	sfence  }
0xbb: {  	s30 =	sld [smem:$0x0];
	_ =	sdelay $0x2  }
0xbc: {  	s31 =	sshll.u32 s1, $0xD;
	s1 =	sshrl.u32 s1, $0x2  }
0xbd: {  	s3 =	sand.u32 $0x4000, s31;
	s1 =	sadd.s32 s1, s30  }
0xbe: {  	s0 =	sor.u32 s3, s0;
	s1 =	sshll.u32 s1, $0x11  }
0xbf: {  	s0 =	sor.u32 s1, s0  }
0xc0: {  	s0 =	sadd.s32 $0x8F2B, s0  }
0xc1: {  	[sflag:s0] =	ssyncadd.remote.s32 $0x1  }
0xc2: {  	_ =	sfence.sel $0xFFFF  }
0xc3: {  	[dreg:$0x0] =	wrdreg $0xFFFFFFFF;
	(pc) =	sbr.abs _section_cstart, $3  }
0xc4: {  	[dreg:$0x1] =	wrdreg $0xFFFFFFFF  }
0xc5: {  	_ =	task.clear_ibuf [dreg:s8], $0x2FFFF;
	_ =	strace $0x9FFFFFFF  }
0xc6: {  	(tm) =	ssettm $0x7FFFFFFF  }
0xc7: {  	_ =	shalt  }
tec
execute0_lowered:
.L_overlay_start_1:
0x0: {  	(tag) =	ssettag $0x1  }
0x1: {  	s0 =	srdreg.scid;
	s25 =	stileid.u32  }
0x2: {  	s11 =	sand.u32 $0x1, s0;
	s0 =	smul.u32 $0x1400, s25  }
0x3: {  	s1 =	rddreg [dreg:$0x1];
	s9 =	smul.u32 $0x280, s25  }
0x4: {  	s5 =	rddreg [dreg:$0x2];
	s10 =	sadd.s32 $0x16600, s1;
	s19 =	smul.u32 $0x14000, s25  }
0x5: {  	s23 =	sshll.u32 s25, $0x1;
	s2 =	ssub.s32 $0x2, s11;
	s4 =	smul.u32 $0x14000, s11  }
0x6: {  	s17 =	sor.u32 s11, s23;
	s18 =	smul.u32 $0x140000, s11;
	s3 =	sshrl.u32 s2, $0x1  }
0x7: {  	s6 =	sor.u32 $0x50, s9;
	s7 =	sadd.s32 $0x1E0, s9;
	s8 =	ssub.s32 s2, s3  }
0x8: {  	s24 =	sadd.s32 s0, s4;
	s3 =	sadd.s32 $0xA0, s9;
	s12 =	sshll.u32 s6, $0x7  }
0x9: {  	s4 =	sadd.s32 $0xF0, s9;
	s19 =	sadd.s32 s18, s19;
	s26 =	sshrl.u32 s24, $0x3  }
0xa: {  	s13 =	sshll.u32 s3, $0x7;
	s16 =	sshll.u32 s4, $0x7;
	s20 =	sadd.s32 s18, s12  }
0xb: {  	s19 =	sshrl.u32 s19, $0x3;
	s2 =	sadd.s32 s5, s26;
	s5 =	sadd.s32 $0x140, s9  }
0xc: {  	s20 =	sshrl.u32 s20, $0x3;
	s19 =	sadd.s32 s10, s19;
	s30 =	sadd.s32 s18, s13  }
0xd: {  	s31 =	sadd.s32 s18, s16;
	[dreg:$0x6] =	wrdreg s2;
	s2 =	sadd.s32 $0x190, s9  }
0xe: {  	s14 =	sshll.u32 s5, $0x7;
	s9 =	sadd.s32 $0x230, s9;
	[dreg:$0x7] =	wrdreg s19  }
0xf: {  	s29 =	sadd.s32 s10, s20;
	s19 =	sshrl.u32 s30, $0x3;
	s22 =	sshrl.u32 s31, $0x3  }
0x10: {  	s30 =	smul.u32 $0x2710, s17;
	s20 =	sadd.s32 $0x2000, s1;
	s15 =	sshll.u32 s2, $0x7  }
0x11: {  	[dreg:$0x8] =	wrdreg s29;
	s21 =	sadd.s32 s18, s14;
	s19 =	sadd.s32 s10, s19  }
0x12: {  	[dreg:$0x9] =	wrdreg s19;
	s23 =	sshrl.u32 s21, $0x3;
	s19 =	sadd.s32 s10, s22  }
0x13: {  	s26 =	sadd.s32 s18, s15;
	s21 =	sshll.u32 s7, $0x7;
	s22 =	sshll.u32 s9, $0x7  }
0x14: {  	s31 =	sshrl.u32 s30, $0x3;
	[dreg:$0xa] =	wrdreg s19;
	s24 =	sadd.s32 s10, s23  }
0x15: {  	s19 =	sshrl.u32 s26, $0x3;
	s29 =	sadd.s32 s18, s21;
	s18 =	sadd.s32 s18, s22  }
0x16: {  	s23 =	sadd.s32 $0xA, s31;
	[dreg:$0xb] =	wrdreg s24;
	s19 =	sadd.s32 s10, s19  }
0x17: {  	s26 =	sadd.s32 s20, s23;
	[dreg:$0xc] =	wrdreg s19;
	s19 =	sshrl.u32 s29, $0x3  }
0x18: {  	s18 =	sshrl.u32 s18, $0x3;
	[dreg:$0x12] =	wrdreg s26;
	s19 =	sadd.s32 s10, s19  }
0x19: {  	s17 =	smul.u32 $0x4E2, s17;
	s10 =	sadd.s32 s10, s18;
	[dreg:$0xd] =	wrdreg s19  }
0x1a: {  	[dreg:$0xe] =	wrdreg s10;
	s10 =	simm.s32 $0x0;
	s19 =	sadd.s32 $0xBE00, s1  }
0x1b: {  	s30 =	smul.u32 $0x9C4, s25;
	[smem:$0x7FF] =	sst s10;
	s24 =	sadd.s32 s19, s17  }
0x1c: {  	s29 =	sadd.s32 $0x14, s31;
	s17 =	sadd.s32 s20, s17;
	[dreg:$0xf] =	wrdreg s24  }
0x1d: {  	s31 =	sadd.s32 s19, s29;
	[dreg:$0x10] =	wrdreg s17  }
0x1e: {  	s11 =	smul.u32 $0x4E2, s11;
	s18 =	sadd.s32 s30, s20;
	[dreg:$0x13] =	wrdreg s31  }
0x1f: {  	s24 =	sadd.s32 s19, s23;
	s17 =	sadd.s32 s20, s29;
	s20 =	rddreg [dreg:$0x4]  }
0x20: {  	s26 =	smul.u32 $0x50000, s25;
	[dreg:$0x11] =	wrdreg s24  }
0x21: {  	s6 =	sshll.u32 s6, $0x3;
	s3 =	sshll.u32 s3, $0x3;
	[dreg:$0x14] =	wrdreg s17  }
0x22: {  	s2 =	sshll.u32 s2, $0x3;
	s29 =	sshrl.u32 s26, $0x2;
	s17 =	rddreg [dreg:$0x0]  }
0x23: {  	s31 =	sadd.s32 $0x15E00, s1;
	s24 =	sadd.s32 s30, s19;
	s19 =	rddreg [dreg:$0x3]  }
0x24: {  	s30 =	sadd.s32 $0x16000, s1;
	s1 =	sadd.s32 $0x15C00, s1;
	s0 =	sadd.s32 s0, s20  }
0x25: {  	s6 =	sadd.s32 s6, s20;
	_ =	strace $0x80000047;
	[dreg:$0x15] =	wrdreg s30  }
0x26: {  	s3 =	sadd.s32 s3, s20;
	s2 =	sadd.s32 s2, s20;
	[dreg:$0x16] =	wrdreg s31  }
0x27: {  	s23 =	sadd.s32 s11, s24;
	s11 =	sadd.s32 s11, s18;
	[dreg:$0x17] =	wrdreg s1  }
0x28: {  	s24 =	sadd.s32 s29, s19;
	[dreg:$0x18] =	wrdreg s0;
	s18 =	smax.u32 s8, $0x1  }
0x29: {  	s12 =	sadd.s32 s12, s19;
	s28 =	sadd.s32 s13, s19;
	s26 =	sadd.s32 s16, s19  }
0x2a: {  	s29 =	smul.u32 $0x5000, s25;
	s30 =	sadd.s32 s14, s19;
	[dreg:$0x1d] =	wrdreg s6  }
0x2b: {  	s1 =	sadd.s32 s15, s19;
	s31 =	sadd.s32 s21, s19;
	[dreg:$0x1e] =	wrdreg s3  }
0x2c: {  	s14 =	sshll.u32 s4, $0x3;
	s15 =	sshll.u32 s5, $0x3;
	[smem:$0x7F9] =	sst s2  }
0x2d: {  	s21 =	sshll.u32 s7, $0x3;
	s25 =	sshll.u32 s9, $0x3;
	s13 =	simm.s32 $0x280  }
0x2e: {  	s2 =	simm.s32 $0x5;
	s4 =	simm.s32 $0x1;
	s5 =	simm.s32 $0x2  }
0x2f: {  	s6 =	simm.s32 $0x0;
	[dreg:$0x19] =	wrdreg s18;
	s18 =	sadd.s32 s22, s19  }
0x30: {  	s22 =	smov.u32 s31;
	s3 =	sadd.s32 s14, s20;
	s16 =	sadd.s32 s15, s20  }
0x31: {  	s9 =	smov.u32 s30;
	s30 =	sadd.s32 $0x1E, s23;
	[dreg:$0x1f] =	wrdreg s3  }
0x32: {  	s31 =	sadd.s32 $0x1E, s11;
	s11 =	smov.u32 s1;
	[smem:$0x7F8] =	sst s16  }
0x33: {  	s14 =	simm.s32 $0xB;
	s15 =	simm.s32 $0x1BA80;
	[smem:$0x7FC] =	sst s30  }
0x34: {  	s23 =	simm.s32 $0x8;
	s8 =	sshrl.u32 s29, $0x2;
	[smem:$0x7FD] =	sst s31  }
.Ltmp0:
0x35: {  	s29 =	sadd.s32 s25, s20;
	[dreg:$0x1a] =	wrdreg s22;
	(pc) =	sbr.rel .LBB2_1-.Ltmp0, $4  }
0x36: {  	s16 =	simm.s32 $0x1BD00;
	s25 =	simm.s32 $0x9;
	[dreg:$0x1b] =	wrdreg s18  }
0x37: {  	s3 =	simm.s32 $0x2A80;
	s8 =	sadd.s32 s8, s20;
	[smem:$0x7FB] =	sst s29  }
0x38: {  	[dreg:$0x1c] =	wrdreg s8;
	s8 =	smov.u32 s26;
	s26 =	sadd.s32 s21, s20  }
0x39: {  	s21 =	simm.s32 $0x50;
	[smem:$0x7FA] =	sst s26;
	s26 =	simm.s32 $0x4  }
.LBB2_7:
0x3a: {  	_ =	swait.ge [sflag:s25], $0x2800  }
0x3b: {  	[sflag:s25] =	ssyncset.done $0x0  }
0x3c: {  	[sflag:s25] =	ssyncadd.s32 $0xFFFFD800  }
0x3d: {  	[bflag:$0x0] =	sbarrier.arrive $0xFFFF  }
0x3e: {  	[tilespmem:s13], [sflag:$0x1] =	stream.linear.gather [spmem:s29], $0x2800, $0x38;
	[tilespmem:$0x1E500] =	vst v63  }
0x3f: {  	_ =	swait.ge [sflag:s4], $0x2800  }
0x40: {  	[sflag:s4] =	ssyncset.done $0x0  }
0x41: {  	s7 =	rddreg [dreg:$0x7];
	[sflag:s4] =	ssyncadd.s32 $0xFFFFD800  }
0x42: {  	[hbm4b:s7+s10] =	stream.linear.scatter [tilespmem:s13], [sflag:$0x8], $0x2800, $0x38;
	[tilespmem:$0x1E500] =	vst v63  }
0x43: {  	_ = 	snop  }
0x44: {  	[tilespmem:s3], [sflag:$0x2] =	stream.linear.gather [spmem:s30], $0x2800, $0x38;
	[tilespmem:$0x1E500] =	vst v63  }
0x45: {  	_ =	swait.ge [sflag:s5], $0x2800  }
0x46: {  	[sflag:s5] =	ssyncset.done $0x0  }
0x47: {  	s11 =	rddreg [dreg:$0x8];
	[sflag:s5] =	ssyncadd.s32 $0xFFFFD800  }
0x48: {  	[hbm4b:s11+s10] =	stream.linear.scatter [tilespmem:s3], [sflag:$0x9], $0x2800, $0x38;
	[tilespmem:$0x1E500] =	vst v63  }
0x49: {  	_ =	swait.ge [sflag:s23], $0x2800  }
0x4a: {  	[sflag:s23] =	ssyncset.done $0x0  }
0x4b: {  	[sflag:s23] =	ssyncadd.s32 $0xFFFFD800  }
0x4c: {  	[tilespmem:s13], [sflag:$0x1] =	stream.linear.gather [spmem:s31], $0x2800, $0x38;
	[tilespmem:$0x1E500] =	vst v63  }
0x4d: {  	_ =	swait.ge [sflag:s4], $0x2800  }
0x4e: {  	[sflag:s4] =	ssyncset.done $0x0  }
0x4f: {  	s22 =	rddreg [dreg:$0x9];
	[sflag:s4] =	ssyncadd.s32 $0xFFFFD800  }
0x50: {  	[hbm4b:s22+s10] =	stream.linear.scatter [tilespmem:s13], [sflag:$0x8], $0x2800, $0x38;
	[tilespmem:$0x1E500] =	vst v63  }
0x51: {  	_ =	swait.ge [sflag:s25], $0x2800  }
0x52: {  	[sflag:s25] =	ssyncset.done $0x0  }
0x53: {  	[sflag:s25] =	ssyncadd.s32 $0xFFFFD800  }
0x54: {  	[tilespmem:s3], [sflag:$0x2] =	stream.linear.gather [spmem:s18], $0x2800, $0x38;
	[tilespmem:$0x1E500] =	vst v63  }
0x55: {  	_ =	swait.ge [sflag:s5], $0x2800  }
0x56: {  	[sflag:s5] =	ssyncset.done $0x0  }
0x57: {  	s24 =	smov.u32 s29;
	s29 =	rddreg [dreg:$0xa];
	[sflag:s5] =	ssyncadd.s32 $0xFFFFD800  }
0x58: {  	[hbm4b:s29+s10] =	stream.linear.scatter [tilespmem:s3], [sflag:$0x9], $0x2800, $0x38;
	[tilespmem:$0x1E500] =	vst v63  }
0x59: {  	_ =	swait.ge [sflag:s23], $0x2800  }
0x5a: {  	[sflag:s23] =	ssyncset.done $0x0  }
0x5b: {  	[sflag:s23] =	ssyncadd.s32 $0xFFFFD800  }
0x5c: {  	[tilespmem:s13], [sflag:$0x1] =	stream.linear.gather [spmem:s0], $0x2800, $0x38;
	[tilespmem:$0x1E500] =	vst v63  }
0x5d: {  	_ =	swait.ge [sflag:s4], $0x2800  }
0x5e: {  	[sflag:s4] =	ssyncset.done $0x0  }
0x5f: {  	s12 =	smov.u32 s30;
	s30 =	rddreg [dreg:$0xb];
	[sflag:s4] =	ssyncadd.s32 $0xFFFFD800  }
0x60: {  	[hbm4b:s30+s10] =	stream.linear.scatter [tilespmem:s13], [sflag:$0x8], $0x2800, $0x38;
	[tilespmem:$0x1E500] =	vst v63  }
0x61: {  	_ =	swait.ge [sflag:s25], $0x2800  }
0x62: {  	[sflag:s25] =	ssyncset.done $0x0  }
0x63: {  	[sflag:s25] =	ssyncadd.s32 $0xFFFFD800  }
0x64: {  	[tilespmem:s3], [sflag:$0x2] =	stream.linear.gather [spmem:s1], $0x2800, $0x38;
	[tilespmem:$0x1E500] =	vst v63  }
0x65: {  	_ =	swait.ge [sflag:s5], $0x2800  }
0x66: {  	[sflag:s5] =	ssyncset.done $0x0  }
0x67: {  	s28 =	smov.u32 s31;
	s31 =	rddreg [dreg:$0xc];
	[sflag:s5] =	ssyncadd.s32 $0xFFFFD800  }
0x68: {  	[hbm4b:s31+s10] =	stream.linear.scatter [tilespmem:s3], [sflag:$0x9], $0x2800, $0x38;
	[tilespmem:$0x1E500] =	vst v63  }
0x69: {  	_ =	swait.ge [sflag:s23], $0x2800  }
0x6a: {  	[sflag:s23] =	ssyncset.done $0x0  }
0x6b: {  	s22 =	rddreg [dreg:$0x1a];
	[sflag:s23] =	ssyncadd.s32 $0xFFFFD800  }
0x6c: {  	[tilespmem:s13], [sflag:$0x1] =	stream.linear.gather [spmem:s22], $0x2800, $0x38;
	[tilespmem:$0x1E500] =	vst v63  }
0x6d: {  	_ =	swait.ge [sflag:s4], $0x2800  }
0x6e: {  	[sflag:s4] =	ssyncset.done $0x0  }
0x6f: {  	s9 =	smov.u32 s0;
	s0 =	rddreg [dreg:$0xd];
	[sflag:s4] =	ssyncadd.s32 $0xFFFFD800  }
0x70: {  	[hbm4b:s0+s10] =	stream.linear.scatter [tilespmem:s13], [sflag:$0x8], $0x2800, $0x38;
	[tilespmem:$0x1E500] =	vst v63  }
0x71: {  	_ =	swait.ge [sflag:s25], $0x2800  }
0x72: {  	[sflag:s25] =	ssyncset.done $0x0  }
0x73: {  	s8 =	smov.u32 s18;
	s18 =	rddreg [dreg:$0x1b];
	[sflag:s25] =	ssyncadd.s32 $0xFFFFD800  }
0x74: {  	[tilespmem:s3], [sflag:$0x2] =	stream.linear.gather [spmem:s18], $0x2800, $0x38;
	[tilespmem:$0x1E500] =	vst v63  }
0x75: {  	_ =	swait.ge [sflag:s5], $0x2800  }
0x76: {  	[sflag:s5] =	ssyncset.done $0x0  }
0x77: {  	s11 =	smov.u32 s1;
	s1 =	rddreg [dreg:$0xe];
	[sflag:s5] =	ssyncadd.s32 $0xFFFFD800  }
0x78: {  	[hbm4b:s1+s10] =	stream.linear.scatter [tilespmem:s3], [sflag:$0x9], $0x2800, $0x38;
	[tilespmem:$0x1E500] =	vst v63  }
0x79: {  	_ =	swait.ge [sflag:s23], $0x2800  }
0x7a: {  	[sflag:s23] =	ssyncset.done $0x0  }
0x7b: {  	[sflag:s23] =	ssyncadd.s32 $0xFFFFD800  }
0x7c: {  	_ =	swait.ge [sflag:s25], $0x2800  }
0x7d: {  	[sflag:s25] =	ssyncset.done $0x0  }
0x7e: {  	s29 =	rddreg [dreg:$0x18];
	[sflag:s25] =	ssyncadd.s32 $0xFFFFD800  }
0x7f: {  	[tilespmem:s16], [sflag:$0xB] =	stream.linear.gather [spmem:s29], $0x1400, $0x38;
	[tilespmem:$0x1E500] =	vst v63  }
0x80: {  	_ =	swait.ge [sflag:s14], $0x1400  }
0x81: {  	[sflag:s14] =	ssyncset.done $0x0  }
0x82: {  	s30 =	rddreg [dreg:$0x6];
	[sflag:s14] =	ssyncadd.s32 $0xFFFFEC00  }
0x83: {  	[hbm4b:s30+s10] =	stream.linear.scatter [tilespmem:s16], [sflag:$0xB], $0x1400, $0x38;
	[tilespmem:$0x1E500] =	vst v63  }
0x84: {  	_ =	swait.ge [sflag:s14], $0x1400  }
0x85: {  	s6 =	sadd.s32 $0x1, s6;
	s31 =	rddreg [dreg:$0x19]  }
0x86: {  	p0 =	sne.s32 s6, s31  }
.Ltmp1:
0x87: {  	_ = 	snop;
	(pc) =	sbr.rel @!p0 .LBB2_8-.Ltmp1, $3  }
0x88: {  	_ =	sdelay $0x1  }
0x89: {  	[sflag:s14] =	ssyncset.done $0x0  }
0x8a: {  	[sflag:s14] =	ssyncadd.s32 $0xFFFFEC00  }
.LBB2_1:
0x8b: {  	s7 =	rddreg [dreg:$0x15]  }
0x8c: {  	[tilespmem:s13], [sflag:$0xB] =	stream.linear.gather [hbm4b:s7+s10], $0x2800, $0x38;
	[tilespmem:$0x1E500] =	vst v63  }
0x8d: {  	_ =	swait.ge [sflag:s14], $0x2800  }
0x8e: {  	[sflag:s14] =	ssyncset.done $0x0  }
0x8f: {  	[sflag:s14] =	ssyncadd.s32 $0xFFFFD800  }
0x90: {  	[spmem:s24] =	stream.linear.scatter [tilespmem:s13], [sflag:$0x8], $0x2800, $0x38;
	[tilespmem:$0x1E500] =	vst v63  }
0x91: {  	_ = 	snop  }
0x92: {  	[spmem:s12] =	stream.linear.scatter [tilespmem:s13], [sflag:$0x8], $0x2800, $0x38;
	[tilespmem:$0x1E500] =	vst v63  }
0x93: {  	_ = 	snop  }
0x94: {  	[spmem:s28] =	stream.linear.scatter [tilespmem:s13], [sflag:$0x8], $0x2800, $0x38;
	[tilespmem:$0x1E500] =	vst v63  }
0x95: {  	_ = 	snop  }
0x96: {  	[spmem:s8] =	stream.linear.scatter [tilespmem:s13], [sflag:$0x8], $0x2800, $0x38;
	[tilespmem:$0x1E500] =	vst v63  }
0x97: {  	_ = 	snop  }
0x98: {  	[spmem:s9] =	stream.linear.scatter [tilespmem:s13], [sflag:$0x8], $0x2800, $0x38;
	[tilespmem:$0x1E500] =	vst v63  }
0x99: {  	_ = 	snop  }
0x9a: {  	[spmem:s11] =	stream.linear.scatter [tilespmem:s13], [sflag:$0x8], $0x2800, $0x38;
	[tilespmem:$0x1E500] =	vst v63  }
0x9b: {  	_ = 	snop  }
0x9c: {  	[spmem:s22] =	stream.linear.scatter [tilespmem:s13], [sflag:$0x8], $0x2800, $0x38;
	[tilespmem:$0x1E500] =	vst v63  }
0x9d: {  	s31 =	smov.u32 s28;
	s28 =	smov.u32 s18  }
0x9e: {  	[spmem:s28] =	stream.linear.scatter [tilespmem:s13], [sflag:$0x8], $0x2800, $0x38;
	[tilespmem:$0x1E500] =	vst v63  }
0x9f: {  	s0 =	smov.u32 s9;
	s9 =	rddreg [dreg:$0x17]  }
0xa0: {  	[tilespmem:s15], [sflag:$0xB] =	stream.linear.gather [hbm4b:s9+s10], $0x280, $0x38;
	[tilespmem:$0x1E500] =	vst v63  }
0xa1: {  	_ =	swait.ge [sflag:s14], $0x280  }
0xa2: {  	[sflag:s14] =	ssyncset.done $0x0  }
0xa3: {  	s1 =	smov.u32 s11;
	s11 =	rddreg [dreg:$0x16];
	[sflag:s14] =	ssyncadd.s32 $0xFFFFFD80  }
0xa4: {  	[tilespmem:s16], [sflag:$0xB] =	stream.linear.gather [hbm4b:s11+s10], $0x280, $0x38;
	[tilespmem:$0x1E500] =	vst v63  }
0xa5: {  	_ =	swait.ge [sflag:s14], $0x280  }
0xa6: {  	s30 =	smov.u32 s12;
	[sflag:s14] =	ssyncset.done $0x0;
	s12 =	rddreg [dreg:$0x1c]  }
0xa7: {  	s22 =	rddreg [dreg:$0x1d];
	[sflag:s14] =	ssyncadd.s32 $0xFFFFFD80  }
0xa8: {  	[spmem:s12] =	stream.linear.scatter [tilespmem:s16], [sflag:$0x9], $0x280, $0x38;
	[tilespmem:$0x1E500] =	vst v63  }
0xa9: {  	s29 =	smov.u32 s24;
	s24 =	rddreg [dreg:$0x1e]  }
0xaa: {  	[spmem:s22] =	stream.linear.scatter [tilespmem:s16], [sflag:$0x9], $0x280, $0x38;
	[tilespmem:$0x1E500] =	vst v63  }
0xab: {  	s28 =	rddreg [dreg:$0x1f]  }
0xac: {  	[spmem:s24] =	stream.linear.scatter [tilespmem:s16], [sflag:$0x9], $0x280, $0x38;
	[tilespmem:$0x1E500] =	vst v63  }
0xad: {  	s18 =	smov.u32 s8;
	s8 =	sld [smem:$0x7F8]  }
0xae: {  	[spmem:s28] =	stream.linear.scatter [tilespmem:s16], [sflag:$0x9], $0x280, $0x38;
	[tilespmem:$0x1E500] =	vst v63  }
0xaf: {  	s9 =	sld [smem:$0x7F9]  }
0xb0: {  	[spmem:s8] =	stream.linear.scatter [tilespmem:s16], [sflag:$0x9], $0x280, $0x38;
	[tilespmem:$0x1E500] =	vst v63  }
0xb1: {  	s11 =	sld [smem:$0x7FA]  }
0xb2: {  	[spmem:s9] =	stream.linear.scatter [tilespmem:s16], [sflag:$0x9], $0x280, $0x38;
	[tilespmem:$0x1E500] =	vst v63  }
0xb3: {  	s12 =	sld [smem:$0x7FB]  }
0xb4: {  	[spmem:s11] =	stream.linear.scatter [tilespmem:s16], [sflag:$0x9], $0x280, $0x38;
	[tilespmem:$0x1E500] =	vst v63  }
0xb5: {  	_ = 	snop  }
0xb6: {  	[spmem:s12] =	stream.linear.scatter [tilespmem:s16], [sflag:$0x9], $0x280, $0x38;
	[tilespmem:$0x1E500] =	vst v63  }
0xb7: {  	s22 =	rddreg [dreg:$0xf]  }
0xb8: {  	[tilespmem:s10], [sflag:$0x4] =	stream.linear.gather [hbm4b:s22+s10], $0x50, $0x38;
	[tilespmem:$0x1E500] =	vst v63  }
0xb9: {  	s24 =	rddreg [dreg:$0x10]  }
0xba: {  	[tilespmem:s21], [sflag:$0x4] =	stream.linear.gather [hbm4b:s24+s10], $0x50, $0x38;
	[tilespmem:$0x1E500] =	vst v63  }
0xbb: {  	s28 =	rddreg [dreg:$0x11];
	s8 =	simm.s32 $0xA0  }
0xbc: {  	[tilespmem:s8], [sflag:$0x5] =	stream.linear.gather [hbm4b:s28+s10], $0x50, $0x38;
	[tilespmem:$0x1E500] =	vst v63  }
0xbd: {  	s9 =	rddreg [dreg:$0x12];
	s11 =	simm.s32 $0xF0  }
0xbe: {  	[tilespmem:s11], [sflag:$0x5] =	stream.linear.gather [hbm4b:s9+s10], $0x50, $0x38;
	[tilespmem:$0x1E500] =	vst v63  }
0xbf: {  	s12 =	rddreg [dreg:$0x13];
	s22 =	simm.s32 $0x140  }
0xc0: {  	[tilespmem:s22], [sflag:$0x6] =	stream.linear.gather [hbm4b:s12+s10], $0x50, $0x38;
	[tilespmem:$0x1E500] =	vst v63  }
0xc1: {  	s24 =	rddreg [dreg:$0x14];
	s28 =	simm.s32 $0x190  }
0xc2: {  	[tilespmem:s28], [sflag:$0x6] =	stream.linear.gather [hbm4b:s24+s10], $0x50, $0x38;
	[tilespmem:$0x1E500] =	vst v63  }
0xc3: {  	_ =	swait.ge [sflag:s23], $0x2800  }
0xc4: {  	[sflag:s23] =	ssyncset.done $0x0  }
0xc5: {  	[sflag:s23] =	ssyncadd.s32 $0xFFFFD800  }
0xc6: {  	_ =	swait.ge [sflag:s23], $0x2800  }
0xc7: {  	[sflag:s23] =	ssyncset.done $0x0  }
0xc8: {  	[sflag:s23] =	ssyncadd.s32 $0xFFFFD800  }
0xc9: {  	_ =	swait.ge [sflag:s23], $0x2800  }
0xca: {  	[sflag:s23] =	ssyncset.done $0x0  }
0xcb: {  	[sflag:s23] =	ssyncadd.s32 $0xFFFFD800  }
0xcc: {  	_ =	swait.ge [sflag:s23], $0x2800  }
0xcd: {  	[sflag:s23] =	ssyncset.done $0x0  }
0xce: {  	[sflag:s23] =	ssyncadd.s32 $0xFFFFD800  }
0xcf: {  	_ =	swait.ge [sflag:s23], $0x2800  }
0xd0: {  	[sflag:s23] =	ssyncset.done $0x0  }
0xd1: {  	[sflag:s23] =	ssyncadd.s32 $0xFFFFD800  }
0xd2: {  	_ =	swait.ge [sflag:s23], $0x2800  }
0xd3: {  	[sflag:s23] =	ssyncset.done $0x0  }
0xd4: {  	[sflag:s23] =	ssyncadd.s32 $0xFFFFD800  }
0xd5: {  	_ =	swait.ge [sflag:s23], $0x2800  }
0xd6: {  	[sflag:s23] =	ssyncset.done $0x0  }
0xd7: {  	[sflag:s23] =	ssyncadd.s32 $0xFFFFD800  }
0xd8: {  	_ =	swait.ge [sflag:s23], $0x2800  }
0xd9: {  	[sflag:s23] =	ssyncset.done $0x0  }
0xda: {  	[sflag:s23] =	ssyncadd.s32 $0xFFFFD800  }
0xdb: {  	_ =	swait.ge [sflag:s25], $0x280  }
0xdc: {  	[sflag:s25] =	ssyncset.done $0x0  }
0xdd: {  	[sflag:s25] =	ssyncadd.s32 $0xFFFFFD80  }
0xde: {  	_ =	swait.ge [sflag:s25], $0x280  }
0xdf: {  	[sflag:s25] =	ssyncset.done $0x0  }
0xe0: {  	[sflag:s25] =	ssyncadd.s32 $0xFFFFFD80  }
0xe1: {  	_ =	swait.ge [sflag:s25], $0x280  }
0xe2: {  	[sflag:s25] =	ssyncset.done $0x0  }
0xe3: {  	[sflag:s25] =	ssyncadd.s32 $0xFFFFFD80  }
0xe4: {  	_ =	swait.ge [sflag:s25], $0x280  }
0xe5: {  	[sflag:s25] =	ssyncset.done $0x0  }
0xe6: {  	[sflag:s25] =	ssyncadd.s32 $0xFFFFFD80  }
0xe7: {  	_ =	swait.ge [sflag:s25], $0x280  }
0xe8: {  	[sflag:s25] =	ssyncset.done $0x0  }
0xe9: {  	[sflag:s25] =	ssyncadd.s32 $0xFFFFFD80  }
0xea: {  	_ =	swait.ge [sflag:s25], $0x280  }
0xeb: {  	[sflag:s25] =	ssyncset.done $0x0  }
0xec: {  	[sflag:s25] =	ssyncadd.s32 $0xFFFFFD80  }
0xed: {  	_ =	swait.ge [sflag:s25], $0x280  }
0xee: {  	[sflag:s25] =	ssyncset.done $0x0  }
0xef: {  	[sflag:s25] =	ssyncadd.s32 $0xFFFFFD80  }
0xf0: {  	_ =	swait.ge [sflag:s25], $0x280  }
0xf1: {  	[sflag:s25] =	ssyncset.done $0x0  }
0xf2: {  	[sflag:s25] =	ssyncadd.s32 $0xFFFFFD80  }
0xf3: {  	[bflag:$0x0] =	sbarrier.arrive $0xFFFF  }
0xf4: {  	_ =	swait.ge [sflag:s26], $0x50  }
0xf5: {  	[sflag:s26] =	ssyncset.done $0x0  }
0xf6: {  	[sflag:s26] =	ssyncadd.s32 $0xFFFFFFB0  }
0xf7: {  	_ =	swait.ge [sflag:s26], $0x50  }
0xf8: {  	[sflag:s26] =	ssyncset.done $0x0  }
0xf9: {  	[sflag:s26] =	ssyncadd.s32 $0xFFFFFFB0  }
0xfa: {  	[tilespmem:s13], [sflag:$0x1] =	stream.indirect.gather [hbm4b:s17+s21], $0x80, s10, s21, $0xb8;
	[tilespmem:$0x1E500] =	vst v63  }
0xfb: {  	_ =	swait.ge [sflag:s2], $0x50  }
0xfc: {  	[sflag:s2] =	ssyncset.done $0x0  }
.Ltmp2:
0xfd: {  	[sflag:s2] =	ssyncadd.s32 $0xFFFFFFB0;
	(pc) =	sbr.rel .LBB2_2-.Ltmp2, $4  }
0xfe: {  	_ =	swait.ge [sflag:s2], $0x50  }
0xff: {  	[sflag:s2] =	ssyncset.done $0x0;
	s12 =	sld [smem:$0x7FD]  }
0x100: {  	s9 =	simm.s32 $0x0;
	s11 =	sld [smem:$0x7FC];
	[sflag:s2] =	ssyncadd.s32 $0xFFFFFFB0  }
0x101: {  	[tilespmem:s3], [sflag:$0x2] =	stream.indirect.gather [hbm4b:s17+s21], $0x80, s8, s21, $0xb8;
	[tilespmem:$0x1E500] =	vst v63  }
.LBB2_3:
0x102: {  	s7 =	sadd.s32 $0xFFFFFFFF, s9  }
0x103: {  	s7 =	sand.u32 $0x3, s7  }
0x104: {  	s8 =	smul.u32 $0x280, s7;
	_ =	sdelay $0x1  }
0x105: {  	s7 =	sor.u32 $0x4, s7;
	s8 =	sshrl.u32 s8, $0x2  }
0x106: {  	[tilespmem:s8], [sflag:s7] =	stream.linear.gather [hbm4b:s11+s10], $0x50, $0x38;
	[tilespmem:$0x1E500] =	vst v63  }
0x107: {  	s8 =	sadd.s32 $0x50, s8  }
0x108: {  	[tilespmem:s8], [sflag:s7] =	stream.linear.gather [hbm4b:s12+s10], $0x50, $0x38;
	[tilespmem:$0x1E500] =	vst v63  }
.LBB2_5:
0x109: {  	s7 =	sadd.s32 $0x2, s9  }
0x10a: {  	s8 =	smul.u32 $0xAB, s7;
	_ =	sdelay $0x1  }
0x10b: {  	s8 =	sshrl.u32 s8, $0x9  }
0x10c: {  	s8 =	sand.u32 $0x7F, s8  }
0x10d: {  	s22 =	sand.u32 $0x3, s7;
	s8 =	smul.u32 $0x3, s8  }
0x10e: {  	s24 =	sor.u32 $0x4, s22  }
0x10f: {  	_ =	swait.ge [sflag:s24], $0x50;
	s7 =	ssub.s32 s7, s8  }
0x110: {  	s22 =	smul.u32 $0x280, s22;
	[sflag:s24] =	ssyncset.done $0x0;
	s7 =	sand.u32 $0xFF, s7  }
0x111: {  	[sflag:s24] =	ssyncadd.s32 $0xFFFFFFB0;
	s28 =	smul.u32 $0xA000, s7  }
0x112: {  	_ =	swait.ge [sflag:s24], $0x50  }
0x113: {  	s22 =	sshrl.u32 s22, $0x2;
	[sflag:s24] =	ssyncset.done $0x0;
	s8 =	sshrl.u32 s28, $0x2  }
0x114: {  	[sflag:s24] =	ssyncadd.s32 $0xFFFFFFB0;
	s7 =	sadd.s32 $0x1, s7;
	s8 =	sor.u32 $0x280, s8  }
0x115: {  	[tilespmem:s8], [sflag:s7] =	stream.indirect.gather [hbm4b:s17+s21], $0x80, s22, s21, $0xb8;
	[tilespmem:$0x1E500] =	vst v63  }
.LBB2_6:
0x116: {  	s9 =	sadd.s32 $0x1, s9  }
0x117: {  	p0 =	sne.s32 s9, $0x7D  }
.Ltmp3:
0x118: {  	_ = 	snop;
	(pc) =	sbr.rel @!p0 .LBB2_7-.Ltmp3, $2  }
0x119: {  	_ =	sdelay $0x2  }
0x11a: {  	s11 =	sadd.s32 $0xA, s11;
	s12 =	sadd.s32 $0xA, s12  }
.LBB2_2:
0x11b: {  	s22 =	smul.u32 $0xAB, s9;
	_ =	sdelay $0x1  }
0x11c: {  	s22 =	sshrl.u32 s22, $0x9  }
0x11d: {  	s22 =	sand.u32 $0x7F, s22  }
0x11e: {  	s22 =	smul.u32 $0x3, s22;
	_ =	sdelay $0x1  }
0x11f: {  	s7 =	sand.u32 $0x3, s9;
	s22 =	ssub.s32 s9, s22  }
0x120: {  	s7 =	smul.u32 $0x280, s7;
	s22 =	sand.u32 $0xFF, s22  }
0x121: {  	p0 =	seq.s32 s9, $0x0;
	s24 =	sadd.s32 $0x1, s22  }
0x122: {  	s7 =	sshrl.u32 s7, $0x2;
	s8 =	smul.u32 $0xA000, s22;
	_ =	swait.ge [sflag:s24], $0x2800  }
0x123: {  	s28 =	sadd.s32 @!p0 $0x2, s9;
	s7 =	sadd.s32 $0x50, s7;
	[sflag:s24] =	ssyncset.done $0x0  }
0x124: {  	s8 =	sshrl.u32 s8, $0x2;
	[sflag:s24] =	ssyncadd.s32 $0xFFFFD800;
	s24 =	sand.u32 @!p0 $0xFF, s28  }
0x125: {  	s22 =	sor.u32 $0x8, s22;
	s8 =	sor.u32 $0x280, s8;
	s24 =	smul.u32 @!p0 $0xAB, s24  }
0x126: {  	[spmem:s19] =	stream.indirect.scatter.add.f32 [tilespmem:s8], [sflag:s22], $0x80, s7, s21, $0xb8;
	[tilespmem:$0x1E500] =	vst v63  }
0x127: {  	s8 =	sshrl.u32 @!p0 s24, $0x9  }
0x128: {  	p1 =	sgt.u32 @!p0 s9, $0x79;
	s8 =	smul.u32 @!p0 $0x3, s8  }
0x129: {  	[spmem:s20] =	stream.indirect.scatter.add.f32 [tilespmem:s15], [sflag:$0xB], $0x8, s7, s21, $0xb8;
	[tilespmem:$0x1E500] =	vst v63  }
0x12a: {  	p1 =	por p0, !p1;
	_ =	swait.ge [sflag:s14], $0x280;
	s7 =	ssub.s32 @!p0 s28, s8  }
.Ltmp4:
0x12b: {  	[sflag:s14] =	ssyncset.done $0x0;
	s7 =	sor.u32 @!p0 $0x8, s7;
	(pc) =	sbr.rel @p1 .LBB2_3-.Ltmp4, $4  }
0x12c: {  	[sflag:s14] =	ssyncadd.s32 $0xFFFFFD80;
	s7 =	sand.u32 @!p0 $0xFF, s7  }
0x12d: {  	_ =	swait.ge @!p0 [sflag:s7], $0x2800  }
0x12e: {  	[sflag:s7] =	ssyncset.done @!p0 $0x0  }
0x12f: {  	[sflag:s7] =	ssyncadd.s32 @!p0 $0xFFFFD800  }
0x130: {  	p0 =	sne.s32 s9, $0x7A  }
.Ltmp5:
0x131: {  	_ = 	snop;
	(pc) =	sbr.rel @p0 .LBB2_6-.Ltmp5, $4  }
.Ltmp6:
0x132: {  	_ = 	snop;
	(pc) =	sbr.rel @!p0 .LBB2_5-.Ltmp6, $4  }
0x133: {  	_ = 	snop  }
0x134: {  	_ = 	snop  }
0x135: {  	_ = 	snop  }
0x136: {  	_ = 	snop  }
.LBB2_8:
0x137: {  	_ =	sfence.sel $0x180000  }
0x138: {  	[bflag:$0x0] =	sbarrier.arrive $0xFFFF  }
0x139: {  	_ =	strace $0x90000047  }
0x13a: {  	s0 =	stileid.u32;
	[bflag:$0x2] =	sbarrier.arrive $0xFFFF  }
0x13b: {  	p0 =	sne.s32 s0, $0x0;
	s0 =	rddreg [dreg:$0x5]  }
0x13c: {  	s0 =	sadd.s32 @!p0 $0x100000, s0  }
0x13d: {  	[sflag:s0] =	ssyncadd.tile.s32 @!p0 $0x1;
	_ =	shalt  }
.Lfunc_end2:
_tile_overlayer_lowered:
.L_overlay_start_2:
0x13e: {  	(tag) =	ssettag $0x2  }
0x13f: {  	s0 =	rddreg [dreg:$0x0];
	s2 =	stileid.u32  }
0x140: {  	s1 =	rddreg [dreg:$0x1];
	p0 =	sne.s32 s2, $0x0  }
0x141: {  	s3 =	rddreg [dreg:$0x2];
	[bflag:$0x3] =	sbarrier.arrive $0xFFFF;
	s2 =	simm.s32 @!p0 $0x1C0B  }
0x142: {  	[timem:s3], [sflag:s2] =	dma.local @!p0 [hbm:s0], s1  }
0x143: {  	s0 =	simm.s32 @!p0 $0xB  }
0x144: {  	_ =	swait.ge @!p0 [sflag:s0], s1  }
0x145: {  	s1 =	ssub.s32 @!p0 $0x0, s1;
	[sflag:s0] =	ssyncset.done @!p0 $0x0  }
0x146: {  	[sflag:s0] =	ssyncadd.s32 @!p0 s1  }
0x147: {  	[bflag:$0x3] =	sbarrier.arrive $0xFFFF  }
0x148: {  	_ =	shalt  }

</sc_bundles>
